<compile_context>
chip_gen: v7x
topology: tpu7x:2x2x1
jax: 0.10.2.dev20260603
libtpu: 0.0.44.dev20260713+nightly
codegen_flags: <defaults>
</compile_context>

<pallas_src>
import functools

import jax
import jax.numpy as jnp
from jax import lax
from jax.experimental import pallas as pl
from jax.experimental.pallas import tpu as pltpu
from jax.experimental.pallas import tpu_sc as plsc

N = 10000
E = 320000
D = 128

NC = 2
NS = 16
NW = NC * NS
EP = E // NW
CB = 96
GC = 13
NG = 8
EPM = NG * GC * CB
TAIL_E = EP - EPM
NBUF = 3
RPT = 624
TAIL = N - NS * RPT

_mesh = plsc.VectorSubcoreMesh(core_axis_name="c", subcore_axis_name="s")


@functools.partial(
    pl.kernel,
    out_type=jax.ShapeDtypeStruct((NW, N), jnp.float32),
    mesh=_mesh,
    compiler_params=pltpu.CompilerParams(needs_layout_passes=False),
    scratch_types=[
        pltpu.VMEM((EP,), jnp.int32),
        pltpu.VMEM((N,), jnp.float32),
    ],
)
def _deg_kernel(ei_hbm, out_hbm, idx_v, hist_v):
    c = lax.axis_index("c")
    s = lax.axis_index("s")
    wid = s * NC + c
    pltpu.sync_copy(ei_hbm.at[1, wid], idx_v)

    zeros16 = jnp.zeros((16,), jnp.float32)

    @pl.loop(0, N // 16)
    def _(i):
        hist_v[pl.ds(i * 16, 16)] = zeros16

    ones16 = jnp.ones((16,), jnp.float32)

    @pl.loop(0, EP // 16)
    def _(j):
        idx = idx_v[pl.ds(j * 16, 16)]
        plsc.addupdate_scatter(hist_v, [idx], ones16)

    pltpu.sync_copy(hist_v, out_hbm.at[wid])


@functools.partial(
    pl.kernel,
    out_type=jax.ShapeDtypeStruct((NC, N, D), jnp.float32),
    mesh=_mesh,
    scratch_types=[
        pltpu.VMEM((2, GC, CB), jnp.int32),
        pltpu.VMEM((2, GC, CB), jnp.int32),
        pltpu.VMEM((1, TAIL_E), jnp.int32),
        pltpu.VMEM((1, TAIL_E), jnp.int32),
        pltpu.VMEM((NBUF, CB, D), jnp.float32),
        pltpu.VMEM_SHARED((N, D), jnp.float32),
        pltpu.SemaphoreType.DMA,
        pltpu.SemaphoreType.DMA,
        pltpu.SemaphoreType.DMA,
    ],
)
def _edge_kernel(y_hbm, ei_hbm, et_hbm, out_hbm,
                 src_v, dst_v, tsrc_v, tdst_v, rows_v, acc_s,
                 gsem, ssem, isem):
    c = lax.axis_index("c")
    s = lax.axis_index("s")
    wid = s * NC + c

    z16 = jnp.zeros((16,), jnp.float32)

    @pl.loop(0, CB)
    def _(r):
        for c16 in range(D // 16):
            rows_v[0, r, pl.ds(c16 * 16, 16)] = z16

    for k in range(RPT // CB):
        pltpu.sync_copy(rows_v.at[0], acc_s.at[pl.ds(s * RPT + k * CB, CB)])
    _rem = RPT - (RPT // CB) * CB
    pltpu.sync_copy(rows_v.at[0, pl.ds(0, _rem)],
                    acc_s.at[pl.ds(s * RPT + RPT - _rem, _rem)])

    @pl.when(s == NS - 1)
    def _():
        pltpu.sync_copy(rows_v.at[0, pl.ds(0, TAIL)],
                        acc_s.at[pl.ds(NS * RPT, TAIL)])

    plsc.subcore_barrier()

    pltpu.async_copy(ei_hbm.at[0, wid, 0], src_v.at[0], isem)
    pltpu.async_copy(ei_hbm.at[1, wid, 0], dst_v.at[0], isem)

    @pl.loop(0, NG)
    def _(g):
        b = g % 2
        pltpu.make_async_copy(ei_hbm.at[0, wid, 0], src_v.at[0], isem).wait()
        pltpu.make_async_copy(ei_hbm.at[1, wid, 0], dst_v.at[0], isem).wait()

        @pl.when(g + 1 < NG)
        def _():
            pltpu.async_copy(ei_hbm.at[0, wid, g + 1],
                             src_v.at[1 - b], isem)
            pltpu.async_copy(ei_hbm.at[1, wid, g + 1],
                             dst_v.at[1 - b], isem)

        for p in range(NBUF - 1):
            pltpu.async_copy(y_hbm.at[src_v.at[b, p]], rows_v.at[p], gsem)

        @pl.loop(0, GC)
        def _(i):
            nxt = i + NBUF - 1

            @pl.when(nxt < GC)
            def _():
                @pl.when(i >= 1)
                def _():
                    pltpu.make_async_copy(
                        rows_v.at[0], acc_s.at[dst_v.at[0, 0]],
                        ssem).wait()

                pltpu.async_copy(y_hbm.at[src_v.at[b, nxt]],
                                 rows_v.at[nxt % NBUF], gsem)

            pltpu.make_async_copy(y_hbm.at[src_v.at[b, i]],
                                  rows_v.at[i % NBUF], gsem).wait()
            pltpu.async_copy(rows_v.at[i % NBUF], acc_s.at[dst_v.at[b, i]],
                             ssem, add=True)

        for p in range(NBUF):
            pltpu.make_async_copy(rows_v.at[0], acc_s.at[dst_v.at[0, 0]],
                                  ssem).wait()

    pltpu.sync_copy(et_hbm.at[0, wid], tsrc_v)
    pltpu.sync_copy(et_hbm.at[1, wid], tdst_v)
    pltpu.async_copy(y_hbm.at[tsrc_v.at[0]],
                     rows_v.at[0, pl.ds(0, TAIL_E)], gsem).wait()
    pltpu.sync_copy(rows_v.at[0, pl.ds(0, TAIL_E)],
                    acc_s.at[tdst_v.at[0]], add=True)

    plsc.subcore_barrier()
    pltpu.sync_copy(acc_s.at[pl.ds(s * RPT, RPT)],
                    out_hbm.at[c, pl.ds(s * RPT, RPT)])

    @pl.when(s == NS - 1)
    def _():
        pltpu.sync_copy(acc_s.at[pl.ds(NS * RPT, TAIL)],
                        out_hbm.at[c, pl.ds(NS * RPT, TAIL)])


def _dinv_from_parts(parts):
    deg = jnp.sum(parts, axis=0) + 1.0
    return lax.rsqrt(jnp.maximum(deg, 1.0))


def _pre_body(x_ref, w_ref, parts_ref, y_ref):
    dinv = _dinv_from_parts(parts_ref[...])
    xw = jnp.dot(x_ref[...], w_ref[...], preferred_element_type=jnp.float32)
    y_ref[...] = xw * dinv[:, None]


def _mid_body(acc_ref, y_ref, parts_ref, b_ref, w_ref, y2_ref):
    dinv = _dinv_from_parts(parts_ref[...])[:, None]
    h = (acc_ref[0] + acc_ref[1] + y_ref[...]) * dinv + b_ref[...]
    h = jnp.maximum(h, 0.0)
    y2_ref[...] = jnp.dot(h, w_ref[...],
                          preferred_element_type=jnp.float32) * dinv


def _post_body(acc_ref, y_ref, parts_ref, b_ref, out_ref):
    dinv = _dinv_from_parts(parts_ref[...])[:, None]
    out_ref[...] = (acc_ref[0] + acc_ref[1] + y_ref[...]) * dinv + b_ref[...]


_f32 = jnp.float32
_tc_pre = pl.pallas_call(
    _pre_body, out_shape=jax.ShapeDtypeStruct((N, D), _f32))
_tc_mid = pl.pallas_call(
    _mid_body, out_shape=jax.ShapeDtypeStruct((N, D), _f32))
_tc_post = pl.pallas_call(
    _post_body, out_shape=jax.ShapeDtypeStruct((N, D), _f32))


def kernel(x, edge_index, W1, b1, W2, b2):
    ei_flat = edge_index.reshape(2, NW, EP)
    ei_main = ei_flat[:, :, :EPM].reshape(2, NW, NG, GC, CB)
    ei_tail = ei_flat[:, :, EPM:].reshape(2, NW, 1, TAIL_E)

    parts = _deg_kernel(ei_flat)
    y1 = _tc_pre(x, W1, parts)
    acc1 = _edge_kernel(y1, ei_main, ei_tail)
    y2 = _tc_mid(acc1, y1, parts, b1.reshape(1, D), W2)
    acc2 = _edge_kernel(y2, ei_main, ei_tail)
    return _tc_post(acc2, y2, parts, b2.reshape(1, D))

# --- scband reference (transcript-rebuilt; emitter-appended) ---
"""Pipeline reference for scband-gcnlink-predictor-65000035058075 (READ-ONLY COPY).

The authoritative reference and input builder live on the scoring server;
editing this copy changes nothing except your own understanding.
"""

import jax, jax.numpy as jnp
import numpy as np

N = 10000
E = 320000
D_IN = 128
D_OUT = 128


def setup_inputs(seed: int = 0) -> dict:
    key = jax.random.key(seed)
    k1, k2, k3, k4, k5, k6 = jax.random.split(key, 6)
    x = jax.random.normal(k1, (N, D_IN), dtype=jnp.float32)
    edge_index = jax.random.randint(k2, (2, E), 0, N)  # int32 on CPU jax; values in [0, N)
    W1 = jax.random.normal(k3, (D_IN, D_OUT), dtype=jnp.float32) * 0.05
    b1 = jnp.zeros((D_OUT,), dtype=jnp.float32)
    W2 = jax.random.normal(k4, (D_OUT, D_OUT), dtype=jnp.float32) * 0.05
    b2 = jnp.zeros((D_OUT,), dtype=jnp.float32)
    return {"x": x, "edge_index": edge_index, "W1": W1, "b1": b1, "W2": W2, "b2": b2}


def _gcn_conv(x, src, dst, W, b, num_nodes):
    # PyG GCNConv default: add self-loops, symmetric normalization D^-1/2 (A+I) D^-1/2 X W + b
    loop = jnp.arange(num_nodes, dtype=src.dtype)
    src_sl = jnp.concatenate([src, loop])
    dst_sl = jnp.concatenate([dst, loop])
    deg = jnp.zeros((num_nodes,), dtype=x.dtype).at[dst_sl].add(1.0)
    deg_inv_sqrt = jax.lax.rsqrt(jnp.maximum(deg, 1.0))  # deg >= 1 with self-loops
    norm = deg_inv_sqrt[src_sl] * deg_inv_sqrt[dst_sl]
    xw = x @ W
    msg = xw[src_sl] * norm[:, None]
    out = jnp.zeros((num_nodes, W.shape[1]), dtype=x.dtype).at[dst_sl].add(msg)
    return out + b


def reference(x, edge_index, W1, b1, W2, b2):
    src = edge_index[0]
    dst = edge_index[1]
    h = _gcn_conv(x, src, dst, W1, b1, N)
    h = jax.nn.relu(h)
    out = _gcn_conv(h, src, dst, W2, b2, N)
    return out

if __name__ == "__main__":
    import jax
    _d = setup_inputs()
    print(jax.jit(kernel)(*tuple(_d.values())))

</pallas_src>

<mosaic_0001>
#map = affine_map<(d0, d1) -> (0, 0)>
#map1 = affine_map<(d0, d1) -> (0, 0, 0, 0, 0)>
#map2 = affine_map<(d0, d1) -> (0, 0, 0, 0)>
#map3 = affine_map<(d0, d1) -> (0, 0, 0)>
module attributes {stable_mosaic.version = 14 : i64} {
  func.func @_edge_kernel(%arg0: i32, %arg1: i32, %arg2: memref<10000x128xf32, #tpu.memory_space<hbm>>, %arg3: memref<2x32x8x13x96xi32, #tpu.memory_space<hbm>>, %arg4: memref<2x32x1x16xi32, #tpu.memory_space<hbm>>, %arg5: memref<2x10000x128xf32, #tpu.memory_space<hbm>>, %arg6: memref<2x13x96xi32, #tpu.memory_space<vmem>>, %arg7: memref<2x13x96xi32, #tpu.memory_space<vmem>>, %arg8: memref<1x16xi32, #tpu.memory_space<vmem>>, %arg9: memref<1x16xi32, #tpu.memory_space<vmem>>, %arg10: memref<3x96x128xf32, #tpu.memory_space<vmem>>, %arg11: memref<10000x128xf32, #tpu.memory_space<vmem_shared>>, %arg12: memref<!tpu.dma_semaphore, #tpu.memory_space<semaphore_mem>>, %arg13: memref<!tpu.dma_semaphore, #tpu.memory_space<semaphore_mem>>, %arg14: memref<!tpu.dma_semaphore, #tpu.memory_space<semaphore_mem>>) attributes {dimension_semantics = [#tpu.dimension_semantics<core_parallel>, #tpu.dimension_semantics<subcore_parallel>], iteration_bounds = array<i64: 2, 16>, scalar_prefetch = 0 : i64, scratch_operands = 9 : i64, tpu.core_type = #tpu.core_type<sc_vector_subcore>, window_params = [{transform_indices = #map}, {transform_indices = #map1}, {transform_indices = #map2}, {transform_indices = #map3}]} {
    %mul3A = arith.constant 2 : i32
    %mul3A_0 = arith.muli %arg1, %mul3A : i32
    %add3A = arith.addi %mul3A_0, %arg0 : i32
    %broadcast_in_dim3A = arith.constant 0.000000e+00 : f32
    %broadcast_in_dim3A_1 = vector.broadcast %broadcast_in_dim3A : f32 to vector<16xf32>
    %scan3A = arith.constant 0 : i32
    %scan3A_2 = arith.constant 96 : i32
    %scan3A_3 = arith.addi %scan3A, %scan3A_2 : i32
    %scan3A_4 = arith.constant 1 : i32
    scf.for %scan3A_122 = %scan3A to %scan3A_3 step %scan3A_4  : i32 {
      %mul3A_123 = arith.constant 1 : i32
      %mul3A_124 = arith.muli %scan3A_122, %mul3A_123 : i32
      %add3A_125 = arith.constant 0 : i32
      %add3A_126 = arith.addi %add3A_125, %mul3A_124 : i32
      %swap3A = arith.constant 0 : i32
      %swap3A_127 = arith.index_cast %swap3A : i32 to index
      %swap3A_128 = arith.index_cast %add3A_126 : i32 to index
      %swap3A_129 = arith.constant 0 : index
      %swap3A_130 = tpu.vector_load %arg10[%swap3A_127, %swap3A_128, %swap3A_129] {strides = array<i32>} : memref<3x96x128xf32, #tpu.memory_space<vmem>>, vector<1x1x16xf32>,
      %swap3A_131 = vector.shape_cast %swap3A_130 : vector<1x1x16xf32> to vector<16xf32>
      %swap3A_132 = vector.shape_cast %broadcast_in_dim3A_1 : vector<16xf32> to vector<1x1x16xf32>
      tpu.vector_store %arg10[%swap3A_127, %swap3A_128, %swap3A_129], %swap3A_132 {strides = array<i32>} : memref<3x96x128xf32, #tpu.memory_space<vmem>>, vector<1x1x16xf32>,
      %swap3A_133 = arith.constant 0 : i32
      %swap3A_134 = arith.index_cast %swap3A_133 : i32 to index
      %swap3A_135 = arith.index_cast %add3A_126 : i32 to index
      %swap3A_136 = arith.constant 16 : index
      %swap3A_137 = tpu.vector_load %arg10[%swap3A_134, %swap3A_135, %swap3A_136] {strides = array<i32>} : memref<3x96x128xf32, #tpu.memory_space<vmem>>, vector<1x1x16xf32>,
      %swap3A_138 = vector.shape_cast %swap3A_137 : vector<1x1x16xf32> to vector<16xf32>
      %swap3A_139 = vector.shape_cast %broadcast_in_dim3A_1 : vector<16xf32> to vector<1x1x16xf32>
      tpu.vector_store %arg10[%swap3A_134, %swap3A_135, %swap3A_136], %swap3A_139 {strides = array<i32>} : memref<3x96x128xf32, #tpu.memory_space<vmem>>, vector<1x1x16xf32>,
      %swap3A_140 = arith.constant 0 : i32
      %swap3A_141 = arith.index_cast %swap3A_140 : i32 to index
      %swap3A_142 = arith.index_cast %add3A_126 : i32 to index
      %swap3A_143 = arith.constant 32 : index
      %swap3A_144 = tpu.vector_load %arg10[%swap3A_141, %swap3A_142, %swap3A_143] {strides = array<i32>} : memref<3x96x128xf32, #tpu.memory_space<vmem>>, vector<1x1x16xf32>,
      %swap3A_145 = vector.shape_cast %swap3A_144 : vector<1x1x16xf32> to vector<16xf32>
      %swap3A_146 = vector.shape_cast %broadcast_in_dim3A_1 : vector<16xf32> to vector<1x1x16xf32>
      tpu.vector_store %arg10[%swap3A_141, %swap3A_142, %swap3A_143], %swap3A_146 {strides = array<i32>} : memref<3x96x128xf32, #tpu.memory_space<vmem>>, vector<1x1x16xf32>,
      %swap3A_147 = arith.constant 0 : i32
      %swap3A_148 = arith.index_cast %swap3A_147 : i32 to index
      %swap3A_149 = arith.index_cast %add3A_126 : i32 to index
      %swap3A_150 = arith.constant 48 : index
      %swap3A_151 = tpu.vector_load %arg10[%swap3A_148, %swap3A_149, %swap3A_150] {strides = array<i32>} : memref<3x96x128xf32, #tpu.memory_space<vmem>>, vector<1x1x16xf32>,
      %swap3A_152 = vector.shape_cast %swap3A_151 : vector<1x1x16xf32> to vector<16xf32>
      %swap3A_153 = vector.shape_cast %broadcast_in_dim3A_1 : vector<16xf32> to vector<1x1x16xf32>
      tpu.vector_store %arg10[%swap3A_148, %swap3A_149, %swap3A_150], %swap3A_153 {strides = array<i32>} : memref<3x96x128xf32, #tpu.memory_space<vmem>>, vector<1x1x16xf32>,
      %swap3A_154 = arith.constant 0 : i32
      %swap3A_155 = arith.index_cast %swap3A_154 : i32 to index
      %swap3A_156 = arith.index_cast %add3A_126 : i32 to index
      %swap3A_157 = arith.constant 64 : index
      %swap3A_158 = tpu.vector_load %arg10[%swap3A_155, %swap3A_156, %swap3A_157] {strides = array<i32>} : memref<3x96x128xf32, #tpu.memory_space<vmem>>, vector<1x1x16xf32>,
      %swap3A_159 = vector.shape_cast %swap3A_158 : vector<1x1x16xf32> to vector<16xf32>
      %swap3A_160 = vector.shape_cast %broadcast_in_dim3A_1 : vector<16xf32> to vector<1x1x16xf32>
      tpu.vector_store %arg10[%swap3A_155, %swap3A_156, %swap3A_157], %swap3A_160 {strides = array<i32>} : memref<3x96x128xf32, #tpu.memory_space<vmem>>, vector<1x1x16xf32>,
      %swap3A_161 = arith.constant 0 : i32
      %swap3A_162 = arith.index_cast %swap3A_161 : i32 to index
      %swap3A_163 = arith.index_cast %add3A_126 : i32 to index
      %swap3A_164 = arith.constant 80 : index
      %swap3A_165 = tpu.vector_load %arg10[%swap3A_162, %swap3A_163, %swap3A_164] {strides = array<i32>} : memref<3x96x128xf32, #tpu.memory_space<vmem>>, vector<1x1x16xf32>,
      %swap3A_166 = vector.shape_cast %swap3A_165 : vector<1x1x16xf32> to vector<16xf32>
      %swap3A_167 = vector.shape_cast %broadcast_in_dim3A_1 : vector<16xf32> to vector<1x1x16xf32>
      tpu.vector_store %arg10[%swap3A_162, %swap3A_163, %swap3A_164], %swap3A_167 {strides = array<i32>} : memref<3x96x128xf32, #tpu.memory_space<vmem>>, vector<1x1x16xf32>,
      %swap3A_168 = arith.constant 0 : i32
      %swap3A_169 = arith.index_cast %swap3A_168 : i32 to index
      %swap3A_170 = arith.index_cast %add3A_126 : i32 to index
      %swap3A_171 = arith.constant 96 : index
      %swap3A_172 = tpu.vector_load %arg10[%swap3A_169, %swap3A_170, %swap3A_171] {strides = array<i32>} : memref<3x96x128xf32, #tpu.memory_space<vmem>>, vector<1x1x16xf32>,
      %swap3A_173 = vector.shape_cast %swap3A_172 : vector<1x1x16xf32> to vector<16xf32>
      %swap3A_174 = vector.shape_cast %broadcast_in_dim3A_1 : vector<16xf32> to vector<1x1x16xf32>
      tpu.vector_store %arg10[%swap3A_169, %swap3A_170, %swap3A_171], %swap3A_174 {strides = array<i32>} : memref<3x96x128xf32, #tpu.memory_space<vmem>>, vector<1x1x16xf32>,
      %swap3A_175 = arith.constant 0 : i32
      %swap3A_176 = arith.index_cast %swap3A_175 : i32 to index
      %swap3A_177 = arith.index_cast %add3A_126 : i32 to index
      %swap3A_178 = arith.constant 112 : index
      %swap3A_179 = tpu.vector_load %arg10[%swap3A_176, %swap3A_177, %swap3A_178] {strides = array<i32>} : memref<3x96x128xf32, #tpu.memory_space<vmem>>, vector<1x1x16xf32>,
      %swap3A_180 = vector.shape_cast %swap3A_179 : vector<1x1x16xf32> to vector<16xf32>
      %swap3A_181 = vector.shape_cast %broadcast_in_dim3A_1 : vector<16xf32> to vector<1x1x16xf32>
      tpu.vector_store %arg10[%swap3A_176, %swap3A_177, %swap3A_178], %swap3A_181 {strides = array<i32>} : memref<3x96x128xf32, #tpu.memory_space<vmem>>, vector<1x1x16xf32>,
    }
    %scan3A_5 = arith.constant 96 : i32
    %mul3A_6 = arith.constant 624 : i32
    %mul3A_7 = arith.muli %arg1, %mul3A_6 : i32
    %add3A_8 = arith.constant 0 : i32
    %add3A_9 = arith.addi %mul3A_7, %add3A_8 : i32
    %run_scoped3A = arith.constant 0 : i32
    "tpu.region"() ({
      %run_scoped3A_122 = tpu.sem_alloc : memref<!tpu.dma_semaphore, #tpu.memory_space<semaphore_mem>>
      %dma_start3A_123 = arith.constant 0 : i32
      %dma_start3A_124 = arith.constant 0 : i32
      %dma_start3A_125 = tpu.memref_slice %arg10[%run_scoped3A, %dma_start3A_123, %dma_start3A_124] : memref<3x96x128xf32, #tpu.memory_space<vmem>> -> memref<1x96x128xf32, #tpu.memory_space<vmem>>
      %dma_start3A_126 = tpu.memref_squeeze %dma_start3A_125 : memref<1x96x128xf32, #tpu.memory_space<vmem>> -> memref<96x128xf32, #tpu.memory_space<vmem>>
      %dma_start3A_127 = arith.constant 0 : i32
      %dma_start3A_128 = tpu.memref_slice %arg11[%add3A_9, %dma_start3A_127] : memref<10000x128xf32, #tpu.memory_space<vmem_shared>> -> memref<96x128xf32, #tpu.memory_space<vmem_shared>>
      %dma_start3A_129 = arith.constant 0 : i32
      %dma_start3A_130 = tpu.memref_slice %arg11[%add3A_9, %dma_start3A_129] : memref<10000x128xf32, #tpu.memory_space<vmem_shared>> -> memref<96x128xf32, #tpu.memory_space<vmem_shared>>
      %dma_start3A_131 = arith.constant 0 : i32
      %dma_start3A_132 = arith.constant 0 : i32
      %dma_start3A_133 = tpu.memref_slice %arg10[%run_scoped3A, %dma_start3A_131, %dma_start3A_132] : memref<3x96x128xf32, #tpu.memory_space<vmem>> -> memref<1x96x128xf32, #tpu.memory_space<vmem>>
      %dma_start3A_134 = tpu.memref_squeeze %dma_start3A_133 : memref<1x96x128xf32, #tpu.memory_space<vmem>> -> memref<96x128xf32, #tpu.memory_space<vmem>>
      tpu.enqueue_dma source(%dma_start3A_134 : memref<96x128xf32, #tpu.memory_space<vmem>>) target(%dma_start3A_130 : memref<96x128xf32, #tpu.memory_space<vmem_shared>>) target_semaphore(%run_scoped3A_122 : memref<!tpu.dma_semaphore, #tpu.memory_space<semaphore_mem>>)
      %dma_wait3A_135 = arith.constant 0 : i32
      %dma_wait3A_136 = arith.constant 0 : i32
      %dma_wait3A_137 = tpu.memref_slice %arg10[%run_scoped3A, %dma_wait3A_135, %dma_wait3A_136] : memref<3x96x128xf32, #tpu.memory_space<vmem>> -> memref<1x96x128xf32, #tpu.memory_space<vmem>>
      %dma_wait3A_138 = tpu.memref_squeeze %dma_wait3A_137 : memref<1x96x128xf32, #tpu.memory_space<vmem>> -> memref<96x128xf32, #tpu.memory_space<vmem>>
      %dma_wait3A_139 = arith.constant 0 : i32
      %dma_wait3A_140 = tpu.memref_slice %arg11[%add3A_9, %dma_wait3A_139] : memref<10000x128xf32, #tpu.memory_space<vmem_shared>> -> memref<96x128xf32, #tpu.memory_space<vmem_shared>>
      %dma_wait3A_141 = arith.constant 0 : i32
      %dma_wait3A_142 = tpu.memref_slice %arg11[%add3A_9, %dma_wait3A_141] : memref<10000x128xf32, #tpu.memory_space<vmem_shared>> -> memref<96x128xf32, #tpu.memory_space<vmem_shared>>
      %dma_wait3A_143 = arith.constant 0 : i32
      %dma_wait3A_144 = arith.constant 0 : i32
      %dma_wait3A_145 = tpu.memref_slice %arg10[%run_scoped3A, %dma_wait3A_143, %dma_wait3A_144] : memref<3x96x128xf32, #tpu.memory_space<vmem>> -> memref<1x96x128xf32, #tpu.memory_space<vmem>>
      %dma_wait3A_146 = tpu.memref_squeeze %dma_wait3A_145 : memref<1x96x128xf32, #tpu.memory_space<vmem>> -> memref<96x128xf32, #tpu.memory_space<vmem>>
      tpu.wait_dma2 semaphore(%run_scoped3A_122 : memref<!tpu.dma_semaphore, #tpu.memory_space<semaphore_mem>>) src(%dma_wait3A_146 : memref<96x128xf32, #tpu.memory_space<vmem>>) dst(%dma_wait3A_142 : memref<96x128xf32, #tpu.memory_space<vmem_shared>>)
      tpu.yield
    }) : () -> ()
    %mul3A_10 = arith.constant 624 : i32
    %mul3A_11 = arith.muli %arg1, %mul3A_10 : i32
    %add3A_12 = arith.constant 96 : i32
    %add3A_13 = arith.addi %mul3A_11, %add3A_12 : i32
    %run_scoped3A_14 = arith.constant 0 : i32
    "tpu.region"() ({
      %run_scoped3A_122 = tpu.sem_alloc : memref<!tpu.dma_semaphore, #tpu.memory_space<semaphore_mem>>
      %dma_start3A_123 = arith.constant 0 : i32
      %dma_start3A_124 = arith.constant 0 : i32
      %dma_start3A_125 = tpu.memref_slice %arg10[%run_scoped3A_14, %dma_start3A_123, %dma_start3A_124] : memref<3x96x128xf32, #tpu.memory_space<vmem>> -> memref<1x96x128xf32, #tpu.memory_space<vmem>>
      %dma_start3A_126 = tpu.memref_squeeze %dma_start3A_125 : memref<1x96x128xf32, #tpu.memory_space<vmem>> -> memref<96x128xf32, #tpu.memory_space<vmem>>
      %dma_start3A_127 = arith.constant 0 : i32
      %dma_start3A_128 = tpu.memref_slice %arg11[%add3A_13, %dma_start3A_127] : memref<10000x128xf32, #tpu.memory_space<vmem_shared>> -> memref<96x128xf32, #tpu.memory_space<vmem_shared>>
      %dma_start3A_129 = arith.constant 0 : i32
      %dma_start3A_130 = tpu.memref_slice %arg11[%add3A_13, %dma_start3A_129] : memref<10000x128xf32, #tpu.memory_space<vmem_shared>> -> memref<96x128xf32, #tpu.memory_space<vmem_shared>>
      %dma_start3A_131 = arith.constant 0 : i32
      %dma_start3A_132 = arith.constant 0 : i32
      %dma_start3A_133 = tpu.memref_slice %arg10[%run_scoped3A_14, %dma_start3A_131, %dma_start3A_132] : memref<3x96x128xf32, #tpu.memory_space<vmem>> -> memref<1x96x128xf32, #tpu.memory_space<vmem>>
      %dma_start3A_134 = tpu.memref_squeeze %dma_start3A_133 : memref<1x96x128xf32, #tpu.memory_space<vmem>> -> memref<96x128xf32, #tpu.memory_space<vmem>>
      tpu.enqueue_dma source(%dma_start3A_134 : memref<96x128xf32, #tpu.memory_space<vmem>>) target(%dma_start3A_130 : memref<96x128xf32, #tpu.memory_space<vmem_shared>>) target_semaphore(%run_scoped3A_122 : memref<!tpu.dma_semaphore, #tpu.memory_space<semaphore_mem>>)
      %dma_wait3A_135 = arith.constant 0 : i32
      %dma_wait3A_136 = arith.constant 0 : i32
      %dma_wait3A_137 = tpu.memref_slice %arg10[%run_scoped3A_14, %dma_wait3A_135, %dma_wait3A_136] : memref<3x96x128xf32, #tpu.memory_space<vmem>> -> memref<1x96x128xf32, #tpu.memory_space<vmem>>
      %dma_wait3A_138 = tpu.memref_squeeze %dma_wait3A_137 : memref<1x96x128xf32, #tpu.memory_space<vmem>> -> memref<96x128xf32, #tpu.memory_space<vmem>>
      %dma_wait3A_139 = arith.constant 0 : i32
      %dma_wait3A_140 = tpu.memref_slice %arg11[%add3A_13, %dma_wait3A_139] : memref<10000x128xf32, #tpu.memory_space<vmem_shared>> -> memref<96x128xf32, #tpu.memory_space<vmem_shared>>
      %dma_wait3A_141 = arith.constant 0 : i32
      %dma_wait3A_142 = tpu.memref_slice %arg11[%add3A_13, %dma_wait3A_141] : memref<10000x128xf32, #tpu.memory_space<vmem_shared>> -> memref<96x128xf32, #tpu.memory_space<vmem_shared>>
      %dma_wait3A_143 = arith.constant 0 : i32
      %dma_wait3A_144 = arith.constant 0 : i32
      %dma_wait3A_145 = tpu.memref_slice %arg10[%run_scoped3A_14, %dma_wait3A_143, %dma_wait3A_144] : memref<3x96x128xf32, #tpu.memory_space<vmem>> -> memref<1x96x128xf32, #tpu.memory_space<vmem>>
      %dma_wait3A_146 = tpu.memref_squeeze %dma_wait3A_145 : memref<1x96x128xf32, #tpu.memory_space<vmem>> -> memref<96x128xf32, #tpu.memory_space<vmem>>
      tpu.wait_dma2 semaphore(%run_scoped3A_122 : memref<!tpu.dma_semaphore, #tpu.memory_space<semaphore_mem>>) src(%dma_wait3A_146 : memref<96x128xf32, #tpu.memory_space<vmem>>) dst(%dma_wait3A_142 : memref<96x128xf32, #tpu.memory_space<vmem_shared>>)
      tpu.yield
    }) : () -> ()
    %mul3A_15 = arith.constant 624 : i32
    %mul3A_16 = arith.muli %arg1, %mul3A_15 : i32
    %add3A_17 = arith.constant 192 : i32
    %add3A_18 = arith.addi %mul3A_16, %add3A_17 : i32
    %run_scoped3A_19 = arith.constant 0 : i32
    "tpu.region"() ({
      %run_scoped3A_122 = tpu.sem_alloc : memref<!tpu.dma_semaphore, #tpu.memory_space<semaphore_mem>>
      %dma_start3A_123 = arith.constant 0 : i32
      %dma_start3A_124 = arith.constant 0 : i32
      %dma_start3A_125 = tpu.memref_slice %arg10[%run_scoped3A_19, %dma_start3A_123, %dma_start3A_124] : memref<3x96x128xf32, #tpu.memory_space<vmem>> -> memref<1x96x128xf32, #tpu.memory_space<vmem>>
      %dma_start3A_126 = tpu.memref_squeeze %dma_start3A_125 : memref<1x96x128xf32, #tpu.memory_space<vmem>> -> memref<96x128xf32, #tpu.memory_space<vmem>>
      %dma_start3A_127 = arith.constant 0 : i32
      %dma_start3A_128 = tpu.memref_slice %arg11[%add3A_18, %dma_start3A_127] : memref<10000x128xf32, #tpu.memory_space<vmem_shared>> -> memref<96x128xf32, #tpu.memory_space<vmem_shared>>
      %dma_start3A_129 = arith.constant 0 : i32
      %dma_start3A_130 = tpu.memref_slice %arg11[%add3A_18, %dma_start3A_129] : memref<10000x128xf32, #tpu.memory_space<vmem_shared>> -> memref<96x128xf32, #tpu.memory_space<vmem_shared>>
      %dma_start3A_131 = arith.constant 0 : i32
      %dma_start3A_132 = arith.constant 0 : i32
      %dma_start3A_133 = tpu.memref_slice %arg10[%run_scoped3A_19, %dma_start3A_131, %dma_start3A_132] : memref<3x96x128xf32, #tpu.memory_space<vmem>> -> memref<1x96x128xf32, #tpu.memory_space<vmem>>
      %dma_start3A_134 = tpu.memref_squeeze %dma_start3A_133 : memref<1x96x128xf32, #tpu.memory_space<vmem>> -> memref<96x128xf32, #tpu.memory_space<vmem>>
      tpu.enqueue_dma source(%dma_start3A_134 : memref<96x128xf32, #tpu.memory_space<vmem>>) target(%dma_start3A_130 : memref<96x128xf32, #tpu.memory_space<vmem_shared>>) target_semaphore(%run_scoped3A_122 : memref<!tpu.dma_semaphore, #tpu.memory_space<semaphore_mem>>)
      %dma_wait3A_135 = arith.constant 0 : i32
      %dma_wait3A_136 = arith.constant 0 : i32
      %dma_wait3A_137 = tpu.memref_slice %arg10[%run_scoped3A_19, %dma_wait3A_135, %dma_wait3A_136] : memref<3x96x128xf32, #tpu.memory_space<vmem>> -> memref<1x96x128xf32, #tpu.memory_space<vmem>>
      %dma_wait3A_138 = tpu.memref_squeeze %dma_wait3A_137 : memref<1x96x128xf32, #tpu.memory_space<vmem>> -> memref<96x128xf32, #tpu.memory_space<vmem>>
      %dma_wait3A_139 = arith.constant 0 : i32
      %dma_wait3A_140 = tpu.memref_slice %arg11[%add3A_18, %dma_wait3A_139] : memref<10000x128xf32, #tpu.memory_space<vmem_shared>> -> memref<96x128xf32, #tpu.memory_space<vmem_shared>>
      %dma_wait3A_141 = arith.constant 0 : i32
      %dma_wait3A_142 = tpu.memref_slice %arg11[%add3A_18, %dma_wait3A_141] : memref<10000x128xf32, #tpu.memory_space<vmem_shared>> -> memref<96x128xf32, #tpu.memory_space<vmem_shared>>
      %dma_wait3A_143 = arith.constant 0 : i32
      %dma_wait3A_144 = arith.constant 0 : i32
      %dma_wait3A_145 = tpu.memref_slice %arg10[%run_scoped3A_19, %dma_wait3A_143, %dma_wait3A_144] : memref<3x96x128xf32, #tpu.memory_space<vmem>> -> memref<1x96x128xf32, #tpu.memory_space<vmem>>
      %dma_wait3A_146 = tpu.memref_squeeze %dma_wait3A_145 : memref<1x96x128xf32, #tpu.memory_space<vmem>> -> memref<96x128xf32, #tpu.memory_space<vmem>>
      tpu.wait_dma2 semaphore(%run_scoped3A_122 : memref<!tpu.dma_semaphore, #tpu.memory_space<semaphore_mem>>) src(%dma_wait3A_146 : memref<96x128xf32, #tpu.memory_space<vmem>>) dst(%dma_wait3A_142 : memref<96x128xf32, #tpu.memory_space<vmem_shared>>)
      tpu.yield
    }) : () -> ()
    %mul3A_20 = arith.constant 624 : i32
    %mul3A_21 = arith.muli %arg1, %mul3A_20 : i32
    %add3A_22 = arith.constant 288 : i32
    %add3A_23 = arith.addi %mul3A_21, %add3A_22 : i32
    %run_scoped3A_24 = arith.constant 0 : i32
    "tpu.region"() ({
      %run_scoped3A_122 = tpu.sem_alloc : memref<!tpu.dma_semaphore, #tpu.memory_space<semaphore_mem>>
      %dma_start3A_123 = arith.constant 0 : i32
      %dma_start3A_124 = arith.constant 0 : i32
      %dma_start3A_125 = tpu.memref_slice %arg10[%run_scoped3A_24, %dma_start3A_123, %dma_start3A_124] : memref<3x96x128xf32, #tpu.memory_space<vmem>> -> memref<1x96x128xf32, #tpu.memory_space<vmem>>
      %dma_start3A_126 = tpu.memref_squeeze %dma_start3A_125 : memref<1x96x128xf32, #tpu.memory_space<vmem>> -> memref<96x128xf32, #tpu.memory_space<vmem>>
      %dma_start3A_127 = arith.constant 0 : i32
      %dma_start3A_128 = tpu.memref_slice %arg11[%add3A_23, %dma_start3A_127] : memref<10000x128xf32, #tpu.memory_space<vmem_shared>> -> memref<96x128xf32, #tpu.memory_space<vmem_shared>>
      %dma_start3A_129 = arith.constant 0 : i32
      %dma_start3A_130 = tpu.memref_slice %arg11[%add3A_23, %dma_start3A_129] : memref<10000x128xf32, #tpu.memory_space<vmem_shared>> -> memref<96x128xf32, #tpu.memory_space<vmem_shared>>
      %dma_start3A_131 = arith.constant 0 : i32
      %dma_start3A_132 = arith.constant 0 : i32
      %dma_start3A_133 = tpu.memref_slice %arg10[%run_scoped3A_24, %dma_start3A_131, %dma_start3A_132] : memref<3x96x128xf32, #tpu.memory_space<vmem>> -> memref<1x96x128xf32, #tpu.memory_space<vmem>>
      %dma_start3A_134 = tpu.memref_squeeze %dma_start3A_133 : memref<1x96x128xf32, #tpu.memory_space<vmem>> -> memref<96x128xf32, #tpu.memory_space<vmem>>
      tpu.enqueue_dma source(%dma_start3A_134 : memref<96x128xf32, #tpu.memory_space<vmem>>) target(%dma_start3A_130 : memref<96x128xf32, #tpu.memory_space<vmem_shared>>) target_semaphore(%run_scoped3A_122 : memref<!tpu.dma_semaphore, #tpu.memory_space<semaphore_mem>>)
      %dma_wait3A_135 = arith.constant 0 : i32
      %dma_wait3A_136 = arith.constant 0 : i32
      %dma_wait3A_137 = tpu.memref_slice %arg10[%run_scoped3A_24, %dma_wait3A_135, %dma_wait3A_136] : memref<3x96x128xf32, #tpu.memory_space<vmem>> -> memref<1x96x128xf32, #tpu.memory_space<vmem>>
      %dma_wait3A_138 = tpu.memref_squeeze %dma_wait3A_137 : memref<1x96x128xf32, #tpu.memory_space<vmem>> -> memref<96x128xf32, #tpu.memory_space<vmem>>
      %dma_wait3A_139 = arith.constant 0 : i32
      %dma_wait3A_140 = tpu.memref_slice %arg11[%add3A_23, %dma_wait3A_139] : memref<10000x128xf32, #tpu.memory_space<vmem_shared>> -> memref<96x128xf32, #tpu.memory_space<vmem_shared>>
      %dma_wait3A_141 = arith.constant 0 : i32
      %dma_wait3A_142 = tpu.memref_slice %arg11[%add3A_23, %dma_wait3A_141] : memref<10000x128xf32, #tpu.memory_space<vmem_shared>> -> memref<96x128xf32, #tpu.memory_space<vmem_shared>>
      %dma_wait3A_143 = arith.constant 0 : i32
      %dma_wait3A_144 = arith.constant 0 : i32
      %dma_wait3A_145 = tpu.memref_slice %arg10[%run_scoped3A_24, %dma_wait3A_143, %dma_wait3A_144] : memref<3x96x128xf32, #tpu.memory_space<vmem>> -> memref<1x96x128xf32, #tpu.memory_space<vmem>>
      %dma_wait3A_146 = tpu.memref_squeeze %dma_wait3A_145 : memref<1x96x128xf32, #tpu.memory_space<vmem>> -> memref<96x128xf32, #tpu.memory_space<vmem>>
      tpu.wait_dma2 semaphore(%run_scoped3A_122 : memref<!tpu.dma_semaphore, #tpu.memory_space<semaphore_mem>>) src(%dma_wait3A_146 : memref<96x128xf32, #tpu.memory_space<vmem>>) dst(%dma_wait3A_142 : memref<96x128xf32, #tpu.memory_space<vmem_shared>>)
      tpu.yield
    }) : () -> ()
    %mul3A_25 = arith.constant 624 : i32
    %mul3A_26 = arith.muli %arg1, %mul3A_25 : i32
    %add3A_27 = arith.constant 384 : i32
    %add3A_28 = arith.addi %mul3A_26, %add3A_27 : i32
    %run_scoped3A_29 = arith.constant 0 : i32
    "tpu.region"() ({
      %run_scoped3A_122 = tpu.sem_alloc : memref<!tpu.dma_semaphore, #tpu.memory_space<semaphore_mem>>
      %dma_start3A_123 = arith.constant 0 : i32
      %dma_start3A_124 = arith.constant 0 : i32
      %dma_start3A_125 = tpu.memref_slice %arg10[%run_scoped3A_29, %dma_start3A_123, %dma_start3A_124] : memref<3x96x128xf32, #tpu.memory_space<vmem>> -> memref<1x96x128xf32, #tpu.memory_space<vmem>>
      %dma_start3A_126 = tpu.memref_squeeze %dma_start3A_125 : memref<1x96x128xf32, #tpu.memory_space<vmem>> -> memref<96x128xf32, #tpu.memory_space<vmem>>
      %dma_start3A_127 = arith.constant 0 : i32
      %dma_start3A_128 = tpu.memref_slice %arg11[%add3A_28, %dma_start3A_127] : memref<10000x128xf32, #tpu.memory_space<vmem_shared>> -> memref<96x128xf32, #tpu.memory_space<vmem_shared>>
      %dma_start3A_129 = arith.constant 0 : i32
      %dma_start3A_130 = tpu.memref_slice %arg11[%add3A_28, %dma_start3A_129] : memref<10000x128xf32, #tpu.memory_space<vmem_shared>> -> memref<96x128xf32, #tpu.memory_space<vmem_shared>>
      %dma_start3A_131 = arith.constant 0 : i32
      %dma_start3A_132 = arith.constant 0 : i32
      %dma_start3A_133 = tpu.memref_slice %arg10[%run_scoped3A_29, %dma_start3A_131, %dma_start3A_132] : memref<3x96x128xf32, #tpu.memory_space<vmem>> -> memref<1x96x128xf32, #tpu.memory_space<vmem>>
      %dma_start3A_134 = tpu.memref_squeeze %dma_start3A_133 : memref<1x96x128xf32, #tpu.memory_space<vmem>> -> memref<96x128xf32, #tpu.memory_space<vmem>>
      tpu.enqueue_dma source(%dma_start3A_134 : memref<96x128xf32, #tpu.memory_space<vmem>>) target(%dma_start3A_130 : memref<96x128xf32, #tpu.memory_space<vmem_shared>>) target_semaphore(%run_scoped3A_122 : memref<!tpu.dma_semaphore, #tpu.memory_space<semaphore_mem>>)
      %dma_wait3A_135 = arith.constant 0 : i32
      %dma_wait3A_136 = arith.constant 0 : i32
      %dma_wait3A_137 = tpu.memref_slice %arg10[%run_scoped3A_29, %dma_wait3A_135, %dma_wait3A_136] : memref<3x96x128xf32, #tpu.memory_space<vmem>> -> memref<1x96x128xf32, #tpu.memory_space<vmem>>
      %dma_wait3A_138 = tpu.memref_squeeze %dma_wait3A_137 : memref<1x96x128xf32, #tpu.memory_space<vmem>> -> memref<96x128xf32, #tpu.memory_space<vmem>>
      %dma_wait3A_139 = arith.constant 0 : i32
      %dma_wait3A_140 = tpu.memref_slice %arg11[%add3A_28, %dma_wait3A_139] : memref<10000x128xf32, #tpu.memory_space<vmem_shared>> -> memref<96x128xf32, #tpu.memory_space<vmem_shared>>
      %dma_wait3A_141 = arith.constant 0 : i32
      %dma_wait3A_142 = tpu.memref_slice %arg11[%add3A_28, %dma_wait3A_141] : memref<10000x128xf32, #tpu.memory_space<vmem_shared>> -> memref<96x128xf32, #tpu.memory_space<vmem_shared>>
      %dma_wait3A_143 = arith.constant 0 : i32
      %dma_wait3A_144 = arith.constant 0 : i32
      %dma_wait3A_145 = tpu.memref_slice %arg10[%run_scoped3A_29, %dma_wait3A_143, %dma_wait3A_144] : memref<3x96x128xf32, #tpu.memory_space<vmem>> -> memref<1x96x128xf32, #tpu.memory_space<vmem>>
      %dma_wait3A_146 = tpu.memref_squeeze %dma_wait3A_145 : memref<1x96x128xf32, #tpu.memory_space<vmem>> -> memref<96x128xf32, #tpu.memory_space<vmem>>
      tpu.wait_dma2 semaphore(%run_scoped3A_122 : memref<!tpu.dma_semaphore, #tpu.memory_space<semaphore_mem>>) src(%dma_wait3A_146 : memref<96x128xf32, #tpu.memory_space<vmem>>) dst(%dma_wait3A_142 : memref<96x128xf32, #tpu.memory_space<vmem_shared>>)
      tpu.yield
    }) : () -> ()
    %mul3A_30 = arith.constant 624 : i32
    %mul3A_31 = arith.muli %arg1, %mul3A_30 : i32
    %add3A_32 = arith.constant 480 : i32
    %add3A_33 = arith.addi %mul3A_31, %add3A_32 : i32
    %run_scoped3A_34 = arith.constant 0 : i32
    "tpu.region"() ({
      %run_scoped3A_122 = tpu.sem_alloc : memref<!tpu.dma_semaphore, #tpu.memory_space<semaphore_mem>>
      %dma_start3A_123 = arith.constant 0 : i32
      %dma_start3A_124 = arith.constant 0 : i32
      %dma_start3A_125 = tpu.memref_slice %arg10[%run_scoped3A_34, %dma_start3A_123, %dma_start3A_124] : memref<3x96x128xf32, #tpu.memory_space<vmem>> -> memref<1x96x128xf32, #tpu.memory_space<vmem>>
      %dma_start3A_126 = tpu.memref_squeeze %dma_start3A_125 : memref<1x96x128xf32, #tpu.memory_space<vmem>> -> memref<96x128xf32, #tpu.memory_space<vmem>>
      %dma_start3A_127 = arith.constant 0 : i32
      %dma_start3A_128 = tpu.memref_slice %arg11[%add3A_33, %dma_start3A_127] : memref<10000x128xf32, #tpu.memory_space<vmem_shared>> -> memref<96x128xf32, #tpu.memory_space<vmem_shared>>
      %dma_start3A_129 = arith.constant 0 : i32
      %dma_start3A_130 = tpu.memref_slice %arg11[%add3A_33, %dma_start3A_129] : memref<10000x128xf32, #tpu.memory_space<vmem_shared>> -> memref<96x128xf32, #tpu.memory_space<vmem_shared>>
      %dma_start3A_131 = arith.constant 0 : i32
      %dma_start3A_132 = arith.constant 0 : i32
      %dma_start3A_133 = tpu.memref_slice %arg10[%run_scoped3A_34, %dma_start3A_131, %dma_start3A_132] : memref<3x96x128xf32, #tpu.memory_space<vmem>> -> memref<1x96x128xf32, #tpu.memory_space<vmem>>
      %dma_start3A_134 = tpu.memref_squeeze %dma_start3A_133 : memref<1x96x128xf32, #tpu.memory_space<vmem>> -> memref<96x128xf32, #tpu.memory_space<vmem>>
      tpu.enqueue_dma source(%dma_start3A_134 : memref<96x128xf32, #tpu.memory_space<vmem>>) target(%dma_start3A_130 : memref<96x128xf32, #tpu.memory_space<vmem_shared>>) target_semaphore(%run_scoped3A_122 : memref<!tpu.dma_semaphore, #tpu.memory_space<semaphore_mem>>)
      %dma_wait3A_135 = arith.constant 0 : i32
      %dma_wait3A_136 = arith.constant 0 : i32
      %dma_wait3A_137 = tpu.memref_slice %arg10[%run_scoped3A_34, %dma_wait3A_135, %dma_wait3A_136] : memref<3x96x128xf32, #tpu.memory_space<vmem>> -> memref<1x96x128xf32, #tpu.memory_space<vmem>>
      %dma_wait3A_138 = tpu.memref_squeeze %dma_wait3A_137 : memref<1x96x128xf32, #tpu.memory_space<vmem>> -> memref<96x128xf32, #tpu.memory_space<vmem>>
      %dma_wait3A_139 = arith.constant 0 : i32
      %dma_wait3A_140 = tpu.memref_slice %arg11[%add3A_33, %dma_wait3A_139] : memref<10000x128xf32, #tpu.memory_space<vmem_shared>> -> memref<96x128xf32, #tpu.memory_space<vmem_shared>>
      %dma_wait3A_141 = arith.constant 0 : i32
      %dma_wait3A_142 = tpu.memref_slice %arg11[%add3A_33, %dma_wait3A_141] : memref<10000x128xf32, #tpu.memory_space<vmem_shared>> -> memref<96x128xf32, #tpu.memory_space<vmem_shared>>
      %dma_wait3A_143 = arith.constant 0 : i32
      %dma_wait3A_144 = arith.constant 0 : i32
      %dma_wait3A_145 = tpu.memref_slice %arg10[%run_scoped3A_34, %dma_wait3A_143, %dma_wait3A_144] : memref<3x96x128xf32, #tpu.memory_space<vmem>> -> memref<1x96x128xf32, #tpu.memory_space<vmem>>
      %dma_wait3A_146 = tpu.memref_squeeze %dma_wait3A_145 : memref<1x96x128xf32, #tpu.memory_space<vmem>> -> memref<96x128xf32, #tpu.memory_space<vmem>>
      tpu.wait_dma2 semaphore(%run_scoped3A_122 : memref<!tpu.dma_semaphore, #tpu.memory_space<semaphore_mem>>) src(%dma_wait3A_146 : memref<96x128xf32, #tpu.memory_space<vmem>>) dst(%dma_wait3A_142 : memref<96x128xf32, #tpu.memory_space<vmem_shared>>)
      tpu.yield
    }) : () -> ()
    %mul3A_35 = arith.constant 624 : i32
    %mul3A_36 = arith.muli %arg1, %mul3A_35 : i32
    %add3A_37 = arith.constant 624 : i32
    %add3A_38 = arith.addi %mul3A_36, %add3A_37 : i32
    %sub3A = arith.constant 48 : i32
    %sub3A_39 = arith.subi %add3A_38, %sub3A : i32
    %run_scoped3A_40 = arith.constant 0 : i32
    "tpu.region"() ({
      %run_scoped3A_122 = tpu.sem_alloc : memref<!tpu.dma_semaphore, #tpu.memory_space<semaphore_mem>>
      %dma_start3A_123 = arith.constant 0 : i32
      %dma_start3A_124 = arith.constant 0 : i32
      %dma_start3A_125 = tpu.memref_slice %arg10[%run_scoped3A_40, %dma_start3A_123, %dma_start3A_124] : memref<3x96x128xf32, #tpu.memory_space<vmem>> -> memref<1x48x128xf32, #tpu.memory_space<vmem>>
      %dma_start3A_126 = tpu.memref_squeeze %dma_start3A_125 : memref<1x48x128xf32, #tpu.memory_space<vmem>> -> memref<48x128xf32, #tpu.memory_space<vmem>>
      %dma_start3A_127 = arith.constant 0 : i32
      %dma_start3A_128 = tpu.memref_slice %arg11[%sub3A_39, %dma_start3A_127] : memref<10000x128xf32, #tpu.memory_space<vmem_shared>> -> memref<48x128xf32, #tpu.memory_space<vmem_shared>>
      %dma_start3A_129 = arith.constant 0 : i32
      %dma_start3A_130 = tpu.memref_slice %arg11[%sub3A_39, %dma_start3A_129] : memref<10000x128xf32, #tpu.memory_space<vmem_shared>> -> memref<48x128xf32, #tpu.memory_space<vmem_shared>>
      %dma_start3A_131 = arith.constant 0 : i32
      %dma_start3A_132 = arith.constant 0 : i32
      %dma_start3A_133 = tpu.memref_slice %arg10[%run_scoped3A_40, %dma_start3A_131, %dma_start3A_132] : memref<3x96x128xf32, #tpu.memory_space<vmem>> -> memref<1x48x128xf32, #tpu.memory_space<vmem>>
      %dma_start3A_134 = tpu.memref_squeeze %dma_start3A_133 : memref<1x48x128xf32, #tpu.memory_space<vmem>> -> memref<48x128xf32, #tpu.memory_space<vmem>>
      tpu.enqueue_dma source(%dma_start3A_134 : memref<48x128xf32, #tpu.memory_space<vmem>>) target(%dma_start3A_130 : memref<48x128xf32, #tpu.memory_space<vmem_shared>>) target_semaphore(%run_scoped3A_122 : memref<!tpu.dma_semaphore, #tpu.memory_space<semaphore_mem>>)
      %dma_wait3A_135 = arith.constant 0 : i32
      %dma_wait3A_136 = arith.constant 0 : i32
      %dma_wait3A_137 = tpu.memref_slice %arg10[%run_scoped3A_40, %dma_wait3A_135, %dma_wait3A_136] : memref<3x96x128xf32, #tpu.memory_space<vmem>> -> memref<1x48x128xf32, #tpu.memory_space<vmem>>
      %dma_wait3A_138 = tpu.memref_squeeze %dma_wait3A_137 : memref<1x48x128xf32, #tpu.memory_space<vmem>> -> memref<48x128xf32, #tpu.memory_space<vmem>>
      %dma_wait3A_139 = arith.constant 0 : i32
      %dma_wait3A_140 = tpu.memref_slice %arg11[%sub3A_39, %dma_wait3A_139] : memref<10000x128xf32, #tpu.memory_space<vmem_shared>> -> memref<48x128xf32, #tpu.memory_space<vmem_shared>>
      %dma_wait3A_141 = arith.constant 0 : i32
      %dma_wait3A_142 = tpu.memref_slice %arg11[%sub3A_39, %dma_wait3A_141] : memref<10000x128xf32, #tpu.memory_space<vmem_shared>> -> memref<48x128xf32, #tpu.memory_space<vmem_shared>>
      %dma_wait3A_143 = arith.constant 0 : i32
      %dma_wait3A_144 = arith.constant 0 : i32
      %dma_wait3A_145 = tpu.memref_slice %arg10[%run_scoped3A_40, %dma_wait3A_143, %dma_wait3A_144] : memref<3x96x128xf32, #tpu.memory_space<vmem>> -> memref<1x48x128xf32, #tpu.memory_space<vmem>>
      %dma_wait3A_146 = tpu.memref_squeeze %dma_wait3A_145 : memref<1x48x128xf32, #tpu.memory_space<vmem>> -> memref<48x128xf32, #tpu.memory_space<vmem>>
      tpu.wait_dma2 semaphore(%run_scoped3A_122 : memref<!tpu.dma_semaphore, #tpu.memory_space<semaphore_mem>>) src(%dma_wait3A_146 : memref<48x128xf32, #tpu.memory_space<vmem>>) dst(%dma_wait3A_142 : memref<48x128xf32, #tpu.memory_space<vmem_shared>>)
      tpu.yield
    }) : () -> ()
    %eq3A = arith.constant 15 : i32
    %eq3A_41 = arith.cmpi eq, %arg1, %eq3A : i32
    %convert_element_type3A = arith.extui %eq3A_41 : i1 to i32
    %cond3A = arith.constant 0 : i32
    %cond3A_42 = arith.cmpi ne, %convert_element_type3A, %cond3A : i32
    scf.if %cond3A_42 {
      %run_scoped3A_122 = arith.constant 0 : i32
      "tpu.region"() ({
        %run_scoped3A_123 = tpu.sem_alloc : memref<!tpu.dma_semaphore, #tpu.memory_space<semaphore_mem>>
        %dma_start3A_124 = arith.constant 0 : i32
        %dma_start3A_125 = arith.constant 0 : i32
        %dma_start3A_126 = tpu.memref_slice %arg10[%run_scoped3A_122, %dma_start3A_124, %dma_start3A_125] : memref<3x96x128xf32, #tpu.memory_space<vmem>> -> memref<1x16x128xf32, #tpu.memory_space<vmem>>
        %dma_start3A_127 = tpu.memref_squeeze %dma_start3A_126 : memref<1x16x128xf32, #tpu.memory_space<vmem>> -> memref<16x128xf32, #tpu.memory_space<vmem>>
        %dma_start3A_128 = arith.constant 9984 : i32
        %dma_start3A_129 = arith.constant 0 : i32
        %dma_start3A_130 = tpu.memref_slice %arg11[%dma_start3A_128, %dma_start3A_129] : memref<10000x128xf32, #tpu.memory_space<vmem_shared>> -> memref<16x128xf32, #tpu.memory_space<vmem_shared>>
        %dma_start3A_131 = arith.constant 9984 : i32
        %dma_start3A_132 = arith.constant 0 : i32
        %dma_start3A_133 = tpu.memref_slice %arg11[%dma_start3A_131, %dma_start3A_132] : memref<10000x128xf32, #tpu.memory_space<vmem_shared>> -> memref<16x128xf32, #tpu.memory_space<vmem_shared>>
        %dma_start3A_134 = arith.constant 0 : i32
        %dma_start3A_135 = arith.constant 0 : i32
        %dma_start3A_136 = tpu.memref_slice %arg10[%run_scoped3A_122, %dma_start3A_134, %dma_start3A_135] : memref<3x96x128xf32, #tpu.memory_space<vmem>> -> memref<1x16x128xf32, #tpu.memory_space<vmem>>
        %dma_start3A_137 = tpu.memref_squeeze %dma_start3A_136 : memref<1x16x128xf32, #tpu.memory_space<vmem>> -> memref<16x128xf32, #tpu.memory_space<vmem>>
        tpu.enqueue_dma source(%dma_start3A_137 : memref<16x128xf32, #tpu.memory_space<vmem>>) target(%dma_start3A_133 : memref<16x128xf32, #tpu.memory_space<vmem_shared>>) target_semaphore(%run_scoped3A_123 : memref<!tpu.dma_semaphore, #tpu.memory_space<semaphore_mem>>)
        %dma_wait3A_138 = arith.constant 0 : i32
        %dma_wait3A_139 = arith.constant 0 : i32
        %dma_wait3A_140 = tpu.memref_slice %arg10[%run_scoped3A_122, %dma_wait3A_138, %dma_wait3A_139] : memref<3x96x128xf32, #tpu.memory_space<vmem>> -> memref<1x16x128xf32, #tpu.memory_space<vmem>>
        %dma_wait3A_141 = tpu.memref_squeeze %dma_wait3A_140 : memref<1x16x128xf32, #tpu.memory_space<vmem>> -> memref<16x128xf32, #tpu.memory_space<vmem>>
        %dma_wait3A_142 = arith.constant 9984 : i32
        %dma_wait3A_143 = arith.constant 0 : i32
        %dma_wait3A_144 = tpu.memref_slice %arg11[%dma_wait3A_142, %dma_wait3A_143] : memref<10000x128xf32, #tpu.memory_space<vmem_shared>> -> memref<16x128xf32, #tpu.memory_space<vmem_shared>>
        %dma_wait3A_145 = arith.constant 9984 : i32
        %dma_wait3A_146 = arith.constant 0 : i32
        %dma_wait3A_147 = tpu.memref_slice %arg11[%dma_wait3A_145, %dma_wait3A_146] : memref<10000x128xf32, #tpu.memory_space<vmem_shared>> -> memref<16x128xf32, #tpu.memory_space<vmem_shared>>
        %dma_wait3A_148 = arith.constant 0 : i32
        %dma_wait3A_149 = arith.constant 0 : i32
        %dma_wait3A_150 = tpu.memref_slice %arg10[%run_scoped3A_122, %dma_wait3A_148, %dma_wait3A_149] : memref<3x96x128xf32, #tpu.memory_space<vmem>> -> memref<1x16x128xf32, #tpu.memory_space<vmem>>
        %dma_wait3A_151 = tpu.memref_squeeze %dma_wait3A_150 : memref<1x16x128xf32, #tpu.memory_space<vmem>> -> memref<16x128xf32, #tpu.memory_space<vmem>>
        tpu.wait_dma2 semaphore(%run_scoped3A_123 : memref<!tpu.dma_semaphore, #tpu.memory_space<semaphore_mem>>) src(%dma_wait3A_151 : memref<16x128xf32, #tpu.memory_space<vmem>>) dst(%dma_wait3A_147 : memref<16x128xf32, #tpu.memory_space<vmem_shared>>)
        tpu.yield
      }) : () -> ()
    } else {
    }
    %barrier3A = arith.constant 0 : index
    tpu.barrier barrier_id(%barrier3A)
    %dma_start3A = arith.constant 0 : i32
    %dma_start3A_43 = arith.constant 0 : i32
    %dma_start3A_44 = arith.constant 0 : i32
    %dma_start3A_45 = arith.constant 0 : i32
    %dma_start3A_46 = arith.constant 0 : i32
    %dma_start3A_47 = tpu.memref_slice %arg6[%dma_start3A_44, %dma_start3A_45, %dma_start3A_46] : memref<2x13x96xi32, #tpu.memory_space<vmem>> -> memref<1x13x96xi32, #tpu.memory_space<vmem>>
    %dma_start3A_48 = tpu.memref_squeeze %dma_start3A_47 : memref<1x13x96xi32, #tpu.memory_space<vmem>> -> memref<13x96xi32, #tpu.memory_space<vmem>>
    %dma_start3A_49 = arith.constant 0 : i32
    %dma_start3A_50 = arith.constant 0 : i32
    %dma_start3A_51 = tpu.memref_slice %arg3[%dma_start3A, %add3A, %dma_start3A_43, %dma_start3A_49, %dma_start3A_50] : memref<2x32x8x13x96xi32, #tpu.memory_space<hbm>> -> memref<1x1x1x13x96xi32, #tpu.memory_space<hbm>>
    %dma_start3A_52 = tpu.memref_squeeze %dma_start3A_51 : memref<1x1x1x13x96xi32, #tpu.memory_space<hbm>> -> memref<13x96xi32, #tpu.memory_space<hbm>>
    %dma_start3A_53 = arith.constant 0 : i32
    %dma_start3A_54 = arith.constant 0 : i32
    %dma_start3A_55 = tpu.memref_slice %arg6[%dma_start3A_44, %dma_start3A_53, %dma_start3A_54] : memref<2x13x96xi32, #tpu.memory_space<vmem>> -> memref<1x13x96xi32, #tpu.memory_space<vmem>>
    %dma_start3A_56 = tpu.memref_squeeze %dma_start3A_55 : memref<1x13x96xi32, #tpu.memory_space<vmem>> -> memref<13x96xi32, #tpu.memory_space<vmem>>
    %dma_start3A_57 = arith.constant 0 : i32
    %dma_start3A_58 = arith.constant 0 : i32
    %dma_start3A_59 = tpu.memref_slice %arg3[%dma_start3A, %add3A, %dma_start3A_43, %dma_start3A_57, %dma_start3A_58] : memref<2x32x8x13x96xi32, #tpu.memory_space<hbm>> -> memref<1x1x1x13x96xi32, #tpu.memory_space<hbm>>
    %dma_start3A_60 = tpu.memref_squeeze %dma_start3A_59 : memref<1x1x1x13x96xi32, #tpu.memory_space<hbm>> -> memref<13x96xi32, #tpu.memory_space<hbm>>
    tpu.enqueue_dma source(%dma_start3A_60 : memref<13x96xi32, #tpu.memory_space<hbm>>) target(%dma_start3A_56 : memref<13x96xi32, #tpu.memory_space<vmem>>) target_semaphore(%arg14 : memref<!tpu.dma_semaphore, #tpu.memory_space<semaphore_mem>>)
    %dma_start3A_61 = arith.constant 1 : i32
    %dma_start3A_62 = arith.constant 0 : i32
    %dma_start3A_63 = arith.constant 0 : i32
    %dma_start3A_64 = arith.constant 0 : i32
    %dma_start3A_65 = arith.constant 0 : i32
    %dma_start3A_66 = tpu.memref_slice %arg7[%dma_start3A_63, %dma_start3A_64, %dma_start3A_65] : memref<2x13x96xi32, #tpu.memory_space<vmem>> -> memref<1x13x96xi32, #tpu.memory_space<vmem>>
    %dma_start3A_67 = tpu.memref_squeeze %dma_start3A_66 : memref<1x13x96xi32, #tpu.memory_space<vmem>> -> memref<13x96xi32, #tpu.memory_space<vmem>>
    %dma_start3A_68 = arith.constant 0 : i32
    %dma_start3A_69 = arith.constant 0 : i32
    %dma_start3A_70 = tpu.memref_slice %arg3[%dma_start3A_61, %add3A, %dma_start3A_62, %dma_start3A_68, %dma_start3A_69] : memref<2x32x8x13x96xi32, #tpu.memory_space<hbm>> -> memref<1x1x1x13x96xi32, #tpu.memory_space<hbm>>
    %dma_start3A_71 = tpu.memref_squeeze %dma_start3A_70 : memref<1x1x1x13x96xi32, #tpu.memory_space<hbm>> -> memref<13x96xi32, #tpu.memory_space<hbm>>
    %dma_start3A_72 = arith.constant 0 : i32
    %dma_start3A_73 = arith.constant 0 : i32
    %dma_start3A_74 = tpu.memref_slice %arg7[%dma_start3A_63, %dma_start3A_72, %dma_start3A_73] : memref<2x13x96xi32, #tpu.memory_space<vmem>> -> memref<1x13x96xi32, #tpu.memory_space<vmem>>
    %dma_start3A_75 = tpu.memref_squeeze %dma_start3A_74 : memref<1x13x96xi32, #tpu.memory_space<vmem>> -> memref<13x96xi32, #tpu.memory_space<vmem>>
    %dma_start3A_76 = arith.constant 0 : i32
    %dma_start3A_77 = arith.constant 0 : i32
    %dma_start3A_78 = tpu.memref_slice %arg3[%dma_start3A_61, %add3A, %dma_start3A_62, %dma_start3A_76, %dma_start3A_77] : memref<2x32x8x13x96xi32, #tpu.memory_space<hbm>> -> memref<1x1x1x13x96xi32, #tpu.memory_space<hbm>>
    %dma_start3A_79 = tpu.memref_squeeze %dma_start3A_78 : memref<1x1x1x13x96xi32, #tpu.memory_space<hbm>> -> memref<13x96xi32, #tpu.memory_space<hbm>>
    tpu.enqueue_dma source(%dma_start3A_79 : memref<13x96xi32, #tpu.memory_space<hbm>>) target(%dma_start3A_75 : memref<13x96xi32, #tpu.memory_space<vmem>>) target_semaphore(%arg14 : memref<!tpu.dma_semaphore, #tpu.memory_space<semaphore_mem>>)
    %scan3A_80 = arith.constant 0 : i32
    %scan3A_81 = arith.constant 8 : i32
    %scan3A_82 = arith.addi %scan3A_80, %scan3A_81 : i32
    %scan3A_83 = arith.constant 1 : i32
    scf.for %scan3A_122 = %scan3A_80 to %scan3A_82 step %scan3A_83  : i32 {
      %mul3A_123 = arith.constant 1 : i32
      %mul3A_124 = arith.muli %scan3A_122, %mul3A_123 : i32
      %add3A_125 = arith.constant 0 : i32
      %add3A_126 = arith.addi %add3A_125, %mul3A_124 : i32
      %jit3A = arith.constant 2 : i32
      %eq3A_127 = arith.constant 0 : i32
      %eq3A_128 = arith.cmpi eq, %jit3A, %eq3A_127 : i32
      %jit3A_129 = arith.constant 1 : i32
      %select_n3A = arith.select %eq3A_128, %jit3A_129, %jit3A : i32
      %rem3A = arith.remsi %add3A_126, %select_n3A : i32
      %ne3A = arith.constant 0 : i32
      %ne3A_130 = arith.cmpi ne, %rem3A, %ne3A : i32
      %lt3A = arith.constant 0 : i32
      %lt3A_131 = arith.cmpi slt, %rem3A, %lt3A : i32
      %lt3A_132 = arith.constant 0 : i32
      %lt3A_133 = arith.cmpi slt, %select_n3A, %lt3A_132 : i32
      %ne3A_134 = arith.xori %lt3A_131, %lt3A_133 : i1
      %and3A = arith.andi %ne3A_134, %ne3A_130 : i1
      %add3A_135 = arith.addi %rem3A, %select_n3A : i32
      %select_n3A_136 = arith.select %and3A, %add3A_135, %rem3A : i32
      %dma_wait3A_137 = arith.constant 0 : i32
      %dma_wait3A_138 = arith.constant 0 : i32
      %dma_wait3A_139 = arith.constant 0 : i32
      %dma_wait3A_140 = arith.constant 0 : i32
      %dma_wait3A_141 = arith.constant 0 : i32
      %dma_wait3A_142 = tpu.memref_slice %arg6[%dma_wait3A_139, %dma_wait3A_140, %dma_wait3A_141] : memref<2x13x96xi32, #tpu.memory_space<vmem>> -> memref<1x13x96xi32, #tpu.memory_space<vmem>>
      %dma_wait3A_143 = tpu.memref_squeeze %dma_wait3A_142 : memref<1x13x96xi32, #tpu.memory_space<vmem>> -> memref<13x96xi32, #tpu.memory_space<vmem>>
      %dma_wait3A_144 = arith.constant 0 : i32
      %dma_wait3A_145 = arith.constant 0 : i32
      %dma_wait3A_146 = tpu.memref_slice %arg3[%dma_wait3A_137, %add3A, %dma_wait3A_138, %dma_wait3A_144, %dma_wait3A_145] : memref<2x32x8x13x96xi32, #tpu.memory_space<hbm>> -> memref<1x1x1x13x96xi32, #tpu.memory_space<hbm>>
      %dma_wait3A_147 = tpu.memref_squeeze %dma_wait3A_146 : memref<1x1x1x13x96xi32, #tpu.memory_space<hbm>> -> memref<13x96xi32, #tpu.memory_space<hbm>>
      %dma_wait3A_148 = arith.constant 0 : i32
      %dma_wait3A_149 = arith.constant 0 : i32
      %dma_wait3A_150 = tpu.memref_slice %arg6[%dma_wait3A_139, %dma_wait3A_148, %dma_wait3A_149] : memref<2x13x96xi32, #tpu.memory_space<vmem>> -> memref<1x13x96xi32, #tpu.memory_space<vmem>>
      %dma_wait3A_151 = tpu.memref_squeeze %dma_wait3A_150 : memref<1x13x96xi32, #tpu.memory_space<vmem>> -> memref<13x96xi32, #tpu.memory_space<vmem>>
      %dma_wait3A_152 = arith.constant 0 : i32
      %dma_wait3A_153 = arith.constant 0 : i32
      %dma_wait3A_154 = tpu.memref_slice %arg3[%dma_wait3A_137, %add3A, %dma_wait3A_138, %dma_wait3A_152, %dma_wait3A_153] : memref<2x32x8x13x96xi32, #tpu.memory_space<hbm>> -> memref<1x1x1x13x96xi32, #tpu.memory_space<hbm>>
      %dma_wait3A_155 = tpu.memref_squeeze %dma_wait3A_154 : memref<1x1x1x13x96xi32, #tpu.memory_space<hbm>> -> memref<13x96xi32, #tpu.memory_space<hbm>>
      tpu.wait_dma2 semaphore(%arg14 : memref<!tpu.dma_semaphore, #tpu.memory_space<semaphore_mem>>) src(%dma_wait3A_155 : memref<13x96xi32, #tpu.memory_space<hbm>>) dst(%dma_wait3A_151 : memref<13x96xi32, #tpu.memory_space<vmem>>)
      %dma_wait3A_156 = arith.constant 1 : i32
      %dma_wait3A_157 = arith.constant 0 : i32
      %dma_wait3A_158 = arith.constant 0 : i32
      %dma_wait3A_159 = arith.constant 0 : i32
      %dma_wait3A_160 = arith.constant 0 : i32
      %dma_wait3A_161 = tpu.memref_slice %arg7[%dma_wait3A_158, %dma_wait3A_159, %dma_wait3A_160] : memref<2x13x96xi32, #tpu.memory_space<vmem>> -> memref<1x13x96xi32, #tpu.memory_space<vmem>>
      %dma_wait3A_162 = tpu.memref_squeeze %dma_wait3A_161 : memref<1x13x96xi32, #tpu.memory_space<vmem>> -> memref<13x96xi32, #tpu.memory_space<vmem>>
      %dma_wait3A_163 = arith.constant 0 : i32
      %dma_wait3A_164 = arith.constant 0 : i32
      %dma_wait3A_165 = tpu.memref_slice %arg3[%dma_wait3A_156, %add3A, %dma_wait3A_157, %dma_wait3A_163, %dma_wait3A_164] : memref<2x32x8x13x96xi32, #tpu.memory_space<hbm>> -> memref<1x1x1x13x96xi32, #tpu.memory_space<hbm>>
      %dma_wait3A_166 = tpu.memref_squeeze %dma_wait3A_165 : memref<1x1x1x13x96xi32, #tpu.memory_space<hbm>> -> memref<13x96xi32, #tpu.memory_space<hbm>>
      %dma_wait3A_167 = arith.constant 0 : i32
      %dma_wait3A_168 = arith.constant 0 : i32
      %dma_wait3A_169 = tpu.memref_slice %arg7[%dma_wait3A_158, %dma_wait3A_167, %dma_wait3A_168] : memref<2x13x96xi32, #tpu.memory_space<vmem>> -> memref<1x13x96xi32, #tpu.memory_space<vmem>>
      %dma_wait3A_170 = tpu.memref_squeeze %dma_wait3A_169 : memref<1x13x96xi32, #tpu.memory_space<vmem>> -> memref<13x96xi32, #tpu.memory_space<vmem>>
      %dma_wait3A_171 = arith.constant 0 : i32
      %dma_wait3A_172 = arith.constant 0 : i32
      %dma_wait3A_173 = tpu.memref_slice %arg3[%dma_wait3A_156, %add3A, %dma_wait3A_157, %dma_wait3A_171, %dma_wait3A_172] : memref<2x32x8x13x96xi32, #tpu.memory_space<hbm>> -> memref<1x1x1x13x96xi32, #tpu.memory_space<hbm>>
      %dma_wait3A_174 = tpu.memref_squeeze %dma_wait3A_173 : memref<1x1x1x13x96xi32, #tpu.memory_space<hbm>> -> memref<13x96xi32, #tpu.memory_space<hbm>>
      tpu.wait_dma2 semaphore(%arg14 : memref<!tpu.dma_semaphore, #tpu.memory_space<semaphore_mem>>) src(%dma_wait3A_174 : memref<13x96xi32, #tpu.memory_space<hbm>>) dst(%dma_wait3A_170 : memref<13x96xi32, #tpu.memory_space<vmem>>)
      %add3A_175 = arith.constant 1 : i32
      %add3A_176 = arith.addi %add3A_126, %add3A_175 : i32
      %lt3A_177 = arith.constant 8 : i32
      %lt3A_178 = arith.cmpi slt, %add3A_176, %lt3A_177 : i32
      %convert_element_type3A_179 = arith.extui %lt3A_178 : i1 to i32
      %cond3A_180 = arith.constant 0 : i32
      %cond3A_181 = arith.cmpi ne, %convert_element_type3A_179, %cond3A_180 : i32
      scf.if %cond3A_181 {
        %add3A_250 = arith.constant 1 : i32
        %add3A_251 = arith.addi %add3A_126, %add3A_250 : i32
        %sub3A_252 = arith.constant 1 : i32
        %sub3A_253 = arith.subi %sub3A_252, %select_n3A_136 : i32
        %dma_start3A_254 = arith.constant 0 : i32
        %dma_start3A_255 = arith.constant 0 : i32
        %dma_start3A_256 = arith.constant 0 : i32
        %dma_start3A_257 = tpu.memref_slice %arg6[%sub3A_253, %dma_start3A_255, %dma_start3A_256] : memref<2x13x96xi32, #tpu.memory_space<vmem>> -> memref<1x13x96xi32, #tpu.memory_space<vmem>>
        %dma_start3A_258 = tpu.memref_squeeze %dma_start3A_257 : memref<1x13x96xi32, #tpu.memory_space<vmem>> -> memref<13x96xi32, #tpu.memory_space<vmem>>
        %dma_start3A_259 = arith.constant 0 : i32
        %dma_start3A_260 = arith.constant 0 : i32
        %dma_start3A_261 = tpu.memref_slice %arg3[%dma_start3A_254, %add3A, %add3A_251, %dma_start3A_259, %dma_start3A_260] : memref<2x32x8x13x96xi32, #tpu.memory_space<hbm>> -> memref<1x1x1x13x96xi32, #tpu.memory_space<hbm>>
        %dma_start3A_262 = tpu.memref_squeeze %dma_start3A_261 : memref<1x1x1x13x96xi32, #tpu.memory_space<hbm>> -> memref<13x96xi32, #tpu.memory_space<hbm>>
        %dma_start3A_263 = arith.constant 0 : i32
        %dma_start3A_264 = arith.constant 0 : i32
        %dma_start3A_265 = tpu.memref_slice %arg6[%sub3A_253, %dma_start3A_263, %dma_start3A_264] : memref<2x13x96xi32, #tpu.memory_space<vmem>> -> memref<1x13x96xi32, #tpu.memory_space<vmem>>
        %dma_start3A_266 = tpu.memref_squeeze %dma_start3A_265 : memref<1x13x96xi32, #tpu.memory_space<vmem>> -> memref<13x96xi32, #tpu.memory_space<vmem>>
        %dma_start3A_267 = arith.constant 0 : i32
        %dma_start3A_268 = arith.constant 0 : i32
        %dma_start3A_269 = tpu.memref_slice %arg3[%dma_start3A_254, %add3A, %add3A_251, %dma_start3A_267, %dma_start3A_268] : memref<2x32x8x13x96xi32, #tpu.memory_space<hbm>> -> memref<1x1x1x13x96xi32, #tpu.memory_space<hbm>>
        %dma_start3A_270 = tpu.memref_squeeze %dma_start3A_269 : memref<1x1x1x13x96xi32, #tpu.memory_space<hbm>> -> memref<13x96xi32, #tpu.memory_space<hbm>>
        tpu.enqueue_dma source(%dma_start3A_270 : memref<13x96xi32, #tpu.memory_space<hbm>>) target(%dma_start3A_266 : memref<13x96xi32, #tpu.memory_space<vmem>>) target_semaphore(%arg14 : memref<!tpu.dma_semaphore, #tpu.memory_space<semaphore_mem>>)
        %add3A_271 = arith.constant 1 : i32
        %add3A_272 = arith.addi %add3A_126, %add3A_271 : i32
        %sub3A_273 = arith.constant 1 : i32
        %sub3A_274 = arith.subi %sub3A_273, %select_n3A_136 : i32
        %dma_start3A_275 = arith.constant 1 : i32
        %dma_start3A_276 = arith.constant 0 : i32
        %dma_start3A_277 = arith.constant 0 : i32
        %dma_start3A_278 = tpu.memref_slice %arg7[%sub3A_274, %dma_start3A_276, %dma_start3A_277] : memref<2x13x96xi32, #tpu.memory_space<vmem>> -> memref<1x13x96xi32, #tpu.memory_space<vmem>>
        %dma_start3A_279 = tpu.memref_squeeze %dma_start3A_278 : memref<1x13x96xi32, #tpu.memory_space<vmem>> -> memref<13x96xi32, #tpu.memory_space<vmem>>
        %dma_start3A_280 = arith.constant 0 : i32
        %dma_start3A_281 = arith.constant 0 : i32
        %dma_start3A_282 = tpu.memref_slice %arg3[%dma_start3A_275, %add3A, %add3A_272, %dma_start3A_280, %dma_start3A_281] : memref<2x32x8x13x96xi32, #tpu.memory_space<hbm>> -> memref<1x1x1x13x96xi32, #tpu.memory_space<hbm>>
        %dma_start3A_283 = tpu.memref_squeeze %dma_start3A_282 : memref<1x1x1x13x96xi32, #tpu.memory_space<hbm>> -> memref<13x96xi32, #tpu.memory_space<hbm>>
        %dma_start3A_284 = arith.constant 0 : i32
        %dma_start3A_285 = arith.constant 0 : i32
        %dma_start3A_286 = tpu.memref_slice %arg7[%sub3A_274, %dma_start3A_284, %dma_start3A_285] : memref<2x13x96xi32, #tpu.memory_space<vmem>> -> memref<1x13x96xi32, #tpu.memory_space<vmem>>
        %dma_start3A_287 = tpu.memref_squeeze %dma_start3A_286 : memref<1x13x96xi32, #tpu.memory_space<vmem>> -> memref<13x96xi32, #tpu.memory_space<vmem>>
        %dma_start3A_288 = arith.constant 0 : i32
        %dma_start3A_289 = arith.constant 0 : i32
        %dma_start3A_290 = tpu.memref_slice %arg3[%dma_start3A_275, %add3A, %add3A_272, %dma_start3A_288, %dma_start3A_289] : memref<2x32x8x13x96xi32, #tpu.memory_space<hbm>> -> memref<1x1x1x13x96xi32, #tpu.memory_space<hbm>>
        %dma_start3A_291 = tpu.memref_squeeze %dma_start3A_290 : memref<1x1x1x13x96xi32, #tpu.memory_space<hbm>> -> memref<13x96xi32, #tpu.memory_space<hbm>>
        tpu.enqueue_dma source(%dma_start3A_291 : memref<13x96xi32, #tpu.memory_space<hbm>>) target(%dma_start3A_287 : memref<13x96xi32, #tpu.memory_space<vmem>>) target_semaphore(%arg14 : memref<!tpu.dma_semaphore, #tpu.memory_space<semaphore_mem>>)
      } else {
      }
      %dma_start3A_182 = arith.constant 0 : i32
      %dma_start3A_183 = arith.constant 0 : i32
      %dma_start3A_184 = arith.constant 0 : i32
      %dma_start3A_185 = arith.constant 0 : i32
      %dma_start3A_186 = tpu.memref_slice %arg10[%dma_start3A_183, %dma_start3A_184, %dma_start3A_185] : memref<3x96x128xf32, #tpu.memory_space<vmem>> -> memref<1x96x128xf32, #tpu.memory_space<vmem>>
      %dma_start3A_187 = tpu.memref_squeeze %dma_start3A_186 : memref<1x96x128xf32, #tpu.memory_space<vmem>> -> memref<96x128xf32, #tpu.memory_space<vmem>>
      %dma_start3A_188 = arith.constant 0 : i32
      %dma_start3A_189 = tpu.memref_slice %arg6[%select_n3A_136, %dma_start3A_182, %dma_start3A_188] : memref<2x13x96xi32, #tpu.memory_space<vmem>> -> memref<1x1x96xi32, #tpu.memory_space<vmem>>
      %dma_start3A_190 = tpu.memref_squeeze %dma_start3A_189 : memref<1x1x96xi32, #tpu.memory_space<vmem>> -> memref<96xi32, #tpu.memory_space<vmem>>
      %dma_start3A_191 = arith.constant 0 : i32
      %dma_start3A_192 = arith.constant 0 : i32
      %dma_start3A_193 = tpu.memref_slice %arg2[%dma_start3A_191, %dma_start3A_192] : memref<10000x128xf32, #tpu.memory_space<hbm>> -> memref<10000x128xf32, #tpu.memory_space<hbm>>
      tpu.enqueue_indirect_dma source(%dma_start3A_193 : memref<10000x128xf32, #tpu.memory_space<hbm>>) target(%dma_start3A_187 : memref<96x128xf32, #tpu.memory_space<vmem>>) offsets(%dma_start3A_190 : memref<96xi32, #tpu.memory_space<vmem>>) semaphore(%arg12 : memref<!tpu.dma_semaphore, #tpu.memory_space<semaphore_mem>>)
      %dma_start3A_194 = arith.constant 1 : i32
      %dma_start3A_195 = arith.constant 1 : i32
      %dma_start3A_196 = arith.constant 0 : i32
      %dma_start3A_197 = arith.constant 0 : i32
      %dma_start3A_198 = tpu.memref_slice %arg10[%dma_start3A_195, %dma_start3A_196, %dma_start3A_197] : memref<3x96x128xf32, #tpu.memory_space<vmem>> -> memref<1x96x128xf32, #tpu.memory_space<vmem>>
      %dma_start3A_199 = tpu.memref_squeeze %dma_start3A_198 : memref<1x96x128xf32, #tpu.memory_space<vmem>> -> memref<96x128xf32, #tpu.memory_space<vmem>>
      %dma_start3A_200 = arith.constant 0 : i32
      %dma_start3A_201 = tpu.memref_slice %arg6[%select_n3A_136, %dma_start3A_194, %dma_start3A_200] : memref<2x13x96xi32, #tpu.memory_space<vmem>> -> memref<1x1x96xi32, #tpu.memory_space<vmem>>
      %dma_start3A_202 = tpu.memref_squeeze %dma_start3A_201 : memref<1x1x96xi32, #tpu.memory_space<vmem>> -> memref<96xi32, #tpu.memory_space<vmem>>
      %dma_start3A_203 = arith.constant 0 : i32
      %dma_start3A_204 = arith.constant 0 : i32
      %dma_start3A_205 = tpu.memref_slice %arg2[%dma_start3A_203, %dma_start3A_204] : memref<10000x128xf32, #tpu.memory_space<hbm>> -> memref<10000x128xf32, #tpu.memory_space<hbm>>
      tpu.enqueue_indirect_dma source(%dma_start3A_205 : memref<10000x128xf32, #tpu.memory_space<hbm>>) target(%dma_start3A_199 : memref<96x128xf32, #tpu.memory_space<vmem>>) offsets(%dma_start3A_202 : memref<96xi32, #tpu.memory_space<vmem>>) semaphore(%arg12 : memref<!tpu.dma_semaphore, #tpu.memory_space<semaphore_mem>>)
      %scan3A_206 = arith.constant 0 : i32
      %scan3A_207 = arith.constant 13 : i32
      %scan3A_208 = arith.addi %scan3A_206, %scan3A_207 : i32
      %scan3A_209 = arith.constant 1 : i32
      scf.for %scan3A_250 = %scan3A_206 to %scan3A_208 step %scan3A_209  : i32 {
        %mul3A_251 = arith.constant 1 : i32
        %mul3A_252 = arith.muli %scan3A_250, %mul3A_251 : i32
        %add3A_253 = arith.constant 0 : i32
        %add3A_254 = arith.addi %add3A_253, %mul3A_252 : i32
        %add3A_255 = arith.constant 3 : i32
        %add3A_256 = arith.addi %add3A_254, %add3A_255 : i32
        %sub3A_257 = arith.constant 1 : i32
        %sub3A_258 = arith.subi %add3A_256, %sub3A_257 : i32
        %lt3A_259 = arith.constant 13 : i32
        %lt3A_260 = arith.cmpi slt, %sub3A_258, %lt3A_259 : i32
        %convert_element_type3A_261 = arith.extui %lt3A_260 : i1 to i32
        %cond3A_262 = arith.constant 0 : i32
        %cond3A_263 = arith.cmpi ne, %convert_element_type3A_261, %cond3A_262 : i32
        scf.if %cond3A_263 {
          %ge3A = arith.constant 1 : i32
          %ge3A_316 = arith.cmpi sge, %add3A_254, %ge3A : i32
          %convert_element_type3A_317 = arith.extui %ge3A_316 : i1 to i32
          %cond3A_318 = arith.constant 0 : i32
          %cond3A_319 = arith.cmpi ne, %convert_element_type3A_317, %cond3A_318 : i32
          scf.if %cond3A_319 {
            %dma_wait3A_346 = arith.constant 0 : i32
            %dma_wait3A_347 = arith.constant 0 : i32
            %dma_wait3A_348 = arith.constant 0 : i32
            %dma_wait3A_349 = arith.constant 0 : i32
            %dma_wait3A_350 = arith.constant 0 : i32
            %dma_wait3A_351 = tpu.memref_slice %arg10[%dma_wait3A_346, %dma_wait3A_349, %dma_wait3A_350] : memref<3x96x128xf32, #tpu.memory_space<vmem>> -> memref<1x96x128xf32, #tpu.memory_space<vmem>>
            %dma_wait3A_352 = tpu.memref_squeeze %dma_wait3A_351 : memref<1x96x128xf32, #tpu.memory_space<vmem>> -> memref<96x128xf32, #tpu.memory_space<vmem>>
            %dma_wait3A_353 = arith.constant 0 : i32
            %dma_wait3A_354 = tpu.memref_slice %arg7[%dma_wait3A_347, %dma_wait3A_348, %dma_wait3A_353] : memref<2x13x96xi32, #tpu.memory_space<vmem>> -> memref<1x1x96xi32, #tpu.memory_space<vmem>>
            %dma_wait3A_355 = tpu.memref_squeeze %dma_wait3A_354 : memref<1x1x96xi32, #tpu.memory_space<vmem>> -> memref<96xi32, #tpu.memory_space<vmem>>
            %dma_wait3A_356 = arith.constant 0 : i32
            %dma_wait3A_357 = arith.constant 0 : i32
            %dma_wait3A_358 = tpu.memref_slice %arg11[%dma_wait3A_356, %dma_wait3A_357] : memref<10000x128xf32, #tpu.memory_space<vmem_shared>> -> memref<10000x128xf32, #tpu.memory_space<vmem_shared>>
            tpu.wait_indirect_dma semaphore(%arg13 : memref<!tpu.dma_semaphore, #tpu.memory_space<semaphore_mem>>) src(%dma_wait3A_352 : memref<96x128xf32, #tpu.memory_space<vmem>>) dst(%dma_wait3A_358 : memref<10000x128xf32, #tpu.memory_space<vmem_shared>>)
          } else {
          }
          %jit3A_320 = arith.constant 3 : i32
          %eq3A_321 = arith.constant 0 : i32
          %eq3A_322 = arith.cmpi eq, %jit3A_320, %eq3A_321 : i32
          %jit3A_323 = arith.constant 1 : i32
          %select_n3A_324 = arith.select %eq3A_322, %jit3A_323, %jit3A_320 : i32
          %rem3A_325 = arith.remsi %sub3A_258, %select_n3A_324 : i32
          %ne3A_326 = arith.constant 0 : i32
          %ne3A_327 = arith.cmpi ne, %rem3A_325, %ne3A_326 : i32
          %lt3A_328 = arith.constant 0 : i32
          %lt3A_329 = arith.cmpi slt, %rem3A_325, %lt3A_328 : i32
          %lt3A_330 = arith.constant 0 : i32
          %lt3A_331 = arith.cmpi slt, %select_n3A_324, %lt3A_330 : i32
          %ne3A_332 = arith.xori %lt3A_329, %lt3A_331 : i1
          %and3A_333 = arith.andi %ne3A_332, %ne3A_327 : i1
          %add3A_334 = arith.addi %rem3A_325, %select_n3A_324 : i32
          %select_n3A_335 = arith.select %and3A_333, %add3A_334, %rem3A_325 : i32
          %dma_start3A_336 = arith.constant 0 : i32
          %dma_start3A_337 = arith.constant 0 : i32
          %dma_start3A_338 = tpu.memref_slice %arg10[%select_n3A_335, %dma_start3A_336, %dma_start3A_337] : memref<3x96x128xf32, #tpu.memory_space<vmem>> -> memref<1x96x128xf32, #tpu.memory_space<vmem>>
          %dma_start3A_339 = tpu.memref_squeeze %dma_start3A_338 : memref<1x96x128xf32, #tpu.memory_space<vmem>> -> memref<96x128xf32, #tpu.memory_space<vmem>>
          %dma_start3A_340 = arith.constant 0 : i32
          %dma_start3A_341 = tpu.memref_slice %arg6[%select_n3A_136, %sub3A_258, %dma_start3A_340] : memref<2x13x96xi32, #tpu.memory_space<vmem>> -> memref<1x1x96xi32, #tpu.memory_space<vmem>>
          %dma_start3A_342 = tpu.memref_squeeze %dma_start3A_341 : memref<1x1x96xi32, #tpu.memory_space<vmem>> -> memref<96xi32, #tpu.memory_space<vmem>>
          %dma_start3A_343 = arith.constant 0 : i32
          %dma_start3A_344 = arith.constant 0 : i32
          %dma_start3A_345 = tpu.memref_slice %arg2[%dma_start3A_343, %dma_start3A_344] : memref<10000x128xf32, #tpu.memory_space<hbm>> -> memref<10000x128xf32, #tpu.memory_space<hbm>>
          tpu.enqueue_indirect_dma source(%dma_start3A_345 : memref<10000x128xf32, #tpu.memory_space<hbm>>) target(%dma_start3A_339 : memref<96x128xf32, #tpu.memory_space<vmem>>) offsets(%dma_start3A_342 : memref<96xi32, #tpu.memory_space<vmem>>) semaphore(%arg12 : memref<!tpu.dma_semaphore, #tpu.memory_space<semaphore_mem>>)
        } else {
        }
        %jit3A_264 = arith.constant 3 : i32
        %eq3A_265 = arith.constant 0 : i32
        %eq3A_266 = arith.cmpi eq, %jit3A_264, %eq3A_265 : i32
        %jit3A_267 = arith.constant 1 : i32
        %select_n3A_268 = arith.select %eq3A_266, %jit3A_267, %jit3A_264 : i32
        %rem3A_269 = arith.remsi %add3A_254, %select_n3A_268 : i32
        %ne3A_270 = arith.constant 0 : i32
        %ne3A_271 = arith.cmpi ne, %rem3A_269, %ne3A_270 : i32
        %lt3A_272 = arith.constant 0 : i32
        %lt3A_273 = arith.cmpi slt, %rem3A_269, %lt3A_272 : i32
        %lt3A_274 = arith.constant 0 : i32
        %lt3A_275 = arith.cmpi slt, %select_n3A_268, %lt3A_274 : i32
        %ne3A_276 = arith.xori %lt3A_273, %lt3A_275 : i1
        %and3A_277 = arith.andi %ne3A_276, %ne3A_271 : i1
        %add3A_278 = arith.addi %rem3A_269, %select_n3A_268 : i32
        %select_n3A_279 = arith.select %and3A_277, %add3A_278, %rem3A_269 : i32
        %dma_wait3A_280 = arith.constant 0 : i32
        %dma_wait3A_281 = arith.constant 0 : i32
        %dma_wait3A_282 = tpu.memref_slice %arg10[%select_n3A_279, %dma_wait3A_280, %dma_wait3A_281] : memref<3x96x128xf32, #tpu.memory_space<vmem>> -> memref<1x96x128xf32, #tpu.memory_space<vmem>>
        %dma_wait3A_283 = tpu.memref_squeeze %dma_wait3A_282 : memref<1x96x128xf32, #tpu.memory_space<vmem>> -> memref<96x128xf32, #tpu.memory_space<vmem>>
        %dma_wait3A_284 = arith.constant 0 : i32
        %dma_wait3A_285 = tpu.memref_slice %arg6[%select_n3A_136, %add3A_254, %dma_wait3A_284] : memref<2x13x96xi32, #tpu.memory_space<vmem>> -> memref<1x1x96xi32, #tpu.memory_space<vmem>>
        %dma_wait3A_286 = tpu.memref_squeeze %dma_wait3A_285 : memref<1x1x96xi32, #tpu.memory_space<vmem>> -> memref<96xi32, #tpu.memory_space<vmem>>
        %dma_wait3A_287 = arith.constant 0 : i32
        %dma_wait3A_288 = arith.constant 0 : i32
        %dma_wait3A_289 = tpu.memref_slice %arg2[%dma_wait3A_287, %dma_wait3A_288] : memref<10000x128xf32, #tpu.memory_space<hbm>> -> memref<10000x128xf32, #tpu.memory_space<hbm>>
        tpu.wait_indirect_dma semaphore(%arg12 : memref<!tpu.dma_semaphore, #tpu.memory_space<semaphore_mem>>) src(%dma_wait3A_289 : memref<10000x128xf32, #tpu.memory_space<hbm>>) dst(%dma_wait3A_283 : memref<96x128xf32, #tpu.memory_space<vmem>>)
        %jit3A_290 = arith.constant 3 : i32
        %eq3A_291 = arith.constant 0 : i32
        %eq3A_292 = arith.cmpi eq, %jit3A_290, %eq3A_291 : i32
        %jit3A_293 = arith.constant 1 : i32
        %select_n3A_294 = arith.select %eq3A_292, %jit3A_293, %jit3A_290 : i32
        %rem3A_295 = arith.remsi %add3A_254, %select_n3A_294 : i32
        %ne3A_296 = arith.constant 0 : i32
        %ne3A_297 = arith.cmpi ne, %rem3A_295, %ne3A_296 : i32
        %lt3A_298 = arith.constant 0 : i32
        %lt3A_299 = arith.cmpi slt, %rem3A_295, %lt3A_298 : i32
        %lt3A_300 = arith.constant 0 : i32
        %lt3A_301 = arith.cmpi slt, %select_n3A_294, %lt3A_300 : i32
        %ne3A_302 = arith.xori %lt3A_299, %lt3A_301 : i1
        %and3A_303 = arith.andi %ne3A_302, %ne3A_297 : i1
        %add3A_304 = arith.addi %rem3A_295, %select_n3A_294 : i32
        %select_n3A_305 = arith.select %and3A_303, %add3A_304, %rem3A_295 : i32
        %dma_start3A_306 = arith.constant 0 : i32
        %dma_start3A_307 = arith.constant 0 : i32
        %dma_start3A_308 = tpu.memref_slice %arg10[%select_n3A_305, %dma_start3A_306, %dma_start3A_307] : memref<3x96x128xf32, #tpu.memory_space<vmem>> -> memref<1x96x128xf32, #tpu.memory_space<vmem>>
        %dma_start3A_309 = tpu.memref_squeeze %dma_start3A_308 : memref<1x96x128xf32, #tpu.memory_space<vmem>> -> memref<96x128xf32, #tpu.memory_space<vmem>>
        %dma_start3A_310 = arith.constant 0 : i32
        %dma_start3A_311 = tpu.memref_slice %arg7[%select_n3A_136, %add3A_254, %dma_start3A_310] : memref<2x13x96xi32, #tpu.memory_space<vmem>> -> memref<1x1x96xi32, #tpu.memory_space<vmem>>
        %dma_start3A_312 = tpu.memref_squeeze %dma_start3A_311 : memref<1x1x96xi32, #tpu.memory_space<vmem>> -> memref<96xi32, #tpu.memory_space<vmem>>
        %dma_start3A_313 = arith.constant 0 : i32
        %dma_start3A_314 = arith.constant 0 : i32
        %dma_start3A_315 = tpu.memref_slice %arg11[%dma_start3A_313, %dma_start3A_314] : memref<10000x128xf32, #tpu.memory_space<vmem_shared>> -> memref<10000x128xf32, #tpu.memory_space<vmem_shared>>
        tpu.enqueue_indirect_dma source(%dma_start3A_309 : memref<96x128xf32, #tpu.memory_space<vmem>>) target(%dma_start3A_315 : memref<10000x128xf32, #tpu.memory_space<vmem_shared>>) offsets(%dma_start3A_312 : memref<96xi32, #tpu.memory_space<vmem>>) semaphore(%arg13 : memref<!tpu.dma_semaphore, #tpu.memory_space<semaphore_mem>>) {add = true}
      }
      %scan3A_210 = arith.constant 13 : i32
      %dma_wait3A_211 = arith.constant 0 : i32
      %dma_wait3A_212 = arith.constant 0 : i32
      %dma_wait3A_213 = arith.constant 0 : i32
      %dma_wait3A_214 = arith.constant 0 : i32
      %dma_wait3A_215 = arith.constant 0 : i32
      %dma_wait3A_216 = tpu.memref_slice %arg10[%dma_wait3A_211, %dma_wait3A_214, %dma_wait3A_215] : memref<3x96x128xf32, #tpu.memory_space<vmem>> -> memref<1x96x128xf32, #tpu.memory_space<vmem>>
      %dma_wait3A_217 = tpu.memref_squeeze %dma_wait3A_216 : memref<1x96x128xf32, #tpu.memory_space<vmem>> -> memref<96x128xf32, #tpu.memory_space<vmem>>
      %dma_wait3A_218 = arith.constant 0 : i32
      %dma_wait3A_219 = tpu.memref_slice %arg7[%dma_wait3A_212, %dma_wait3A_213, %dma_wait3A_218] : memref<2x13x96xi32, #tpu.memory_space<vmem>> -> memref<1x1x96xi32, #tpu.memory_space<vmem>>
      %dma_wait3A_220 = tpu.memref_squeeze %dma_wait3A_219 : memref<1x1x96xi32, #tpu.memory_space<vmem>> -> memref<96xi32, #tpu.memory_space<vmem>>
      %dma_wait3A_221 = arith.constant 0 : i32
      %dma_wait3A_222 = arith.constant 0 : i32
      %dma_wait3A_223 = tpu.memref_slice %arg11[%dma_wait3A_221, %dma_wait3A_222] : memref<10000x128xf32, #tpu.memory_space<vmem_shared>> -> memref<10000x128xf32, #tpu.memory_space<vmem_shared>>
      tpu.wait_indirect_dma semaphore(%arg13 : memref<!tpu.dma_semaphore, #tpu.memory_space<semaphore_mem>>) src(%dma_wait3A_217 : memref<96x128xf32, #tpu.memory_space<vmem>>) dst(%dma_wait3A_223 : memref<10000x128xf32, #tpu.memory_space<vmem_shared>>)
      %dma_wait3A_224 = arith.constant 0 : i32
      %dma_wait3A_225 = arith.constant 0 : i32
      %dma_wait3A_226 = arith.constant 0 : i32
      %dma_wait3A_227 = arith.constant 0 : i32
      %dma_wait3A_228 = arith.constant 0 : i32
      %dma_wait3A_229 = tpu.memref_slice %arg10[%dma_wait3A_224, %dma_wait3A_227, %dma_wait3A_228] : memref<3x96x128xf32, #tpu.memory_space<vmem>> -> memref<1x96x128xf32, #tpu.memory_space<vmem>>
      %dma_wait3A_230 = tpu.memref_squeeze %dma_wait3A_229 : memref<1x96x128xf32, #tpu.memory_space<vmem>> -> memref<96x128xf32, #tpu.memory_space<vmem>>
      %dma_wait3A_231 = arith.constant 0 : i32
      %dma_wait3A_232 = tpu.memref_slice %arg7[%dma_wait3A_225, %dma_wait3A_226, %dma_wait3A_231] : memref<2x13x96xi32, #tpu.memory_space<vmem>> -> memref<1x1x96xi32, #tpu.memory_space<vmem>>
      %dma_wait3A_233 = tpu.memref_squeeze %dma_wait3A_232 : memref<1x1x96xi32, #tpu.memory_space<vmem>> -> memref<96xi32, #tpu.memory_space<vmem>>
      %dma_wait3A_234 = arith.constant 0 : i32
      %dma_wait3A_235 = arith.constant 0 : i32
      %dma_wait3A_236 = tpu.memref_slice %arg11[%dma_wait3A_234, %dma_wait3A_235] : memref<10000x128xf32, #tpu.memory_space<vmem_shared>> -> memref<10000x128xf32, #tpu.memory_space<vmem_shared>>
      tpu.wait_indirect_dma semaphore(%arg13 : memref<!tpu.dma_semaphore, #tpu.memory_space<semaphore_mem>>) src(%dma_wait3A_230 : memref<96x128xf32, #tpu.memory_space<vmem>>) dst(%dma_wait3A_236 : memref<10000x128xf32, #tpu.memory_space<vmem_shared>>)
      %dma_wait3A_237 = arith.constant 0 : i32
      %dma_wait3A_238 = arith.constant 0 : i32
      %dma_wait3A_239 = arith.constant 0 : i32
      %dma_wait3A_240 = arith.constant 0 : i32
      %dma_wait3A_241 = arith.constant 0 : i32
      %dma_wait3A_242 = tpu.memref_slice %arg10[%dma_wait3A_237, %dma_wait3A_240, %dma_wait3A_241] : memref<3x96x128xf32, #tpu.memory_space<vmem>> -> memref<1x96x128xf32, #tpu.memory_space<vmem>>
      %dma_wait3A_243 = tpu.memref_squeeze %dma_wait3A_242 : memref<1x96x128xf32, #tpu.memory_space<vmem>> -> memref<96x128xf32, #tpu.memory_space<vmem>>
      %dma_wait3A_244 = arith.constant 0 : i32
      %dma_wait3A_245 = tpu.memref_slice %arg7[%dma_wait3A_238, %dma_wait3A_239, %dma_wait3A_244] : memref<2x13x96xi32, #tpu.memory_space<vmem>> -> memref<1x1x96xi32, #tpu.memory_space<vmem>>
      %dma_wait3A_246 = tpu.memref_squeeze %dma_wait3A_245 : memref<1x1x96xi32, #tpu.memory_space<vmem>> -> memref<96xi32, #tpu.memory_space<vmem>>
      %dma_wait3A_247 = arith.constant 0 : i32
      %dma_wait3A_248 = arith.constant 0 : i32
      %dma_wait3A_249 = tpu.memref_slice %arg11[%dma_wait3A_247, %dma_wait3A_248] : memref<10000x128xf32, #tpu.memory_space<vmem_shared>> -> memref<10000x128xf32, #tpu.memory_space<vmem_shared>>
      tpu.wait_indirect_dma semaphore(%arg13 : memref<!tpu.dma_semaphore, #tpu.memory_space<semaphore_mem>>) src(%dma_wait3A_243 : memref<96x128xf32, #tpu.memory_space<vmem>>) dst(%dma_wait3A_249 : memref<10000x128xf32, #tpu.memory_space<vmem_shared>>)
    }
    %scan3A_84 = arith.constant 8 : i32
    %run_scoped3A_85 = arith.constant 0 : i32
    "tpu.region"() ({
      %run_scoped3A_122 = tpu.sem_alloc : memref<!tpu.dma_semaphore, #tpu.memory_space<semaphore_mem>>
      %dma_start3A_123 = arith.constant 0 : i32
      %dma_start3A_124 = arith.constant 0 : i32
      %dma_start3A_125 = tpu.memref_slice %arg4[%run_scoped3A_85, %add3A, %dma_start3A_123, %dma_start3A_124] : memref<2x32x1x16xi32, #tpu.memory_space<hbm>> -> memref<1x1x1x16xi32, #tpu.memory_space<hbm>>
      %dma_start3A_126 = tpu.memref_squeeze %dma_start3A_125 : memref<1x1x1x16xi32, #tpu.memory_space<hbm>> -> memref<1x16xi32, #tpu.memory_space<hbm>>
      %dma_start3A_127 = arith.constant 0 : i32
      %dma_start3A_128 = arith.constant 0 : i32
      %dma_start3A_129 = tpu.memref_slice %arg4[%run_scoped3A_85, %add3A, %dma_start3A_127, %dma_start3A_128] : memref<2x32x1x16xi32, #tpu.memory_space<hbm>> -> memref<1x1x1x16xi32, #tpu.memory_space<hbm>>
      %dma_start3A_130 = tpu.memref_squeeze %dma_start3A_129 : memref<1x1x1x16xi32, #tpu.memory_space<hbm>> -> memref<1x16xi32, #tpu.memory_space<hbm>>
      tpu.enqueue_dma source(%dma_start3A_130 : memref<1x16xi32, #tpu.memory_space<hbm>>) target(%arg8 : memref<1x16xi32, #tpu.memory_space<vmem>>) target_semaphore(%run_scoped3A_122 : memref<!tpu.dma_semaphore, #tpu.memory_space<semaphore_mem>>)
      %dma_wait3A_131 = arith.constant 0 : i32
      %dma_wait3A_132 = arith.constant 0 : i32
      %dma_wait3A_133 = tpu.memref_slice %arg4[%run_scoped3A_85, %add3A, %dma_wait3A_131, %dma_wait3A_132] : memref<2x32x1x16xi32, #tpu.memory_space<hbm>> -> memref<1x1x1x16xi32, #tpu.memory_space<hbm>>
      %dma_wait3A_134 = tpu.memref_squeeze %dma_wait3A_133 : memref<1x1x1x16xi32, #tpu.memory_space<hbm>> -> memref<1x16xi32, #tpu.memory_space<hbm>>
      %dma_wait3A_135 = arith.constant 0 : i32
      %dma_wait3A_136 = arith.constant 0 : i32
      %dma_wait3A_137 = tpu.memref_slice %arg4[%run_scoped3A_85, %add3A, %dma_wait3A_135, %dma_wait3A_136] : memref<2x32x1x16xi32, #tpu.memory_space<hbm>> -> memref<1x1x1x16xi32, #tpu.memory_space<hbm>>
      %dma_wait3A_138 = tpu.memref_squeeze %dma_wait3A_137 : memref<1x1x1x16xi32, #tpu.memory_space<hbm>> -> memref<1x16xi32, #tpu.memory_space<hbm>>
      tpu.wait_dma2 semaphore(%run_scoped3A_122 : memref<!tpu.dma_semaphore, #tpu.memory_space<semaphore_mem>>) src(%dma_wait3A_138 : memref<1x16xi32, #tpu.memory_space<hbm>>) dst(%arg8 : memref<1x16xi32, #tpu.memory_space<vmem>>)
      tpu.yield
    }) : () -> ()
    %run_scoped3A_86 = arith.constant 1 : i32
    "tpu.region"() ({
      %run_scoped3A_122 = tpu.sem_alloc : memref<!tpu.dma_semaphore, #tpu.memory_space<semaphore_mem>>
      %dma_start3A_123 = arith.constant 0 : i32
      %dma_start3A_124 = arith.constant 0 : i32
      %dma_start3A_125 = tpu.memref_slice %arg4[%run_scoped3A_86, %add3A, %dma_start3A_123, %dma_start3A_124] : memref<2x32x1x16xi32, #tpu.memory_space<hbm>> -> memref<1x1x1x16xi32, #tpu.memory_space<hbm>>
      %dma_start3A_126 = tpu.memref_squeeze %dma_start3A_125 : memref<1x1x1x16xi32, #tpu.memory_space<hbm>> -> memref<1x16xi32, #tpu.memory_space<hbm>>
      %dma_start3A_127 = arith.constant 0 : i32
      %dma_start3A_128 = arith.constant 0 : i32
      %dma_start3A_129 = tpu.memref_slice %arg4[%run_scoped3A_86, %add3A, %dma_start3A_127, %dma_start3A_128] : memref<2x32x1x16xi32, #tpu.memory_space<hbm>> -> memref<1x1x1x16xi32, #tpu.memory_space<hbm>>
      %dma_start3A_130 = tpu.memref_squeeze %dma_start3A_129 : memref<1x1x1x16xi32, #tpu.memory_space<hbm>> -> memref<1x16xi32, #tpu.memory_space<hbm>>
      tpu.enqueue_dma source(%dma_start3A_130 : memref<1x16xi32, #tpu.memory_space<hbm>>) target(%arg9 : memref<1x16xi32, #tpu.memory_space<vmem>>) target_semaphore(%run_scoped3A_122 : memref<!tpu.dma_semaphore, #tpu.memory_space<semaphore_mem>>)
      %dma_wait3A_131 = arith.constant 0 : i32
      %dma_wait3A_132 = arith.constant 0 : i32
      %dma_wait3A_133 = tpu.memref_slice %arg4[%run_scoped3A_86, %add3A, %dma_wait3A_131, %dma_wait3A_132] : memref<2x32x1x16xi32, #tpu.memory_space<hbm>> -> memref<1x1x1x16xi32, #tpu.memory_space<hbm>>
      %dma_wait3A_134 = tpu.memref_squeeze %dma_wait3A_133 : memref<1x1x1x16xi32, #tpu.memory_space<hbm>> -> memref<1x16xi32, #tpu.memory_space<hbm>>
      %dma_wait3A_135 = arith.constant 0 : i32
      %dma_wait3A_136 = arith.constant 0 : i32
      %dma_wait3A_137 = tpu.memref_slice %arg4[%run_scoped3A_86, %add3A, %dma_wait3A_135, %dma_wait3A_136] : memref<2x32x1x16xi32, #tpu.memory_space<hbm>> -> memref<1x1x1x16xi32, #tpu.memory_space<hbm>>
      %dma_wait3A_138 = tpu.memref_squeeze %dma_wait3A_137 : memref<1x1x1x16xi32, #tpu.memory_space<hbm>> -> memref<1x16xi32, #tpu.memory_space<hbm>>
      tpu.wait_dma2 semaphore(%run_scoped3A_122 : memref<!tpu.dma_semaphore, #tpu.memory_space<semaphore_mem>>) src(%dma_wait3A_138 : memref<1x16xi32, #tpu.memory_space<hbm>>) dst(%arg9 : memref<1x16xi32, #tpu.memory_space<vmem>>)
      tpu.yield
    }) : () -> ()
    %dma_start3A_87 = arith.constant 0 : i32
    %dma_start3A_88 = arith.constant 0 : i32
    %dma_start3A_89 = arith.constant 0 : i32
    %dma_start3A_90 = arith.constant 0 : i32
    %dma_start3A_91 = tpu.memref_slice %arg10[%dma_start3A_88, %dma_start3A_89, %dma_start3A_90] : memref<3x96x128xf32, #tpu.memory_space<vmem>> -> memref<1x16x128xf32, #tpu.memory_space<vmem>>
    %dma_start3A_92 = tpu.memref_squeeze %dma_start3A_91 : memref<1x16x128xf32, #tpu.memory_space<vmem>> -> memref<16x128xf32, #tpu.memory_space<vmem>>
    %dma_start3A_93 = arith.constant 0 : i32
    %dma_start3A_94 = tpu.memref_slice %arg8[%dma_start3A_87, %dma_start3A_93] : memref<1x16xi32, #tpu.memory_space<vmem>> -> memref<1x16xi32, #tpu.memory_space<vmem>>
    %dma_start3A_95 = tpu.memref_squeeze %dma_start3A_94 : memref<1x16xi32, #tpu.memory_space<vmem>> -> memref<16xi32, #tpu.memory_space<vmem>>
    %dma_start3A_96 = arith.constant 0 : i32
    %dma_start3A_97 = arith.constant 0 : i32
    %dma_start3A_98 = tpu.memref_slice %arg2[%dma_start3A_96, %dma_start3A_97] : memref<10000x128xf32, #tpu.memory_space<hbm>> -> memref<10000x128xf32, #tpu.memory_space<hbm>>
    tpu.enqueue_indirect_dma source(%dma_start3A_98 : memref<10000x128xf32, #tpu.memory_space<hbm>>) target(%dma_start3A_92 : memref<16x128xf32, #tpu.memory_space<vmem>>) offsets(%dma_start3A_95 : memref<16xi32, #tpu.memory_space<vmem>>) semaphore(%arg12 : memref<!tpu.dma_semaphore, #tpu.memory_space<semaphore_mem>>)
    %dma_wait3A = arith.constant 0 : i32
    %dma_wait3A_99 = arith.constant 0 : i32
    %dma_wait3A_100 = arith.constant 0 : i32
    %dma_wait3A_101 = arith.constant 0 : i32
    %dma_wait3A_102 = tpu.memref_slice %arg10[%dma_wait3A_99, %dma_wait3A_100, %dma_wait3A_101] : memref<3x96x128xf32, #tpu.memory_space<vmem>> -> memref<1x16x128xf32, #tpu.memory_space<vmem>>
    %dma_wait3A_103 = tpu.memref_squeeze %dma_wait3A_102 : memref<1x16x128xf32, #tpu.memory_space<vmem>> -> memref<16x128xf32, #tpu.memory_space<vmem>>
    %dma_wait3A_104 = arith.constant 0 : i32
    %dma_wait3A_105 = tpu.memref_slice %arg8[%dma_wait3A, %dma_wait3A_104] : memref<1x16xi32, #tpu.memory_space<vmem>> -> memref<1x16xi32, #tpu.memory_space<vmem>>
    %dma_wait3A_106 = tpu.memref_squeeze %dma_wait3A_105 : memref<1x16xi32, #tpu.memory_space<vmem>> -> memref<16xi32, #tpu.memory_space<vmem>>
    %dma_wait3A_107 = arith.constant 0 : i32
    %dma_wait3A_108 = arith.constant 0 : i32
    %dma_wait3A_109 = tpu.memref_slice %arg2[%dma_wait3A_107, %dma_wait3A_108] : memref<10000x128xf32, #tpu.memory_space<hbm>> -> memref<10000x128xf32, #tpu.memory_space<hbm>>
    tpu.wait_indirect_dma semaphore(%arg12 : memref<!tpu.dma_semaphore, #tpu.memory_space<semaphore_mem>>) src(%dma_wait3A_109 : memref<10000x128xf32, #tpu.memory_space<hbm>>) dst(%dma_wait3A_103 : memref<16x128xf32, #tpu.memory_space<vmem>>)
    %run_scoped3A_110 = arith.constant 0 : i32
    %run_scoped3A_111 = arith.constant 0 : i32
    "tpu.region"() ({
      %run_scoped3A_122 = tpu.sem_alloc : memref<!tpu.dma_semaphore, #tpu.memory_space<semaphore_mem>>
      %dma_start3A_123 = arith.constant 0 : i32
      %dma_start3A_124 = arith.constant 0 : i32
      %dma_start3A_125 = tpu.memref_slice %arg10[%run_scoped3A_110, %dma_start3A_123, %dma_start3A_124] : memref<3x96x128xf32, #tpu.memory_space<vmem>> -> memref<1x16x128xf32, #tpu.memory_space<vmem>>
      %dma_start3A_126 = tpu.memref_squeeze %dma_start3A_125 : memref<1x16x128xf32, #tpu.memory_space<vmem>> -> memref<16x128xf32, #tpu.memory_space<vmem>>
      %dma_start3A_127 = arith.constant 0 : i32
      %dma_start3A_128 = tpu.memref_slice %arg9[%run_scoped3A_111, %dma_start3A_127] : memref<1x16xi32, #tpu.memory_space<vmem>> -> memref<1x16xi32, #tpu.memory_space<vmem>>
      %dma_start3A_129 = tpu.memref_squeeze %dma_start3A_128 : memref<1x16xi32, #tpu.memory_space<vmem>> -> memref<16xi32, #tpu.memory_space<vmem>>
      %dma_start3A_130 = arith.constant 0 : i32
      %dma_start3A_131 = arith.constant 0 : i32
      %dma_start3A_132 = tpu.memref_slice %arg11[%dma_start3A_130, %dma_start3A_131] : memref<10000x128xf32, #tpu.memory_space<vmem_shared>> -> memref<10000x128xf32, #tpu.memory_space<vmem_shared>>
      tpu.enqueue_indirect_dma source(%dma_start3A_126 : memref<16x128xf32, #tpu.memory_space<vmem>>) target(%dma_start3A_132 : memref<10000x128xf32, #tpu.memory_space<vmem_shared>>) offsets(%dma_start3A_129 : memref<16xi32, #tpu.memory_space<vmem>>) semaphore(%run_scoped3A_122 : memref<!tpu.dma_semaphore, #tpu.memory_space<semaphore_mem>>) {add = true}
      %dma_wait3A_133 = arith.constant 0 : i32
      %dma_wait3A_134 = arith.constant 0 : i32
      %dma_wait3A_135 = tpu.memref_slice %arg10[%run_scoped3A_110, %dma_wait3A_133, %dma_wait3A_134] : memref<3x96x128xf32, #tpu.memory_space<vmem>> -> memref<1x16x128xf32, #tpu.memory_space<vmem>>
      %dma_wait3A_136 = tpu.memref_squeeze %dma_wait3A_135 : memref<1x16x128xf32, #tpu.memory_space<vmem>> -> memref<16x128xf32, #tpu.memory_space<vmem>>
      %dma_wait3A_137 = arith.constant 0 : i32
      %dma_wait3A_138 = tpu.memref_slice %arg9[%run_scoped3A_111, %dma_wait3A_137] : memref<1x16xi32, #tpu.memory_space<vmem>> -> memref<1x16xi32, #tpu.memory_space<vmem>>
      %dma_wait3A_139 = tpu.memref_squeeze %dma_wait3A_138 : memref<1x16xi32, #tpu.memory_space<vmem>> -> memref<16xi32, #tpu.memory_space<vmem>>
      %dma_wait3A_140 = arith.constant 0 : i32
      %dma_wait3A_141 = arith.constant 0 : i32
      %dma_wait3A_142 = tpu.memref_slice %arg11[%dma_wait3A_140, %dma_wait3A_141] : memref<10000x128xf32, #tpu.memory_space<vmem_shared>> -> memref<10000x128xf32, #tpu.memory_space<vmem_shared>>
      tpu.wait_indirect_dma semaphore(%run_scoped3A_122 : memref<!tpu.dma_semaphore, #tpu.memory_space<semaphore_mem>>) src(%dma_wait3A_136 : memref<16x128xf32, #tpu.memory_space<vmem>>) dst(%dma_wait3A_142 : memref<10000x128xf32, #tpu.memory_space<vmem_shared>>)
      tpu.yield
    }) : () -> ()
    %barrier3A_112 = arith.constant 0 : index
    tpu.barrier barrier_id(%barrier3A_112)
    %mul3A_113 = arith.constant 624 : i32
    %mul3A_114 = arith.muli %arg1, %mul3A_113 : i32
    %mul3A_115 = arith.constant 624 : i32
    %mul3A_116 = arith.muli %arg1, %mul3A_115 : i32
    "tpu.region"() ({
      %run_scoped3A_122 = tpu.sem_alloc : memref<!tpu.dma_semaphore, #tpu.memory_space<semaphore_mem>>
      %dma_start3A_123 = arith.constant 0 : i32
      %dma_start3A_124 = tpu.memref_slice %arg5[%arg0, %mul3A_116, %dma_start3A_123] : memref<2x10000x128xf32, #tpu.memory_space<hbm>> -> memref<1x624x128xf32, #tpu.memory_space<hbm>>
      %dma_start3A_125 = tpu.memref_squeeze %dma_start3A_124 : memref<1x624x128xf32, #tpu.memory_space<hbm>> -> memref<624x128xf32, #tpu.memory_space<hbm>>
      %dma_start3A_126 = arith.constant 0 : i32
      %dma_start3A_127 = tpu.memref_slice %arg11[%mul3A_114, %dma_start3A_126] : memref<10000x128xf32, #tpu.memory_space<vmem_shared>> -> memref<624x128xf32, #tpu.memory_space<vmem_shared>>
      tpu.enqueue_dma source(%dma_start3A_127 : memref<624x128xf32, #tpu.memory_space<vmem_shared>>) target(%dma_start3A_125 : memref<624x128xf32, #tpu.memory_space<hbm>>) target_semaphore(%run_scoped3A_122 : memref<!tpu.dma_semaphore, #tpu.memory_space<semaphore_mem>>)
      %dma_wait3A_128 = arith.constant 0 : i32
      %dma_wait3A_129 = tpu.memref_slice %arg5[%arg0, %mul3A_116, %dma_wait3A_128] : memref<2x10000x128xf32, #tpu.memory_space<hbm>> -> memref<1x624x128xf32, #tpu.memory_space<hbm>>
      %dma_wait3A_130 = tpu.memref_squeeze %dma_wait3A_129 : memref<1x624x128xf32, #tpu.memory_space<hbm>> -> memref<624x128xf32, #tpu.memory_space<hbm>>
      %dma_wait3A_131 = arith.constant 0 : i32
      %dma_wait3A_132 = tpu.memref_slice %arg11[%mul3A_114, %dma_wait3A_131] : memref<10000x128xf32, #tpu.memory_space<vmem_shared>> -> memref<624x128xf32, #tpu.memory_space<vmem_shared>>
      tpu.wait_dma2 semaphore(%run_scoped3A_122 : memref<!tpu.dma_semaphore, #tpu.memory_space<semaphore_mem>>) src(%dma_wait3A_132 : memref<624x128xf32, #tpu.memory_space<vmem_shared>>) dst(%dma_wait3A_130 : memref<624x128xf32, #tpu.memory_space<hbm>>)
      tpu.yield
    }) : () -> ()
    %eq3A_117 = arith.constant 15 : i32
    %eq3A_118 = arith.cmpi eq, %arg1, %eq3A_117 : i32
    %convert_element_type3A_119 = arith.extui %eq3A_118 : i1 to i32
    %cond3A_120 = arith.constant 0 : i32
    %cond3A_121 = arith.cmpi ne, %convert_element_type3A_119, %cond3A_120 : i32
    scf.if %cond3A_121 {
      "tpu.region"() ({
        %run_scoped3A_122 = tpu.sem_alloc : memref<!tpu.dma_semaphore, #tpu.memory_space<semaphore_mem>>
        %dma_start3A_123 = arith.constant 9984 : i32
        %dma_start3A_124 = arith.constant 0 : i32
        %dma_start3A_125 = tpu.memref_slice %arg5[%arg0, %dma_start3A_123, %dma_start3A_124] : memref<2x10000x128xf32, #tpu.memory_space<hbm>> -> memref<1x16x128xf32, #tpu.memory_space<hbm>>
        %dma_start3A_126 = tpu.memref_squeeze %dma_start3A_125 : memref<1x16x128xf32, #tpu.memory_space<hbm>> -> memref<16x128xf32, #tpu.memory_space<hbm>>
        %dma_start3A_127 = arith.constant 9984 : i32
        %dma_start3A_128 = arith.constant 0 : i32
        %dma_start3A_129 = tpu.memref_slice %arg11[%dma_start3A_127, %dma_start3A_128] : memref<10000x128xf32, #tpu.memory_space<vmem_shared>> -> memref<16x128xf32, #tpu.memory_space<vmem_shared>>
        tpu.enqueue_dma source(%dma_start3A_129 : memref<16x128xf32, #tpu.memory_space<vmem_shared>>) target(%dma_start3A_126 : memref<16x128xf32, #tpu.memory_space<hbm>>) target_semaphore(%run_scoped3A_122 : memref<!tpu.dma_semaphore, #tpu.memory_space<semaphore_mem>>)
        %dma_wait3A_130 = arith.constant 9984 : i32
        %dma_wait3A_131 = arith.constant 0 : i32
        %dma_wait3A_132 = tpu.memref_slice %arg5[%arg0, %dma_wait3A_130, %dma_wait3A_131] : memref<2x10000x128xf32, #tpu.memory_space<hbm>> -> memref<1x16x128xf32, #tpu.memory_space<hbm>>
        %dma_wait3A_133 = tpu.memref_squeeze %dma_wait3A_132 : memref<1x16x128xf32, #tpu.memory_space<hbm>> -> memref<16x128xf32, #tpu.memory_space<hbm>>
        %dma_wait3A_134 = arith.constant 9984 : i32
        %dma_wait3A_135 = arith.constant 0 : i32
        %dma_wait3A_136 = tpu.memref_slice %arg11[%dma_wait3A_134, %dma_wait3A_135] : memref<10000x128xf32, #tpu.memory_space<vmem_shared>> -> memref<16x128xf32, #tpu.memory_space<vmem_shared>>
        tpu.wait_dma2 semaphore(%run_scoped3A_122 : memref<!tpu.dma_semaphore, #tpu.memory_space<semaphore_mem>>) src(%dma_wait3A_136 : memref<16x128xf32, #tpu.memory_space<vmem_shared>>) dst(%dma_wait3A_133 : memref<16x128xf32, #tpu.memory_space<hbm>>)
        tpu.yield
      }) : () -> ()
    } else {
    }
    return
  }
}

#map = affine_map<(d0, d1) -> (0, 0, 0)>
#map1 = affine_map<(d0, d1) -> (0, 0)>
module attributes {stable_mosaic.version = 14 : i64} {
  func.func @_deg_kernel(%arg0: i32, %arg1: i32, %arg2: memref<2x32x10000xi32, #tpu.memory_space<hbm>>, %arg3: memref<32x10000xf32, #tpu.memory_space<hbm>>, %arg4: memref<10000xi32, #tpu.memory_space<vmem>>, %arg5: memref<10000xf32, #tpu.memory_space<vmem>>) attributes {dimension_semantics = [#tpu.dimension_semantics<core_parallel>, #tpu.dimension_semantics<subcore_parallel>], iteration_bounds = array<i64: 2, 16>, scalar_prefetch = 0 : i64, scratch_operands = 2 : i64, tpu.core_type = #tpu.core_type<sc_vector_subcore>, window_params = [{transform_indices = #map}, {transform_indices = #map1}]} {
    %mul3A = arith.constant 2 : i32
    %mul3A_0 = arith.muli %arg1, %mul3A : i32
    %add3A = arith.addi %mul3A_0, %arg0 : i32
    %run_scoped3A = arith.constant 1 : i32
    "tpu.region"() ({
      %run_scoped3A_13 = tpu.sem_alloc : memref<!tpu.dma_semaphore, #tpu.memory_space<semaphore_mem>>
      %dma_start3A = arith.constant 0 : i32
      %dma_start3A_14 = tpu.memref_slice %arg2[%run_scoped3A, %add3A, %dma_start3A] : memref<2x32x10000xi32, #tpu.memory_space<hbm>> -> memref<1x1x10000xi32, #tpu.memory_space<hbm>>
      %dma_start3A_15 = tpu.memref_squeeze %dma_start3A_14 : memref<1x1x10000xi32, #tpu.memory_space<hbm>> -> memref<10000xi32, #tpu.memory_space<hbm>>
      %dma_start3A_16 = arith.constant 0 : i32
      %dma_start3A_17 = tpu.memref_slice %arg2[%run_scoped3A, %add3A, %dma_start3A_16] : memref<2x32x10000xi32, #tpu.memory_space<hbm>> -> memref<1x1x10000xi32, #tpu.memory_space<hbm>>
      %dma_start3A_18 = tpu.memref_squeeze %dma_start3A_17 : memref<1x1x10000xi32, #tpu.memory_space<hbm>> -> memref<10000xi32, #tpu.memory_space<hbm>>
      tpu.enqueue_dma source(%dma_start3A_18 : memref<10000xi32, #tpu.memory_space<hbm>>) target(%arg4 : memref<10000xi32, #tpu.memory_space<vmem>>) target_semaphore(%run_scoped3A_13 : memref<!tpu.dma_semaphore, #tpu.memory_space<semaphore_mem>>)
      %dma_wait3A = arith.constant 0 : i32
      %dma_wait3A_19 = tpu.memref_slice %arg2[%run_scoped3A, %add3A, %dma_wait3A] : memref<2x32x10000xi32, #tpu.memory_space<hbm>> -> memref<1x1x10000xi32, #tpu.memory_space<hbm>>
      %dma_wait3A_20 = tpu.memref_squeeze %dma_wait3A_19 : memref<1x1x10000xi32, #tpu.memory_space<hbm>> -> memref<10000xi32, #tpu.memory_space<hbm>>
      %dma_wait3A_21 = arith.constant 0 : i32
      %dma_wait3A_22 = tpu.memref_slice %arg2[%run_scoped3A, %add3A, %dma_wait3A_21] : memref<2x32x10000xi32, #tpu.memory_space<hbm>> -> memref<1x1x10000xi32, #tpu.memory_space<hbm>>
      %dma_wait3A_23 = tpu.memref_squeeze %dma_wait3A_22 : memref<1x1x10000xi32, #tpu.memory_space<hbm>> -> memref<10000xi32, #tpu.memory_space<hbm>>
      tpu.wait_dma2 semaphore(%run_scoped3A_13 : memref<!tpu.dma_semaphore, #tpu.memory_space<semaphore_mem>>) src(%dma_wait3A_23 : memref<10000xi32, #tpu.memory_space<hbm>>) dst(%arg4 : memref<10000xi32, #tpu.memory_space<vmem>>)
      tpu.yield
    }) : () -> ()
    %broadcast_in_dim3A = arith.constant 0.000000e+00 : f32
    %broadcast_in_dim3A_1 = vector.broadcast %broadcast_in_dim3A : f32 to vector<16xf32>
    %scan3A = arith.constant 0 : i32
    %scan3A_2 = arith.constant 625 : i32
    %scan3A_3 = arith.addi %scan3A, %scan3A_2 : i32
    %scan3A_4 = arith.constant 1 : i32
    scf.for %scan3A_13 = %scan3A to %scan3A_3 step %scan3A_4  : i32 {
      %mul3A_14 = arith.constant 1 : i32
      %mul3A_15 = arith.muli %scan3A_13, %mul3A_14 : i32
      %add3A_16 = arith.constant 0 : i32
      %add3A_17 = arith.addi %add3A_16, %mul3A_15 : i32
      %mul3A_18 = arith.constant 16 : i32
      %mul3A_19 = arith.muli %add3A_17, %mul3A_18 : i32
      %swap3A = arith.index_cast %mul3A_19 : i32 to index
      %swap3A_20 = tpu.vector_load %arg5[%swap3A] {strides = array<i32>} : memref<10000xf32, #tpu.memory_space<vmem>>, vector<16xf32>,
      tpu.vector_store %arg5[%swap3A], %broadcast_in_dim3A_1 {strides = array<i32>} : memref<10000xf32, #tpu.memory_space<vmem>>, vector<16xf32>,
    }
    %scan3A_5 = arith.constant 625 : i32
    %broadcast_in_dim3A_6 = arith.constant 1.000000e+00 : f32
    %broadcast_in_dim3A_7 = vector.broadcast %broadcast_in_dim3A_6 : f32 to vector<16xf32>
    %scan3A_8 = arith.constant 0 : i32
    %scan3A_9 = arith.constant 625 : i32
    %scan3A_10 = arith.addi %scan3A_8, %scan3A_9 : i32
    %scan3A_11 = arith.constant 1 : i32
    scf.for %scan3A_13 = %scan3A_8 to %scan3A_10 step %scan3A_11  : i32 {
      %mul3A_14 = arith.constant 1 : i32
      %mul3A_15 = arith.muli %scan3A_13, %mul3A_14 : i32
      %add3A_16 = arith.constant 0 : i32
      %add3A_17 = arith.addi %add3A_16, %mul3A_15 : i32
      %mul3A_18 = arith.constant 16 : i32
      %mul3A_19 = arith.muli %add3A_17, %mul3A_18 : i32
      %get3A = arith.index_cast %mul3A_19 : i32 to index
      %get3A_20 = tpu.vector_load %arg4[%get3A] {strides = array<i32>} : memref<10000xi32, #tpu.memory_space<vmem>>, vector<16xi32>,
      tpu.vector_store_idx %arg5[%get3A_20], %broadcast_in_dim3A_7 {add = true} : memref<10000xf32, #tpu.memory_space<vmem>>[vector<16xi32>], vector<16xf32>,
    }
    %scan3A_12 = arith.constant 625 : i32
    "tpu.region"() ({
      %run_scoped3A_13 = tpu.sem_alloc : memref<!tpu.dma_semaphore, #tpu.memory_space<semaphore_mem>>
      %dma_start3A = arith.constant 0 : i32
      %dma_start3A_14 = tpu.memref_slice %arg3[%add3A, %dma_start3A] : memref<32x10000xf32, #tpu.memory_space<hbm>> -> memref<1x10000xf32, #tpu.memory_space<hbm>>
      %dma_start3A_15 = tpu.memref_squeeze %dma_start3A_14 : memref<1x10000xf32, #tpu.memory_space<hbm>> -> memref<10000xf32, #tpu.memory_space<hbm>>
      %dma_start3A_16 = arith.constant 0 : i32
      %dma_start3A_17 = tpu.memref_slice %arg3[%add3A, %dma_start3A_16] : memref<32x10000xf32, #tpu.memory_space<hbm>> -> memref<1x10000xf32, #tpu.memory_space<hbm>>
      %dma_start3A_18 = tpu.memref_squeeze %dma_start3A_17 : memref<1x10000xf32, #tpu.memory_space<hbm>> -> memref<10000xf32, #tpu.memory_space<hbm>>
      tpu.enqueue_dma source(%arg5 : memref<10000xf32, #tpu.memory_space<vmem>>) target(%dma_start3A_18 : memref<10000xf32, #tpu.memory_space<hbm>>) target_semaphore(%run_scoped3A_13 : memref<!tpu.dma_semaphore, #tpu.memory_space<semaphore_mem>>)
      %dma_wait3A = arith.constant 0 : i32
      %dma_wait3A_19 = tpu.memref_slice %arg3[%add3A, %dma_wait3A] : memref<32x10000xf32, #tpu.memory_space<hbm>> -> memref<1x10000xf32, #tpu.memory_space<hbm>>
      %dma_wait3A_20 = tpu.memref_squeeze %dma_wait3A_19 : memref<1x10000xf32, #tpu.memory_space<hbm>> -> memref<10000xf32, #tpu.memory_space<hbm>>
      %dma_wait3A_21 = arith.constant 0 : i32
      %dma_wait3A_22 = tpu.memref_slice %arg3[%add3A, %dma_wait3A_21] : memref<32x10000xf32, #tpu.memory_space<hbm>> -> memref<1x10000xf32, #tpu.memory_space<hbm>>
      %dma_wait3A_23 = tpu.memref_squeeze %dma_wait3A_22 : memref<1x10000xf32, #tpu.memory_space<hbm>> -> memref<10000xf32, #tpu.memory_space<hbm>>
      tpu.wait_dma2 semaphore(%run_scoped3A_13 : memref<!tpu.dma_semaphore, #tpu.memory_space<semaphore_mem>>) src(%arg5 : memref<10000xf32, #tpu.memory_space<vmem>>) dst(%dma_wait3A_23 : memref<10000xf32, #tpu.memory_space<hbm>>)
      tpu.yield
    }) : () -> ()
    return
  }
}

#map = affine_map<(d0, d1) -> (0, 0)>
#map1 = affine_map<(d0, d1) -> (0, 0, 0, 0, 0)>
#map2 = affine_map<(d0, d1) -> (0, 0, 0, 0)>
#map3 = affine_map<(d0, d1) -> (0, 0, 0)>
module attributes {stable_mosaic.version = 14 : i64} {
  func.func @_edge_kernel(%arg0: i32, %arg1: i32, %arg2: memref<10000x128xf32, #tpu.memory_space<hbm>>, %arg3: memref<2x32x8x13x96xi32, #tpu.memory_space<hbm>>, %arg4: memref<2x32x1x16xi32, #tpu.memory_space<hbm>>, %arg5: memref<2x10000x128xf32, #tpu.memory_space<hbm>>, %arg6: memref<2x13x96xi32, #tpu.memory_space<vmem>>, %arg7: memref<2x13x96xi32, #tpu.memory_space<vmem>>, %arg8: memref<1x16xi32, #tpu.memory_space<vmem>>, %arg9: memref<1x16xi32, #tpu.memory_space<vmem>>, %arg10: memref<3x96x128xf32, #tpu.memory_space<vmem>>, %arg11: memref<10000x128xf32, #tpu.memory_space<vmem_shared>>, %arg12: memref<!tpu.dma_semaphore, #tpu.memory_space<semaphore_mem>>, %arg13: memref<!tpu.dma_semaphore, #tpu.memory_space<semaphore_mem>>, %arg14: memref<!tpu.dma_semaphore, #tpu.memory_space<semaphore_mem>>) attributes {dimension_semantics = [#tpu.dimension_semantics<core_parallel>, #tpu.dimension_semantics<subcore_parallel>], iteration_bounds = array<i64: 2, 16>, scalar_prefetch = 0 : i64, scratch_operands = 9 : i64, tpu.core_type = #tpu.core_type<sc_vector_subcore>, window_params = [{transform_indices = #map}, {transform_indices = #map1}, {transform_indices = #map2}, {transform_indices = #map3}]} {
    %mul3A = arith.constant 2 : i32
    %mul3A_0 = arith.muli %arg1, %mul3A : i32
    %add3A = arith.addi %mul3A_0, %arg0 : i32
    %broadcast_in_dim3A = arith.constant 0.000000e+00 : f32
    %broadcast_in_dim3A_1 = vector.broadcast %broadcast_in_dim3A : f32 to vector<16xf32>
    %scan3A = arith.constant 0 : i32
    %scan3A_2 = arith.constant 96 : i32
    %scan3A_3 = arith.addi %scan3A, %scan3A_2 : i32
    %scan3A_4 = arith.constant 1 : i32
    scf.for %scan3A_122 = %scan3A to %scan3A_3 step %scan3A_4  : i32 {
      %mul3A_123 = arith.constant 1 : i32
      %mul3A_124 = arith.muli %scan3A_122, %mul3A_123 : i32
      %add3A_125 = arith.constant 0 : i32
      %add3A_126 = arith.addi %add3A_125, %mul3A_124 : i32
      %swap3A = arith.constant 0 : i32
      %swap3A_127 = arith.index_cast %swap3A : i32 to index
      %swap3A_128 = arith.index_cast %add3A_126 : i32 to index
      %swap3A_129 = arith.constant 0 : index
      %swap3A_130 = tpu.vector_load %arg10[%swap3A_127, %swap3A_128, %swap3A_129] {strides = array<i32>} : memref<3x96x128xf32, #tpu.memory_space<vmem>>, vector<1x1x16xf32>,
      %swap3A_131 = vector.shape_cast %swap3A_130 : vector<1x1x16xf32> to vector<16xf32>
      %swap3A_132 = vector.shape_cast %broadcast_in_dim3A_1 : vector<16xf32> to vector<1x1x16xf32>
      tpu.vector_store %arg10[%swap3A_127, %swap3A_128, %swap3A_129], %swap3A_132 {strides = array<i32>} : memref<3x96x128xf32, #tpu.memory_space<vmem>>, vector<1x1x16xf32>,
      %swap3A_133 = arith.constant 0 : i32
      %swap3A_134 = arith.index_cast %swap3A_133 : i32 to index
      %swap3A_135 = arith.index_cast %add3A_126 : i32 to index
      %swap3A_136 = arith.constant 16 : index
      %swap3A_137 = tpu.vector_load %arg10[%swap3A_134, %swap3A_135, %swap3A_136] {strides = array<i32>} : memref<3x96x128xf32, #tpu.memory_space<vmem>>, vector<1x1x16xf32>,
      %swap3A_138 = vector.shape_cast %swap3A_137 : vector<1x1x16xf32> to vector<16xf32>
      %swap3A_139 = vector.shape_cast %broadcast_in_dim3A_1 : vector<16xf32> to vector<1x1x16xf32>
      tpu.vector_store %arg10[%swap3A_134, %swap3A_135, %swap3A_136], %swap3A_139 {strides = array<i32>} : memref<3x96x128xf32, #tpu.memory_space<vmem>>, vector<1x1x16xf32>,
      %swap3A_140 = arith.constant 0 : i32
      %swap3A_141 = arith.index_cast %swap3A_140 : i32 to index
      %swap3A_142 = arith.index_cast %add3A_126 : i32 to index
      %swap3A_143 = arith.constant 32 : index
      %swap3A_144 = tpu.vector_load %arg10[%swap3A_141, %swap3A_142, %swap3A_143] {strides = array<i32>} : memref<3x96x128xf32, #tpu.memory_space<vmem>>, vector<1x1x16xf32>,
      %swap3A_145 = vector.shape_cast %swap3A_144 : vector<1x1x16xf32> to vector<16xf32>
      %swap3A_146 = vector.shape_cast %broadcast_in_dim3A_1 : vector<16xf32> to vector<1x1x16xf32>
      tpu.vector_store %arg10[%swap3A_141, %swap3A_142, %swap3A_143], %swap3A_146 {strides = array<i32>} : memref<3x96x128xf32, #tpu.memory_space<vmem>>, vector<1x1x16xf32>,
      %swap3A_147 = arith.constant 0 : i32
      %swap3A_148 = arith.index_cast %swap3A_147 : i32 to index
      %swap3A_149 = arith.index_cast %add3A_126 : i32 to index
      %swap3A_150 = arith.constant 48 : index
      %swap3A_151 = tpu.vector_load %arg10[%swap3A_148, %swap3A_149, %swap3A_150] {strides = array<i32>} : memref<3x96x128xf32, #tpu.memory_space<vmem>>, vector<1x1x16xf32>,
      %swap3A_152 = vector.shape_cast %swap3A_151 : vector<1x1x16xf32> to vector<16xf32>
      %swap3A_153 = vector.shape_cast %broadcast_in_dim3A_1 : vector<16xf32> to vector<1x1x16xf32>
      tpu.vector_store %arg10[%swap3A_148, %swap3A_149, %swap3A_150], %swap3A_153 {strides = array<i32>} : memref<3x96x128xf32, #tpu.memory_space<vmem>>, vector<1x1x16xf32>,
      %swap3A_154 = arith.constant 0 : i32
      %swap3A_155 = arith.index_cast %swap3A_154 : i32 to index
      %swap3A_156 = arith.index_cast %add3A_126 : i32 to index
      %swap3A_157 = arith.constant 64 : index
      %swap3A_158 = tpu.vector_load %arg10[%swap3A_155, %swap3A_156, %swap3A_157] {strides = array<i32>} : memref<3x96x128xf32, #tpu.memory_space<vmem>>, vector<1x1x16xf32>,
      %swap3A_159 = vector.shape_cast %swap3A_158 : vector<1x1x16xf32> to vector<16xf32>
      %swap3A_160 = vector.shape_cast %broadcast_in_dim3A_1 : vector<16xf32> to vector<1x1x16xf32>
      tpu.vector_store %arg10[%swap3A_155, %swap3A_156, %swap3A_157], %swap3A_160 {strides = array<i32>} : memref<3x96x128xf32, #tpu.memory_space<vmem>>, vector<1x1x16xf32>,
      %swap3A_161 = arith.constant 0 : i32
      %swap3A_162 = arith.index_cast %swap3A_161 : i32 to index
      %swap3A_163 = arith.index_cast %add3A_126 : i32 to index
      %swap3A_164 = arith.constant 80 : index
      %swap3A_165 = tpu.vector_load %arg10[%swap3A_162, %swap3A_163, %swap3A_164] {strides = array<i32>} : memref<3x96x128xf32, #tpu.memory_space<vmem>>, vector<1x1x16xf32>,
      %swap3A_166 = vector.shape_cast %swap3A_165 : vector<1x1x16xf32> to vector<16xf32>
      %swap3A_167 = vector.shape_cast %broadcast_in_dim3A_1 : vector<16xf32> to vector<1x1x16xf32>
      tpu.vector_store %arg10[%swap3A_162, %swap3A_163, %swap3A_164], %swap3A_167 {strides = array<i32>} : memref<3x96x128xf32, #tpu.memory_space<vmem>>, vector<1x1x16xf32>,
      %swap3A_168 = arith.constant 0 : i32
      %swap3A_169 = arith.index_cast %swap3A_168 : i32 to index
      %swap3A_170 = arith.index_cast %add3A_126 : i32 to index
      %swap3A_171 = arith.constant 96 : index
      %swap3A_172 = tpu.vector_load %arg10[%swap3A_169, %swap3A_170, %swap3A_171] {strides = array<i32>} : memref<3x96x128xf32, #tpu.memory_space<vmem>>, vector<1x1x16xf32>,
      %swap3A_173 = vector.shape_cast %swap3A_172 : vector<1x1x16xf32> to vector<16xf32>
      %swap3A_174 = vector.shape_cast %broadcast_in_dim3A_1 : vector<16xf32> to vector<1x1x16xf32>
      tpu.vector_store %arg10[%swap3A_169, %swap3A_170, %swap3A_171], %swap3A_174 {strides = array<i32>} : memref<3x96x128xf32, #tpu.memory_space<vmem>>, vector<1x1x16xf32>,
      %swap3A_175 = arith.constant 0 : i32
      %swap3A_176 = arith.index_cast %swap3A_175 : i32 to index
      %swap3A_177 = arith.index_cast %add3A_126 : i32 to index
      %swap3A_178 = arith.constant 112 : index
      %swap3A_179 = tpu.vector_load %arg10[%swap3A_176, %swap3A_177, %swap3A_178] {strides = array<i32>} : memref<3x96x128xf32, #tpu.memory_space<vmem>>, vector<1x1x16xf32>,
      %swap3A_180 = vector.shape_cast %swap3A_179 : vector<1x1x16xf32> to vector<16xf32>
      %swap3A_181 = vector.shape_cast %broadcast_in_dim3A_1 : vector<16xf32> to vector<1x1x16xf32>
      tpu.vector_store %arg10[%swap3A_176, %swap3A_177, %swap3A_178], %swap3A_181 {strides = array<i32>} : memref<3x96x128xf32, #tpu.memory_space<vmem>>, vector<1x1x16xf32>,
    }
    %scan3A_5 = arith.constant 96 : i32
    %mul3A_6 = arith.constant 624 : i32
    %mul3A_7 = arith.muli %arg1, %mul3A_6 : i32
    %add3A_8 = arith.constant 0 : i32
    %add3A_9 = arith.addi %mul3A_7, %add3A_8 : i32
    %run_scoped3A = arith.constant 0 : i32
    "tpu.region"() ({
      %run_scoped3A_122 = tpu.sem_alloc : memref<!tpu.dma_semaphore, #tpu.memory_space<semaphore_mem>>
      %dma_start3A_123 = arith.constant 0 : i32
      %dma_start3A_124 = arith.constant 0 : i32
      %dma_start3A_125 = tpu.memref_slice %arg10[%run_scoped3A, %dma_start3A_123, %dma_start3A_124] : memref<3x96x128xf32, #tpu.memory_space<vmem>> -> memref<1x96x128xf32, #tpu.memory_space<vmem>>
      %dma_start3A_126 = tpu.memref_squeeze %dma_start3A_125 : memref<1x96x128xf32, #tpu.memory_space<vmem>> -> memref<96x128xf32, #tpu.memory_space<vmem>>
      %dma_start3A_127 = arith.constant 0 : i32
      %dma_start3A_128 = tpu.memref_slice %arg11[%add3A_9, %dma_start3A_127] : memref<10000x128xf32, #tpu.memory_space<vmem_shared>> -> memref<96x128xf32, #tpu.memory_space<vmem_shared>>
      %dma_start3A_129 = arith.constant 0 : i32
      %dma_start3A_130 = tpu.memref_slice %arg11[%add3A_9, %dma_start3A_129] : memref<10000x128xf32, #tpu.memory_space<vmem_shared>> -> memref<96x128xf32, #tpu.memory_space<vmem_shared>>
      %dma_start3A_131 = arith.constant 0 : i32
      %dma_start3A_132 = arith.constant 0 : i32
      %dma_start3A_133 = tpu.memref_slice %arg10[%run_scoped3A, %dma_start3A_131, %dma_start3A_132] : memref<3x96x128xf32, #tpu.memory_space<vmem>> -> memref<1x96x128xf32, #tpu.memory_space<vmem>>
      %dma_start3A_134 = tpu.memref_squeeze %dma_start3A_133 : memref<1x96x128xf32, #tpu.memory_space<vmem>> -> memref<96x128xf32, #tpu.memory_space<vmem>>
      tpu.enqueue_dma source(%dma_start3A_134 : memref<96x128xf32, #tpu.memory_space<vmem>>) target(%dma_start3A_130 : memref<96x128xf32, #tpu.memory_space<vmem_shared>>) target_semaphore(%run_scoped3A_122 : memref<!tpu.dma_semaphore, #tpu.memory_space<semaphore_mem>>)
      %dma_wait3A_135 = arith.constant 0 : i32
      %dma_wait3A_136 = arith.constant 0 : i32
      %dma_wait3A_137 = tpu.memref_slice %arg10[%run_scoped3A, %dma_wait3A_135, %dma_wait3A_136] : memref<3x96x128xf32, #tpu.memory_space<vmem>> -> memref<1x96x128xf32, #tpu.memory_space<vmem>>
      %dma_wait3A_138 = tpu.memref_squeeze %dma_wait3A_137 : memref<1x96x128xf32, #tpu.memory_space<vmem>> -> memref<96x128xf32, #tpu.memory_space<vmem>>
      %dma_wait3A_139 = arith.constant 0 : i32
      %dma_wait3A_140 = tpu.memref_slice %arg11[%add3A_9, %dma_wait3A_139] : memref<10000x128xf32, #tpu.memory_space<vmem_shared>> -> memref<96x128xf32, #tpu.memory_space<vmem_shared>>
      %dma_wait3A_141 = arith.constant 0 : i32
      %dma_wait3A_142 = tpu.memref_slice %arg11[%add3A_9, %dma_wait3A_141] : memref<10000x128xf32, #tpu.memory_space<vmem_shared>> -> memref<96x128xf32, #tpu.memory_space<vmem_shared>>
      %dma_wait3A_143 = arith.constant 0 : i32
      %dma_wait3A_144 = arith.constant 0 : i32
      %dma_wait3A_145 = tpu.memref_slice %arg10[%run_scoped3A, %dma_wait3A_143, %dma_wait3A_144] : memref<3x96x128xf32, #tpu.memory_space<vmem>> -> memref<1x96x128xf32, #tpu.memory_space<vmem>>
      %dma_wait3A_146 = tpu.memref_squeeze %dma_wait3A_145 : memref<1x96x128xf32, #tpu.memory_space<vmem>> -> memref<96x128xf32, #tpu.memory_space<vmem>>
      tpu.wait_dma2 semaphore(%run_scoped3A_122 : memref<!tpu.dma_semaphore, #tpu.memory_space<semaphore_mem>>) src(%dma_wait3A_146 : memref<96x128xf32, #tpu.memory_space<vmem>>) dst(%dma_wait3A_142 : memref<96x128xf32, #tpu.memory_space<vmem_shared>>)
      tpu.yield
    }) : () -> ()
    %mul3A_10 = arith.constant 624 : i32
    %mul3A_11 = arith.muli %arg1, %mul3A_10 : i32
    %add3A_12 = arith.constant 96 : i32
    %add3A_13 = arith.addi %mul3A_11, %add3A_12 : i32
    %run_scoped3A_14 = arith.constant 0 : i32
    "tpu.region"() ({
      %run_scoped3A_122 = tpu.sem_alloc : memref<!tpu.dma_semaphore, #tpu.memory_space<semaphore_mem>>
      %dma_start3A_123 = arith.constant 0 : i32
      %dma_start3A_124 = arith.constant 0 : i32
      %dma_start3A_125 = tpu.memref_slice %arg10[%run_scoped3A_14, %dma_start3A_123, %dma_start3A_124] : memref<3x96x128xf32, #tpu.memory_space<vmem>> -> memref<1x96x128xf32, #tpu.memory_space<vmem>>
      %dma_start3A_126 = tpu.memref_squeeze %dma_start3A_125 : memref<1x96x128xf32, #tpu.memory_space<vmem>> -> memref<96x128xf32, #tpu.memory_space<vmem>>
      %dma_start3A_127 = arith.constant 0 : i32
      %dma_start3A_128 = tpu.memref_slice %arg11[%add3A_13, %dma_start3A_127] : memref<10000x128xf32, #tpu.memory_space<vmem_shared>> -> memref<96x128xf32, #tpu.memory_space<vmem_shared>>
      %dma_start3A_129 = arith.constant 0 : i32
      %dma_start3A_130 = tpu.memref_slice %arg11[%add3A_13, %dma_start3A_129] : memref<10000x128xf32, #tpu.memory_space<vmem_shared>> -> memref<96x128xf32, #tpu.memory_space<vmem_shared>>
      %dma_start3A_131 = arith.constant 0 : i32
      %dma_start3A_132 = arith.constant 0 : i32
      %dma_start3A_133 = tpu.memref_slice %arg10[%run_scoped3A_14, %dma_start3A_131, %dma_start3A_132] : memref<3x96x128xf32, #tpu.memory_space<vmem>> -> memref<1x96x128xf32, #tpu.memory_space<vmem>>
      %dma_start3A_134 = tpu.memref_squeeze %dma_start3A_133 : memref<1x96x128xf32, #tpu.memory_space<vmem>> -> memref<96x128xf32, #tpu.memory_space<vmem>>
      tpu.enqueue_dma source(%dma_start3A_134 : memref<96x128xf32, #tpu.memory_space<vmem>>) target(%dma_start3A_130 : memref<96x128xf32, #tpu.memory_space<vmem_shared>>) target_semaphore(%run_scoped3A_122 : memref<!tpu.dma_semaphore, #tpu.memory_space<semaphore_mem>>)
      %dma_wait3A_135 = arith.constant 0 : i32
      %dma_wait3A_136 = arith.constant 0 : i32
      %dma_wait3A_137 = tpu.memref_slice %arg10[%run_scoped3A_14, %dma_wait3A_135, %dma_wait3A_136] : memref<3x96x128xf32, #tpu.memory_space<vmem>> -> memref<1x96x128xf32, #tpu.memory_space<vmem>>
      %dma_wait3A_138 = tpu.memref_squeeze %dma_wait3A_137 : memref<1x96x128xf32, #tpu.memory_space<vmem>> -> memref<96x128xf32, #tpu.memory_space<vmem>>
      %dma_wait3A_139 = arith.constant 0 : i32
      %dma_wait3A_140 = tpu.memref_slice %arg11[%add3A_13, %dma_wait3A_139] : memref<10000x128xf32, #tpu.memory_space<vmem_shared>> -> memref<96x128xf32, #tpu.memory_space<vmem_shared>>
      %dma_wait3A_141 = arith.constant 0 : i32
      %dma_wait3A_142 = tpu.memref_slice %arg11[%add3A_13, %dma_wait3A_141] : memref<10000x128xf32, #tpu.memory_space<vmem_shared>> -> memref<96x128xf32, #tpu.memory_space<vmem_shared>>
      %dma_wait3A_143 = arith.constant 0 : i32
      %dma_wait3A_144 = arith.constant 0 : i32
      %dma_wait3A_145 = tpu.memref_slice %arg10[%run_scoped3A_14, %dma_wait3A_143, %dma_wait3A_144] : memref<3x96x128xf32, #tpu.memory_space<vmem>> -> memref<1x96x128xf32, #tpu.memory_space<vmem>>
      %dma_wait3A_146 = tpu.memref_squeeze %dma_wait3A_145 : memref<1x96x128xf32, #tpu.memory_space<vmem>> -> memref<96x128xf32, #tpu.memory_space<vmem>>
      tpu.wait_dma2 semaphore(%run_scoped3A_122 : memref<!tpu.dma_semaphore, #tpu.memory_space<semaphore_mem>>) src(%dma_wait3A_146 : memref<96x128xf32, #tpu.memory_space<vmem>>) dst(%dma_wait3A_142 : memref<96x128xf32, #tpu.memory_space<vmem_shared>>)
      tpu.yield
    }) : () -> ()
    %mul3A_15 = arith.constant 624 : i32
    %mul3A_16 = arith.muli %arg1, %mul3A_15 : i32
    %add3A_17 = arith.constant 192 : i32
    %add3A_18 = arith.addi %mul3A_16, %add3A_17 : i32
    %run_scoped3A_19 = arith.constant 0 : i32
    "tpu.region"() ({
      %run_scoped3A_122 = tpu.sem_alloc : memref<!tpu.dma_semaphore, #tpu.memory_space<semaphore_mem>>
      %dma_start3A_123 = arith.constant 0 : i32
      %dma_start3A_124 = arith.constant 0 : i32
      %dma_start3A_125 = tpu.memref_slice %arg10[%run_scoped3A_19, %dma_start3A_123, %dma_start3A_124] : memref<3x96x128xf32, #tpu.memory_space<vmem>> -> memref<1x96x128xf32, #tpu.memory_space<vmem>>
      %dma_start3A_126 = tpu.memref_squeeze %dma_start3A_125 : memref<1x96x128xf32, #tpu.memory_space<vmem>> -> memref<96x128xf32, #tpu.memory_space<vmem>>
      %dma_start3A_127 = arith.constant 0 : i32
      %dma_start3A_128 = tpu.memref_slice %arg11[%add3A_18, %dma_start3A_127] : memref<10000x128xf32, #tpu.memory_space<vmem_shared>> -> memref<96x128xf32, #tpu.memory_space<vmem_shared>>
      %dma_start3A_129 = arith.constant 0 : i32
      %dma_start3A_130 = tpu.memref_slice %arg11[%add3A_18, %dma_start3A_129] : memref<10000x128xf32, #tpu.memory_space<vmem_shared>> -> memref<96x128xf32, #tpu.memory_space<vmem_shared>>
      %dma_start3A_131 = arith.constant 0 : i32
      %dma_start3A_132 = arith.constant 0 : i32
      %dma_start3A_133 = tpu.memref_slice %arg10[%run_scoped3A_19, %dma_start3A_131, %dma_start3A_132] : memref<3x96x128xf32, #tpu.memory_space<vmem>> -> memref<1x96x128xf32, #tpu.memory_space<vmem>>
      %dma_start3A_134 = tpu.memref_squeeze %dma_start3A_133 : memref<1x96x128xf32, #tpu.memory_space<vmem>> -> memref<96x128xf32, #tpu.memory_space<vmem>>
      tpu.enqueue_dma source(%dma_start3A_134 : memref<96x128xf32, #tpu.memory_space<vmem>>) target(%dma_start3A_130 : memref<96x128xf32, #tpu.memory_space<vmem_shared>>) target_semaphore(%run_scoped3A_122 : memref<!tpu.dma_semaphore, #tpu.memory_space<semaphore_mem>>)
      %dma_wait3A_135 = arith.constant 0 : i32
      %dma_wait3A_136 = arith.constant 0 : i32
      %dma_wait3A_137 = tpu.memref_slice %arg10[%run_scoped3A_19, %dma_wait3A_135, %dma_wait3A_136] : memref<3x96x128xf32, #tpu.memory_space<vmem>> -> memref<1x96x128xf32, #tpu.memory_space<vmem>>
      %dma_wait3A_138 = tpu.memref_squeeze %dma_wait3A_137 : memref<1x96x128xf32, #tpu.memory_space<vmem>> -> memref<96x128xf32, #tpu.memory_space<vmem>>
      %dma_wait3A_139 = arith.constant 0 : i32
      %dma_wait3A_140 = tpu.memref_slice %arg11[%add3A_18, %dma_wait3A_139] : memref<10000x128xf32, #tpu.memory_space<vmem_shared>> -> memref<96x128xf32, #tpu.memory_space<vmem_shared>>
      %dma_wait3A_141 = arith.constant 0 : i32
      %dma_wait3A_142 = tpu.memref_slice %arg11[%add3A_18, %dma_wait3A_141] : memref<10000x128xf32, #tpu.memory_space<vmem_shared>> -> memref<96x128xf32, #tpu.memory_space<vmem_shared>>
      %dma_wait3A_143 = arith.constant 0 : i32
      %dma_wait3A_144 = arith.constant 0 : i32
      %dma_wait3A_145 = tpu.memref_slice %arg10[%run_scoped3A_19, %dma_wait3A_143, %dma_wait3A_144] : memref<3x96x128xf32, #tpu.memory_space<vmem>> -> memref<1x96x128xf32, #tpu.memory_space<vmem>>
      %dma_wait3A_146 = tpu.memref_squeeze %dma_wait3A_145 : memref<1x96x128xf32, #tpu.memory_space<vmem>> -> memref<96x128xf32, #tpu.memory_space<vmem>>
      tpu.wait_dma2 semaphore(%run_scoped3A_122 : memref<!tpu.dma_semaphore, #tpu.memory_space<semaphore_mem>>) src(%dma_wait3A_146 : memref<96x128xf32, #tpu.memory_space<vmem>>) dst(%dma_wait3A_142 : memref<96x128xf32, #tpu.memory_space<vmem_shared>>)
      tpu.yield
    }) : () -> ()
    %mul3A_20 = arith.constant 624 : i32
    %mul3A_21 = arith.muli %arg1, %mul3A_20 : i32
    %add3A_22 = arith.constant 288 : i32
    %add3A_23 = arith.addi %mul3A_21, %add3A_22 : i32
    %run_scoped3A_24 = arith.constant 0 : i32
    "tpu.region"() ({
      %run_scoped3A_122 = tpu.sem_alloc : memref<!tpu.dma_semaphore, #tpu.memory_space<semaphore_mem>>
      %dma_start3A_123 = arith.constant 0 : i32
      %dma_start3A_124 = arith.constant 0 : i32
      %dma_start3A_125 = tpu.memref_slice %arg10[%run_scoped3A_24, %dma_start3A_123, %dma_start3A_124] : memref<3x96x128xf32, #tpu.memory_space<vmem>> -> memref<1x96x128xf32, #tpu.memory_space<vmem>>
      %dma_start3A_126 = tpu.memref_squeeze %dma_start3A_125 : memref<1x96x128xf32, #tpu.memory_space<vmem>> -> memref<96x128xf32, #tpu.memory_space<vmem>>
      %dma_start3A_127 = arith.constant 0 : i32
      %dma_start3A_128 = tpu.memref_slice %arg11[%add3A_23, %dma_start3A_127] : memref<10000x128xf32, #tpu.memory_space<vmem_shared>> -> memref<96x128xf32, #tpu.memory_space<vmem_shared>>
      %dma_start3A_129 = arith.constant 0 : i32
      %dma_start3A_130 = tpu.memref_slice %arg11[%add3A_23, %dma_start3A_129] : memref<10000x128xf32, #tpu.memory_space<vmem_shared>> -> memref<96x128xf32, #tpu.memory_space<vmem_shared>>
      %dma_start3A_131 = arith.constant 0 : i32
      %dma_start3A_132 = arith.constant 0 : i32
      %dma_start3A_133 = tpu.memref_slice %arg10[%run_scoped3A_24, %dma_start3A_131, %dma_start3A_132] : memref<3x96x128xf32, #tpu.memory_space<vmem>> -> memref<1x96x128xf32, #tpu.memory_space<vmem>>
      %dma_start3A_134 = tpu.memref_squeeze %dma_start3A_133 : memref<1x96x128xf32, #tpu.memory_space<vmem>> -> memref<96x128xf32, #tpu.memory_space<vmem>>
      tpu.enqueue_dma source(%dma_start3A_134 : memref<96x128xf32, #tpu.memory_space<vmem>>) target(%dma_start3A_130 : memref<96x128xf32, #tpu.memory_space<vmem_shared>>) target_semaphore(%run_scoped3A_122 : memref<!tpu.dma_semaphore, #tpu.memory_space<semaphore_mem>>)
      %dma_wait3A_135 = arith.constant 0 : i32
      %dma_wait3A_136 = arith.constant 0 : i32
      %dma_wait3A_137 = tpu.memref_slice %arg10[%run_scoped3A_24, %dma_wait3A_135, %dma_wait3A_136] : memref<3x96x128xf32, #tpu.memory_space<vmem>> -> memref<1x96x128xf32, #tpu.memory_space<vmem>>
      %dma_wait3A_138 = tpu.memref_squeeze %dma_wait3A_137 : memref<1x96x128xf32, #tpu.memory_space<vmem>> -> memref<96x128xf32, #tpu.memory_space<vmem>>
      %dma_wait3A_139 = arith.constant 0 : i32
      %dma_wait3A_140 = tpu.memref_slice %arg11[%add3A_23, %dma_wait3A_139] : memref<10000x128xf32, #tpu.memory_space<vmem_shared>> -> memref<96x128xf32, #tpu.memory_space<vmem_shared>>
      %dma_wait3A_141 = arith.constant 0 : i32
      %dma_wait3A_142 = tpu.memref_slice %arg11[%add3A_23, %dma_wait3A_141] : memref<10000x128xf32, #tpu.memory_space<vmem_shared>> -> memref<96x128xf32, #tpu.memory_space<vmem_shared>>
      %dma_wait3A_143 = arith.constant 0 : i32
      %dma_wait3A_144 = arith.constant 0 : i32
      %dma_wait3A_145 = tpu.memref_slice %arg10[%run_scoped3A_24, %dma_wait3A_143, %dma_wait3A_144] : memref<3x96x128xf32, #tpu.memory_space<vmem>> -> memref<1x96x128xf32, #tpu.memory_space<vmem>>
      %dma_wait3A_146 = tpu.memref_squeeze %dma_wait3A_145 : memref<1x96x128xf32, #tpu.memory_space<vmem>> -> memref<96x128xf32, #tpu.memory_space<vmem>>
      tpu.wait_dma2 semaphore(%run_scoped3A_122 : memref<!tpu.dma_semaphore, #tpu.memory_space<semaphore_mem>>) src(%dma_wait3A_146 : memref<96x128xf32, #tpu.memory_space<vmem>>) dst(%dma_wait3A_142 : memref<96x128xf32, #tpu.memory_space<vmem_shared>>)
      tpu.yield
    }) : () -> ()
    %mul3A_25 = arith.constant 624 : i32
    %mul3A_26 = arith.muli %arg1, %mul3A_25 : i32
    %add3A_27 = arith.constant 384 : i32
    %add3A_28 = arith.addi %mul3A_26, %add3A_27 : i32
    %run_scoped3A_29 = arith.constant 0 : i32
    "tpu.region"() ({
      %run_scoped3A_122 = tpu.sem_alloc : memref<!tpu.dma_semaphore, #tpu.memory_space<semaphore_mem>>
      %dma_start3A_123 = arith.constant 0 : i32
      %dma_start3A_124 = arith.constant 0 : i32
      %dma_start3A_125 = tpu.memref_slice %arg10[%run_scoped3A_29, %dma_start3A_123, %dma_start3A_124] : memref<3x96x128xf32, #tpu.memory_space<vmem>> -> memref<1x96x128xf32, #tpu.memory_space<vmem>>
      %dma_start3A_126 = tpu.memref_squeeze %dma_start3A_125 : memref<1x96x128xf32, #tpu.memory_space<vmem>> -> memref<96x128xf32, #tpu.memory_space<vmem>>
      %dma_start3A_127 = arith.constant 0 : i32
      %dma_start3A_128 = tpu.memref_slice %arg11[%add3A_28, %dma_start3A_127] : memref<10000x128xf32, #tpu.memory_space<vmem_shared>> -> memref<96x128xf32, #tpu.memory_space<vmem_shared>>
      %dma_start3A_129 = arith.constant 0 : i32
      %dma_start3A_130 = tpu.memref_slice %arg11[%add3A_28, %dma_start3A_129] : memref<10000x128xf32, #tpu.memory_space<vmem_shared>> -> memref<96x128xf32, #tpu.memory_space<vmem_shared>>
      %dma_start3A_131 = arith.constant 0 : i32
      %dma_start3A_132 = arith.constant 0 : i32
      %dma_start3A_133 = tpu.memref_slice %arg10[%run_scoped3A_29, %dma_start3A_131, %dma_start3A_132] : memref<3x96x128xf32, #tpu.memory_space<vmem>> -> memref<1x96x128xf32, #tpu.memory_space<vmem>>
      %dma_start3A_134 = tpu.memref_squeeze %dma_start3A_133 : memref<1x96x128xf32, #tpu.memory_space<vmem>> -> memref<96x128xf32, #tpu.memory_space<vmem>>
      tpu.enqueue_dma source(%dma_start3A_134 : memref<96x128xf32, #tpu.memory_space<vmem>>) target(%dma_start3A_130 : memref<96x128xf32, #tpu.memory_space<vmem_shared>>) target_semaphore(%run_scoped3A_122 : memref<!tpu.dma_semaphore, #tpu.memory_space<semaphore_mem>>)
      %dma_wait3A_135 = arith.constant 0 : i32
      %dma_wait3A_136 = arith.constant 0 : i32
      %dma_wait3A_137 = tpu.memref_slice %arg10[%run_scoped3A_29, %dma_wait3A_135, %dma_wait3A_136] : memref<3x96x128xf32, #tpu.memory_space<vmem>> -> memref<1x96x128xf32, #tpu.memory_space<vmem>>
      %dma_wait3A_138 = tpu.memref_squeeze %dma_wait3A_137 : memref<1x96x128xf32, #tpu.memory_space<vmem>> -> memref<96x128xf32, #tpu.memory_space<vmem>>
      %dma_wait3A_139 = arith.constant 0 : i32
      %dma_wait3A_140 = tpu.memref_slice %arg11[%add3A_28, %dma_wait3A_139] : memref<10000x128xf32, #tpu.memory_space<vmem_shared>> -> memref<96x128xf32, #tpu.memory_space<vmem_shared>>
      %dma_wait3A_141 = arith.constant 0 : i32
      %dma_wait3A_142 = tpu.memref_slice %arg11[%add3A_28, %dma_wait3A_141] : memref<10000x128xf32, #tpu.memory_space<vmem_shared>> -> memref<96x128xf32, #tpu.memory_space<vmem_shared>>
      %dma_wait3A_143 = arith.constant 0 : i32
      %dma_wait3A_144 = arith.constant 0 : i32
      %dma_wait3A_145 = tpu.memref_slice %arg10[%run_scoped3A_29, %dma_wait3A_143, %dma_wait3A_144] : memref<3x96x128xf32, #tpu.memory_space<vmem>> -> memref<1x96x128xf32, #tpu.memory_space<vmem>>
      %dma_wait3A_146 = tpu.memref_squeeze %dma_wait3A_145 : memref<1x96x128xf32, #tpu.memory_space<vmem>> -> memref<96x128xf32, #tpu.memory_space<vmem>>
      tpu.wait_dma2 semaphore(%run_scoped3A_122 : memref<!tpu.dma_semaphore, #tpu.memory_space<semaphore_mem>>) src(%dma_wait3A_146 : memref<96x128xf32, #tpu.memory_space<vmem>>) dst(%dma_wait3A_142 : memref<96x128xf32, #tpu.memory_space<vmem_shared>>)
      tpu.yield
    }) : () -> ()
    %mul3A_30 = arith.constant 624 : i32
    %mul3A_31 = arith.muli %arg1, %mul3A_30 : i32
    %add3A_32 = arith.constant 480 : i32
    %add3A_33 = arith.addi %mul3A_31, %add3A_32 : i32
    %run_scoped3A_34 = arith.constant 0 : i32
    "tpu.region"() ({
      %run_scoped3A_122 = tpu.sem_alloc : memref<!tpu.dma_semaphore, #tpu.memory_space<semaphore_mem>>
      %dma_start3A_123 = arith.constant 0 : i32
      %dma_start3A_124 = arith.constant 0 : i32
      %dma_start3A_125 = tpu.memref_slice %arg10[%run_scoped3A_34, %dma_start3A_123, %dma_start3A_124] : memref<3x96x128xf32, #tpu.memory_space<vmem>> -> memref<1x96x128xf32, #tpu.memory_space<vmem>>
      %dma_start3A_126 = tpu.memref_squeeze %dma_start3A_125 : memref<1x96x128xf32, #tpu.memory_space<vmem>> -> memref<96x128xf32, #tpu.memory_space<vmem>>
      %dma_start3A_127 = arith.constant 0 : i32
      %dma_start3A_128 = tpu.memref_slice %arg11[%add3A_33, %dma_start3A_127] : memref<10000x128xf32, #tpu.memory_space<vmem_shared>> -> memref<96x128xf32, #tpu.memory_space<vmem_shared>>
      %dma_start3A_129 = arith.constant 0 : i32
      %dma_start3A_130 = tpu.memref_slice %arg11[%add3A_33, %dma_start3A_129] : memref<10000x128xf32, #tpu.memory_space<vmem_shared>> -> memref<96x128xf32, #tpu.memory_space<vmem_shared>>
      %dma_start3A_131 = arith.constant 0 : i32
      %dma_start3A_132 = arith.constant 0 : i32
      %dma_start3A_133 = tpu.memref_slice %arg10[%run_scoped3A_34, %dma_start3A_131, %dma_start3A_132] : memref<3x96x128xf32, #tpu.memory_space<vmem>> -> memref<1x96x128xf32, #tpu.memory_space<vmem>>
      %dma_start3A_134 = tpu.memref_squeeze %dma_start3A_133 : memref<1x96x128xf32, #tpu.memory_space<vmem>> -> memref<96x128xf32, #tpu.memory_space<vmem>>
      tpu.enqueue_dma source(%dma_start3A_134 : memref<96x128xf32, #tpu.memory_space<vmem>>) target(%dma_start3A_130 : memref<96x128xf32, #tpu.memory_space<vmem_shared>>) target_semaphore(%run_scoped3A_122 : memref<!tpu.dma_semaphore, #tpu.memory_space<semaphore_mem>>)
      %dma_wait3A_135 = arith.constant 0 : i32
      %dma_wait3A_136 = arith.constant 0 : i32
      %dma_wait3A_137 = tpu.memref_slice %arg10[%run_scoped3A_34, %dma_wait3A_135, %dma_wait3A_136] : memref<3x96x128xf32, #tpu.memory_space<vmem>> -> memref<1x96x128xf32, #tpu.memory_space<vmem>>
      %dma_wait3A_138 = tpu.memref_squeeze %dma_wait3A_137 : memref<1x96x128xf32, #tpu.memory_space<vmem>> -> memref<96x128xf32, #tpu.memory_space<vmem>>
      %dma_wait3A_139 = arith.constant 0 : i32
      %dma_wait3A_140 = tpu.memref_slice %arg11[%add3A_33, %dma_wait3A_139] : memref<10000x128xf32, #tpu.memory_space<vmem_shared>> -> memref<96x128xf32, #tpu.memory_space<vmem_shared>>
      %dma_wait3A_141 = arith.constant 0 : i32
      %dma_wait3A_142 = tpu.memref_slice %arg11[%add3A_33, %dma_wait3A_141] : memref<10000x128xf32, #tpu.memory_space<vmem_shared>> -> memref<96x128xf32, #tpu.memory_space<vmem_shared>>
      %dma_wait3A_143 = arith.constant 0 : i32
      %dma_wait3A_144 = arith.constant 0 : i32
      %dma_wait3A_145 = tpu.memref_slice %arg10[%run_scoped3A_34, %dma_wait3A_143, %dma_wait3A_144] : memref<3x96x128xf32, #tpu.memory_space<vmem>> -> memref<1x96x128xf32, #tpu.memory_space<vmem>>
      %dma_wait3A_146 = tpu.memref_squeeze %dma_wait3A_145 : memref<1x96x128xf32, #tpu.memory_space<vmem>> -> memref<96x128xf32, #tpu.memory_space<vmem>>
      tpu.wait_dma2 semaphore(%run_scoped3A_122 : memref<!tpu.dma_semaphore, #tpu.memory_space<semaphore_mem>>) src(%dma_wait3A_146 : memref<96x128xf32, #tpu.memory_space<vmem>>) dst(%dma_wait3A_142 : memref<96x128xf32, #tpu.memory_space<vmem_shared>>)
      tpu.yield
    }) : () -> ()
    %mul3A_35 = arith.constant 624 : i32
    %mul3A_36 = arith.muli %arg1, %mul3A_35 : i32
    %add3A_37 = arith.constant 624 : i32
    %add3A_38 = arith.addi %mul3A_36, %add3A_37 : i32
    %sub3A = arith.constant 48 : i32
    %sub3A_39 = arith.subi %add3A_38, %sub3A : i32
    %run_scoped3A_40 = arith.constant 0 : i32
    "tpu.region"() ({
      %run_scoped3A_122 = tpu.sem_alloc : memref<!tpu.dma_semaphore, #tpu.memory_space<semaphore_mem>>
      %dma_start3A_123 = arith.constant 0 : i32
      %dma_start3A_124 = arith.constant 0 : i32
      %dma_start3A_125 = tpu.memref_slice %arg10[%run_scoped3A_40, %dma_start3A_123, %dma_start3A_124] : memref<3x96x128xf32, #tpu.memory_space<vmem>> -> memref<1x48x128xf32, #tpu.memory_space<vmem>>
      %dma_start3A_126 = tpu.memref_squeeze %dma_start3A_125 : memref<1x48x128xf32, #tpu.memory_space<vmem>> -> memref<48x128xf32, #tpu.memory_space<vmem>>
      %dma_start3A_127 = arith.constant 0 : i32
      %dma_start3A_128 = tpu.memref_slice %arg11[%sub3A_39, %dma_start3A_127] : memref<10000x128xf32, #tpu.memory_space<vmem_shared>> -> memref<48x128xf32, #tpu.memory_space<vmem_shared>>
      %dma_start3A_129 = arith.constant 0 : i32
      %dma_start3A_130 = tpu.memref_slice %arg11[%sub3A_39, %dma_start3A_129] : memref<10000x128xf32, #tpu.memory_space<vmem_shared>> -> memref<48x128xf32, #tpu.memory_space<vmem_shared>>
      %dma_start3A_131 = arith.constant 0 : i32
      %dma_start3A_132 = arith.constant 0 : i32
      %dma_start3A_133 = tpu.memref_slice %arg10[%run_scoped3A_40, %dma_start3A_131, %dma_start3A_132] : memref<3x96x128xf32, #tpu.memory_space<vmem>> -> memref<1x48x128xf32, #tpu.memory_space<vmem>>
      %dma_start3A_134 = tpu.memref_squeeze %dma_start3A_133 : memref<1x48x128xf32, #tpu.memory_space<vmem>> -> memref<48x128xf32, #tpu.memory_space<vmem>>
      tpu.enqueue_dma source(%dma_start3A_134 : memref<48x128xf32, #tpu.memory_space<vmem>>) target(%dma_start3A_130 : memref<48x128xf32, #tpu.memory_space<vmem_shared>>) target_semaphore(%run_scoped3A_122 : memref<!tpu.dma_semaphore, #tpu.memory_space<semaphore_mem>>)
      %dma_wait3A_135 = arith.constant 0 : i32
      %dma_wait3A_136 = arith.constant 0 : i32
      %dma_wait3A_137 = tpu.memref_slice %arg10[%run_scoped3A_40, %dma_wait3A_135, %dma_wait3A_136] : memref<3x96x128xf32, #tpu.memory_space<vmem>> -> memref<1x48x128xf32, #tpu.memory_space<vmem>>
      %dma_wait3A_138 = tpu.memref_squeeze %dma_wait3A_137 : memref<1x48x128xf32, #tpu.memory_space<vmem>> -> memref<48x128xf32, #tpu.memory_space<vmem>>
      %dma_wait3A_139 = arith.constant 0 : i32
      %dma_wait3A_140 = tpu.memref_slice %arg11[%sub3A_39, %dma_wait3A_139] : memref<10000x128xf32, #tpu.memory_space<vmem_shared>> -> memref<48x128xf32, #tpu.memory_space<vmem_shared>>
      %dma_wait3A_141 = arith.constant 0 : i32
      %dma_wait3A_142 = tpu.memref_slice %arg11[%sub3A_39, %dma_wait3A_141] : memref<10000x128xf32, #tpu.memory_space<vmem_shared>> -> memref<48x128xf32, #tpu.memory_space<vmem_shared>>
      %dma_wait3A_143 = arith.constant 0 : i32
      %dma_wait3A_144 = arith.constant 0 : i32
      %dma_wait3A_145 = tpu.memref_slice %arg10[%run_scoped3A_40, %dma_wait3A_143, %dma_wait3A_144] : memref<3x96x128xf32, #tpu.memory_space<vmem>> -> memref<1x48x128xf32, #tpu.memory_space<vmem>>
      %dma_wait3A_146 = tpu.memref_squeeze %dma_wait3A_145 : memref<1x48x128xf32, #tpu.memory_space<vmem>> -> memref<48x128xf32, #tpu.memory_space<vmem>>
      tpu.wait_dma2 semaphore(%run_scoped3A_122 : memref<!tpu.dma_semaphore, #tpu.memory_space<semaphore_mem>>) src(%dma_wait3A_146 : memref<48x128xf32, #tpu.memory_space<vmem>>) dst(%dma_wait3A_142 : memref<48x128xf32, #tpu.memory_space<vmem_shared>>)
      tpu.yield
    }) : () -> ()
    %eq3A = arith.constant 15 : i32
    %eq3A_41 = arith.cmpi eq, %arg1, %eq3A : i32
    %convert_element_type3A = arith.extui %eq3A_41 : i1 to i32
    %cond3A = arith.constant 0 : i32
    %cond3A_42 = arith.cmpi ne, %convert_element_type3A, %cond3A : i32
    scf.if %cond3A_42 {
      %run_scoped3A_122 = arith.constant 0 : i32
      "tpu.region"() ({
        %run_scoped3A_123 = tpu.sem_alloc : memref<!tpu.dma_semaphore, #tpu.memory_space<semaphore_mem>>
        %dma_start3A_124 = arith.constant 0 : i32
        %dma_start3A_125 = arith.constant 0 : i32
        %dma_start3A_126 = tpu.memref_slice %arg10[%run_scoped3A_122, %dma_start3A_124, %dma_start3A_125] : memref<3x96x128xf32, #tpu.memory_space<vmem>> -> memref<1x16x128xf32, #tpu.memory_space<vmem>>
        %dma_start3A_127 = tpu.memref_squeeze %dma_start3A_126 : memref<1x16x128xf32, #tpu.memory_space<vmem>> -> memref<16x128xf32, #tpu.memory_space<vmem>>
        %dma_start3A_128 = arith.constant 9984 : i32
        %dma_start3A_129 = arith.constant 0 : i32
        %dma_start3A_130 = tpu.memref_slice %arg11[%dma_start3A_128, %dma_start3A_129] : memref<10000x128xf32, #tpu.memory_space<vmem_shared>> -> memref<16x128xf32, #tpu.memory_space<vmem_shared>>
        %dma_start3A_131 = arith.constant 9984 : i32
        %dma_start3A_132 = arith.constant 0 : i32
        %dma_start3A_133 = tpu.memref_slice %arg11[%dma_start3A_131, %dma_start3A_132] : memref<10000x128xf32, #tpu.memory_space<vmem_shared>> -> memref<16x128xf32, #tpu.memory_space<vmem_shared>>
        %dma_start3A_134 = arith.constant 0 : i32
        %dma_start3A_135 = arith.constant 0 : i32
        %dma_start3A_136 = tpu.memref_slice %arg10[%run_scoped3A_122, %dma_start3A_134, %dma_start3A_135] : memref<3x96x128xf32, #tpu.memory_space<vmem>> -> memref<1x16x128xf32, #tpu.memory_space<vmem>>
        %dma_start3A_137 = tpu.memref_squeeze %dma_start3A_136 : memref<1x16x128xf32, #tpu.memory_space<vmem>> -> memref<16x128xf32, #tpu.memory_space<vmem>>
        tpu.enqueue_dma source(%dma_start3A_137 : memref<16x128xf32, #tpu.memory_space<vmem>>) target(%dma_start3A_133 : memref<16x128xf32, #tpu.memory_space<vmem_shared>>) target_semaphore(%run_scoped3A_123 : memref<!tpu.dma_semaphore, #tpu.memory_space<semaphore_mem>>)
        %dma_wait3A_138 = arith.constant 0 : i32
        %dma_wait3A_139 = arith.constant 0 : i32
        %dma_wait3A_140 = tpu.memref_slice %arg10[%run_scoped3A_122, %dma_wait3A_138, %dma_wait3A_139] : memref<3x96x128xf32, #tpu.memory_space<vmem>> -> memref<1x16x128xf32, #tpu.memory_space<vmem>>
        %dma_wait3A_141 = tpu.memref_squeeze %dma_wait3A_140 : memref<1x16x128xf32, #tpu.memory_space<vmem>> -> memref<16x128xf32, #tpu.memory_space<vmem>>
        %dma_wait3A_142 = arith.constant 9984 : i32
        %dma_wait3A_143 = arith.constant 0 : i32
        %dma_wait3A_144 = tpu.memref_slice %arg11[%dma_wait3A_142, %dma_wait3A_143] : memref<10000x128xf32, #tpu.memory_space<vmem_shared>> -> memref<16x128xf32, #tpu.memory_space<vmem_shared>>
        %dma_wait3A_145 = arith.constant 9984 : i32
        %dma_wait3A_146 = arith.constant 0 : i32
        %dma_wait3A_147 = tpu.memref_slice %arg11[%dma_wait3A_145, %dma_wait3A_146] : memref<10000x128xf32, #tpu.memory_space<vmem_shared>> -> memref<16x128xf32, #tpu.memory_space<vmem_shared>>
        %dma_wait3A_148 = arith.constant 0 : i32
        %dma_wait3A_149 = arith.constant 0 : i32
        %dma_wait3A_150 = tpu.memref_slice %arg10[%run_scoped3A_122, %dma_wait3A_148, %dma_wait3A_149] : memref<3x96x128xf32, #tpu.memory_space<vmem>> -> memref<1x16x128xf32, #tpu.memory_space<vmem>>
        %dma_wait3A_151 = tpu.memref_squeeze %dma_wait3A_150 : memref<1x16x128xf32, #tpu.memory_space<vmem>> -> memref<16x128xf32, #tpu.memory_space<vmem>>
        tpu.wait_dma2 semaphore(%run_scoped3A_123 : memref<!tpu.dma_semaphore, #tpu.memory_space<semaphore_mem>>) src(%dma_wait3A_151 : memref<16x128xf32, #tpu.memory_space<vmem>>) dst(%dma_wait3A_147 : memref<16x128xf32, #tpu.memory_space<vmem_shared>>)
        tpu.yield
      }) : () -> ()
    } else {
    }
    %barrier3A = arith.constant 0 : index
    tpu.barrier barrier_id(%barrier3A)
    %dma_start3A = arith.constant 0 : i32
    %dma_start3A_43 = arith.constant 0 : i32
    %dma_start3A_44 = arith.constant 0 : i32
    %dma_start3A_45 = arith.constant 0 : i32
    %dma_start3A_46 = arith.constant 0 : i32
    %dma_start3A_47 = tpu.memref_slice %arg6[%dma_start3A_44, %dma_start3A_45, %dma_start3A_46] : memref<2x13x96xi32, #tpu.memory_space<vmem>> -> memref<1x13x96xi32, #tpu.memory_space<vmem>>
    %dma_start3A_48 = tpu.memref_squeeze %dma_start3A_47 : memref<1x13x96xi32, #tpu.memory_space<vmem>> -> memref<13x96xi32, #tpu.memory_space<vmem>>
    %dma_start3A_49 = arith.constant 0 : i32
    %dma_start3A_50 = arith.constant 0 : i32
    %dma_start3A_51 = tpu.memref_slice %arg3[%dma_start3A, %add3A, %dma_start3A_43, %dma_start3A_49, %dma_start3A_50] : memref<2x32x8x13x96xi32, #tpu.memory_space<hbm>> -> memref<1x1x1x13x96xi32, #tpu.memory_space<hbm>>
    %dma_start3A_52 = tpu.memref_squeeze %dma_start3A_51 : memref<1x1x1x13x96xi32, #tpu.memory_space<hbm>> -> memref<13x96xi32, #tpu.memory_space<hbm>>
    %dma_start3A_53 = arith.constant 0 : i32
    %dma_start3A_54 = arith.constant 0 : i32
    %dma_start3A_55 = tpu.memref_slice %arg6[%dma_start3A_44, %dma_start3A_53, %dma_start3A_54] : memref<2x13x96xi32, #tpu.memory_space<vmem>> -> memref<1x13x96xi32, #tpu.memory_space<vmem>>
    %dma_start3A_56 = tpu.memref_squeeze %dma_start3A_55 : memref<1x13x96xi32, #tpu.memory_space<vmem>> -> memref<13x96xi32, #tpu.memory_space<vmem>>
    %dma_start3A_57 = arith.constant 0 : i32
    %dma_start3A_58 = arith.constant 0 : i32
    %dma_start3A_59 = tpu.memref_slice %arg3[%dma_start3A, %add3A, %dma_start3A_43, %dma_start3A_57, %dma_start3A_58] : memref<2x32x8x13x96xi32, #tpu.memory_space<hbm>> -> memref<1x1x1x13x96xi32, #tpu.memory_space<hbm>>
    %dma_start3A_60 = tpu.memref_squeeze %dma_start3A_59 : memref<1x1x1x13x96xi32, #tpu.memory_space<hbm>> -> memref<13x96xi32, #tpu.memory_space<hbm>>
    tpu.enqueue_dma source(%dma_start3A_60 : memref<13x96xi32, #tpu.memory_space<hbm>>) target(%dma_start3A_56 : memref<13x96xi32, #tpu.memory_space<vmem>>) target_semaphore(%arg14 : memref<!tpu.dma_semaphore, #tpu.memory_space<semaphore_mem>>)
    %dma_start3A_61 = arith.constant 1 : i32
    %dma_start3A_62 = arith.constant 0 : i32
    %dma_start3A_63 = arith.constant 0 : i32
    %dma_start3A_64 = arith.constant 0 : i32
    %dma_start3A_65 = arith.constant 0 : i32
    %dma_start3A_66 = tpu.memref_slice %arg7[%dma_start3A_63, %dma_start3A_64, %dma_start3A_65] : memref<2x13x96xi32, #tpu.memory_space<vmem>> -> memref<1x13x96xi32, #tpu.memory_space<vmem>>
    %dma_start3A_67 = tpu.memref_squeeze %dma_start3A_66 : memref<1x13x96xi32, #tpu.memory_space<vmem>> -> memref<13x96xi32, #tpu.memory_space<vmem>>
    %dma_start3A_68 = arith.constant 0 : i32
    %dma_start3A_69 = arith.constant 0 : i32
    %dma_start3A_70 = tpu.memref_slice %arg3[%dma_start3A_61, %add3A, %dma_start3A_62, %dma_start3A_68, %dma_start3A_69] : memref<2x32x8x13x96xi32, #tpu.memory_space<hbm>> -> memref<1x1x1x13x96xi32, #tpu.memory_space<hbm>>
    %dma_start3A_71 = tpu.memref_squeeze %dma_start3A_70 : memref<1x1x1x13x96xi32, #tpu.memory_space<hbm>> -> memref<13x96xi32, #tpu.memory_space<hbm>>
    %dma_start3A_72 = arith.constant 0 : i32
    %dma_start3A_73 = arith.constant 0 : i32
    %dma_start3A_74 = tpu.memref_slice %arg7[%dma_start3A_63, %dma_start3A_72, %dma_start3A_73] : memref<2x13x96xi32, #tpu.memory_space<vmem>> -> memref<1x13x96xi32, #tpu.memory_space<vmem>>
    %dma_start3A_75 = tpu.memref_squeeze %dma_start3A_74 : memref<1x13x96xi32, #tpu.memory_space<vmem>> -> memref<13x96xi32, #tpu.memory_space<vmem>>
    %dma_start3A_76 = arith.constant 0 : i32
    %dma_start3A_77 = arith.constant 0 : i32
    %dma_start3A_78 = tpu.memref_slice %arg3[%dma_start3A_61, %add3A, %dma_start3A_62, %dma_start3A_76, %dma_start3A_77] : memref<2x32x8x13x96xi32, #tpu.memory_space<hbm>> -> memref<1x1x1x13x96xi32, #tpu.memory_space<hbm>>
    %dma_start3A_79 = tpu.memref_squeeze %dma_start3A_78 : memref<1x1x1x13x96xi32, #tpu.memory_space<hbm>> -> memref<13x96xi32, #tpu.memory_space<hbm>>
    tpu.enqueue_dma source(%dma_start3A_79 : memref<13x96xi32, #tpu.memory_space<hbm>>) target(%dma_start3A_75 : memref<13x96xi32, #tpu.memory_space<vmem>>) target_semaphore(%arg14 : memref<!tpu.dma_semaphore, #tpu.memory_space<semaphore_mem>>)
    %scan3A_80 = arith.constant 0 : i32
    %scan3A_81 = arith.constant 8 : i32
    %scan3A_82 = arith.addi %scan3A_80, %scan3A_81 : i32
    %scan3A_83 = arith.constant 1 : i32
    scf.for %scan3A_122 = %scan3A_80 to %scan3A_82 step %scan3A_83  : i32 {
      %mul3A_123 = arith.constant 1 : i32
      %mul3A_124 = arith.muli %scan3A_122, %mul3A_123 : i32
      %add3A_125 = arith.constant 0 : i32
      %add3A_126 = arith.addi %add3A_125, %mul3A_124 : i32
      %jit3A = arith.constant 2 : i32
      %eq3A_127 = arith.constant 0 : i32
      %eq3A_128 = arith.cmpi eq, %jit3A, %eq3A_127 : i32
      %jit3A_129 = arith.constant 1 : i32
      %select_n3A = arith.select %eq3A_128, %jit3A_129, %jit3A : i32
      %rem3A = arith.remsi %add3A_126, %select_n3A : i32
      %ne3A = arith.constant 0 : i32
      %ne3A_130 = arith.cmpi ne, %rem3A, %ne3A : i32
      %lt3A = arith.constant 0 : i32
      %lt3A_131 = arith.cmpi slt, %rem3A, %lt3A : i32
      %lt3A_132 = arith.constant 0 : i32
      %lt3A_133 = arith.cmpi slt, %select_n3A, %lt3A_132 : i32
      %ne3A_134 = arith.xori %lt3A_131, %lt3A_133 : i1
      %and3A = arith.andi %ne3A_134, %ne3A_130 : i1
      %add3A_135 = arith.addi %rem3A, %select_n3A : i32
      %select_n3A_136 = arith.select %and3A, %add3A_135, %rem3A : i32
      %dma_wait3A_137 = arith.constant 0 : i32
      %dma_wait3A_138 = arith.constant 0 : i32
      %dma_wait3A_139 = arith.constant 0 : i32
      %dma_wait3A_140 = arith.constant 0 : i32
      %dma_wait3A_141 = arith.constant 0 : i32
      %dma_wait3A_142 = tpu.memref_slice %arg6[%dma_wait3A_139, %dma_wait3A_140, %dma_wait3A_141] : memref<2x13x96xi32, #tpu.memory_space<vmem>> -> memref<1x13x96xi32, #tpu.memory_space<vmem>>
      %dma_wait3A_143 = tpu.memref_squeeze %dma_wait3A_142 : memref<1x13x96xi32, #tpu.memory_space<vmem>> -> memref<13x96xi32, #tpu.memory_space<vmem>>
      %dma_wait3A_144 = arith.constant 0 : i32
      %dma_wait3A_145 = arith.constant 0 : i32
      %dma_wait3A_146 = tpu.memref_slice %arg3[%dma_wait3A_137, %add3A, %dma_wait3A_138, %dma_wait3A_144, %dma_wait3A_145] : memref<2x32x8x13x96xi32, #tpu.memory_space<hbm>> -> memref<1x1x1x13x96xi32, #tpu.memory_space<hbm>>
      %dma_wait3A_147 = tpu.memref_squeeze %dma_wait3A_146 : memref<1x1x1x13x96xi32, #tpu.memory_space<hbm>> -> memref<13x96xi32, #tpu.memory_space<hbm>>
      %dma_wait3A_148 = arith.constant 0 : i32
      %dma_wait3A_149 = arith.constant 0 : i32
      %dma_wait3A_150 = tpu.memref_slice %arg6[%dma_wait3A_139, %dma_wait3A_148, %dma_wait3A_149] : memref<2x13x96xi32, #tpu.memory_space<vmem>> -> memref<1x13x96xi32, #tpu.memory_space<vmem>>
      %dma_wait3A_151 = tpu.memref_squeeze %dma_wait3A_150 : memref<1x13x96xi32, #tpu.memory_space<vmem>> -> memref<13x96xi32, #tpu.memory_space<vmem>>
      %dma_wait3A_152 = arith.constant 0 : i32
      %dma_wait3A_153 = arith.constant 0 : i32
      %dma_wait3A_154 = tpu.memref_slice %arg3[%dma_wait3A_137, %add3A, %dma_wait3A_138, %dma_wait3A_152, %dma_wait3A_153] : memref<2x32x8x13x96xi32, #tpu.memory_space<hbm>> -> memref<1x1x1x13x96xi32, #tpu.memory_space<hbm>>
      %dma_wait3A_155 = tpu.memref_squeeze %dma_wait3A_154 : memref<1x1x1x13x96xi32, #tpu.memory_space<hbm>> -> memref<13x96xi32, #tpu.memory_space<hbm>>
      tpu.wait_dma2 semaphore(%arg14 : memref<!tpu.dma_semaphore, #tpu.memory_space<semaphore_mem>>) src(%dma_wait3A_155 : memref<13x96xi32, #tpu.memory_space<hbm>>) dst(%dma_wait3A_151 : memref<13x96xi32, #tpu.memory_space<vmem>>)
      %dma_wait3A_156 = arith.constant 1 : i32
      %dma_wait3A_157 = arith.constant 0 : i32
      %dma_wait3A_158 = arith.constant 0 : i32
      %dma_wait3A_159 = arith.constant 0 : i32
      %dma_wait3A_160 = arith.constant 0 : i32
      %dma_wait3A_161 = tpu.memref_slice %arg7[%dma_wait3A_158, %dma_wait3A_159, %dma_wait3A_160] : memref<2x13x96xi32, #tpu.memory_space<vmem>> -> memref<1x13x96xi32, #tpu.memory_space<vmem>>
      %dma_wait3A_162 = tpu.memref_squeeze %dma_wait3A_161 : memref<1x13x96xi32, #tpu.memory_space<vmem>> -> memref<13x96xi32, #tpu.memory_space<vmem>>
      %dma_wait3A_163 = arith.constant 0 : i32
      %dma_wait3A_164 = arith.constant 0 : i32
      %dma_wait3A_165 = tpu.memref_slice %arg3[%dma_wait3A_156, %add3A, %dma_wait3A_157, %dma_wait3A_163, %dma_wait3A_164] : memref<2x32x8x13x96xi32, #tpu.memory_space<hbm>> -> memref<1x1x1x13x96xi32, #tpu.memory_space<hbm>>
      %dma_wait3A_166 = tpu.memref_squeeze %dma_wait3A_165 : memref<1x1x1x13x96xi32, #tpu.memory_space<hbm>> -> memref<13x96xi32, #tpu.memory_space<hbm>>
      %dma_wait3A_167 = arith.constant 0 : i32
      %dma_wait3A_168 = arith.constant 0 : i32
      %dma_wait3A_169 = tpu.memref_slice %arg7[%dma_wait3A_158, %dma_wait3A_167, %dma_wait3A_168] : memref<2x13x96xi32, #tpu.memory_space<vmem>> -> memref<1x13x96xi32, #tpu.memory_space<vmem>>
      %dma_wait3A_170 = tpu.memref_squeeze %dma_wait3A_169 : memref<1x13x96xi32, #tpu.memory_space<vmem>> -> memref<13x96xi32, #tpu.memory_space<vmem>>
      %dma_wait3A_171 = arith.constant 0 : i32
      %dma_wait3A_172 = arith.constant 0 : i32
      %dma_wait3A_173 = tpu.memref_slice %arg3[%dma_wait3A_156, %add3A, %dma_wait3A_157, %dma_wait3A_171, %dma_wait3A_172] : memref<2x32x8x13x96xi32, #tpu.memory_space<hbm>> -> memref<1x1x1x13x96xi32, #tpu.memory_space<hbm>>
      %dma_wait3A_174 = tpu.memref_squeeze %dma_wait3A_173 : memref<1x1x1x13x96xi32, #tpu.memory_space<hbm>> -> memref<13x96xi32, #tpu.memory_space<hbm>>
      tpu.wait_dma2 semaphore(%arg14 : memref<!tpu.dma_semaphore, #tpu.memory_space<semaphore_mem>>) src(%dma_wait3A_174 : memref<13x96xi32, #tpu.memory_space<hbm>>) dst(%dma_wait3A_170 : memref<13x96xi32, #tpu.memory_space<vmem>>)
      %add3A_175 = arith.constant 1 : i32
      %add3A_176 = arith.addi %add3A_126, %add3A_175 : i32
      %lt3A_177 = arith.constant 8 : i32
      %lt3A_178 = arith.cmpi slt, %add3A_176, %lt3A_177 : i32
      %convert_element_type3A_179 = arith.extui %lt3A_178 : i1 to i32
      %cond3A_180 = arith.constant 0 : i32
      %cond3A_181 = arith.cmpi ne, %convert_element_type3A_179, %cond3A_180 : i32
      scf.if %cond3A_181 {
        %add3A_250 = arith.constant 1 : i32
        %add3A_251 = arith.addi %add3A_126, %add3A_250 : i32
        %sub3A_252 = arith.constant 1 : i32
        %sub3A_253 = arith.subi %sub3A_252, %select_n3A_136 : i32
        %dma_start3A_254 = arith.constant 0 : i32
        %dma_start3A_255 = arith.constant 0 : i32
        %dma_start3A_256 = arith.constant 0 : i32
        %dma_start3A_257 = tpu.memref_slice %arg6[%sub3A_253, %dma_start3A_255, %dma_start3A_256] : memref<2x13x96xi32, #tpu.memory_space<vmem>> -> memref<1x13x96xi32, #tpu.memory_space<vmem>>
        %dma_start3A_258 = tpu.memref_squeeze %dma_start3A_257 : memref<1x13x96xi32, #tpu.memory_space<vmem>> -> memref<13x96xi32, #tpu.memory_space<vmem>>
        %dma_start3A_259 = arith.constant 0 : i32
        %dma_start3A_260 = arith.constant 0 : i32
        %dma_start3A_261 = tpu.memref_slice %arg3[%dma_start3A_254, %add3A, %add3A_251, %dma_start3A_259, %dma_start3A_260] : memref<2x32x8x13x96xi32, #tpu.memory_space<hbm>> -> memref<1x1x1x13x96xi32, #tpu.memory_space<hbm>>
        %dma_start3A_262 = tpu.memref_squeeze %dma_start3A_261 : memref<1x1x1x13x96xi32, #tpu.memory_space<hbm>> -> memref<13x96xi32, #tpu.memory_space<hbm>>
        %dma_start3A_263 = arith.constant 0 : i32
        %dma_start3A_264 = arith.constant 0 : i32
        %dma_start3A_265 = tpu.memref_slice %arg6[%sub3A_253, %dma_start3A_263, %dma_start3A_264] : memref<2x13x96xi32, #tpu.memory_space<vmem>> -> memref<1x13x96xi32, #tpu.memory_space<vmem>>
        %dma_start3A_266 = tpu.memref_squeeze %dma_start3A_265 : memref<1x13x96xi32, #tpu.memory_space<vmem>> -> memref<13x96xi32, #tpu.memory_space<vmem>>
        %dma_start3A_267 = arith.constant 0 : i32
        %dma_start3A_268 = arith.constant 0 : i32
        %dma_start3A_269 = tpu.memref_slice %arg3[%dma_start3A_254, %add3A, %add3A_251, %dma_start3A_267, %dma_start3A_268] : memref<2x32x8x13x96xi32, #tpu.memory_space<hbm>> -> memref<1x1x1x13x96xi32, #tpu.memory_space<hbm>>
        %dma_start3A_270 = tpu.memref_squeeze %dma_start3A_269 : memref<1x1x1x13x96xi32, #tpu.memory_space<hbm>> -> memref<13x96xi32, #tpu.memory_space<hbm>>
        tpu.enqueue_dma source(%dma_start3A_270 : memref<13x96xi32, #tpu.memory_space<hbm>>) target(%dma_start3A_266 : memref<13x96xi32, #tpu.memory_space<vmem>>) target_semaphore(%arg14 : memref<!tpu.dma_semaphore, #tpu.memory_space<semaphore_mem>>)
        %add3A_271 = arith.constant 1 : i32
        %add3A_272 = arith.addi %add3A_126, %add3A_271 : i32
        %sub3A_273 = arith.constant 1 : i32
        %sub3A_274 = arith.subi %sub3A_273, %select_n3A_136 : i32
        %dma_start3A_275 = arith.constant 1 : i32
        %dma_start3A_276 = arith.constant 0 : i32
        %dma_start3A_277 = arith.constant 0 : i32
        %dma_start3A_278 = tpu.memref_slice %arg7[%sub3A_274, %dma_start3A_276, %dma_start3A_277] : memref<2x13x96xi32, #tpu.memory_space<vmem>> -> memref<1x13x96xi32, #tpu.memory_space<vmem>>
        %dma_start3A_279 = tpu.memref_squeeze %dma_start3A_278 : memref<1x13x96xi32, #tpu.memory_space<vmem>> -> memref<13x96xi32, #tpu.memory_space<vmem>>
        %dma_start3A_280 = arith.constant 0 : i32
        %dma_start3A_281 = arith.constant 0 : i32
        %dma_start3A_282 = tpu.memref_slice %arg3[%dma_start3A_275, %add3A, %add3A_272, %dma_start3A_280, %dma_start3A_281] : memref<2x32x8x13x96xi32, #tpu.memory_space<hbm>> -> memref<1x1x1x13x96xi32, #tpu.memory_space<hbm>>
        %dma_start3A_283 = tpu.memref_squeeze %dma_start3A_282 : memref<1x1x1x13x96xi32, #tpu.memory_space<hbm>> -> memref<13x96xi32, #tpu.memory_space<hbm>>
        %dma_start3A_284 = arith.constant 0 : i32
        %dma_start3A_285 = arith.constant 0 : i32
        %dma_start3A_286 = tpu.memref_slice %arg7[%sub3A_274, %dma_start3A_284, %dma_start3A_285] : memref<2x13x96xi32, #tpu.memory_space<vmem>> -> memref<1x13x96xi32, #tpu.memory_space<vmem>>
        %dma_start3A_287 = tpu.memref_squeeze %dma_start3A_286 : memref<1x13x96xi32, #tpu.memory_space<vmem>> -> memref<13x96xi32, #tpu.memory_space<vmem>>
        %dma_start3A_288 = arith.constant 0 : i32
        %dma_start3A_289 = arith.constant 0 : i32
        %dma_start3A_290 = tpu.memref_slice %arg3[%dma_start3A_275, %add3A, %add3A_272, %dma_start3A_288, %dma_start3A_289] : memref<2x32x8x13x96xi32, #tpu.memory_space<hbm>> -> memref<1x1x1x13x96xi32, #tpu.memory_space<hbm>>
        %dma_start3A_291 = tpu.memref_squeeze %dma_start3A_290 : memref<1x1x1x13x96xi32, #tpu.memory_space<hbm>> -> memref<13x96xi32, #tpu.memory_space<hbm>>
        tpu.enqueue_dma source(%dma_start3A_291 : memref<13x96xi32, #tpu.memory_space<hbm>>) target(%dma_start3A_287 : memref<13x96xi32, #tpu.memory_space<vmem>>) target_semaphore(%arg14 : memref<!tpu.dma_semaphore, #tpu.memory_space<semaphore_mem>>)
      } else {
      }
      %dma_start3A_182 = arith.constant 0 : i32
      %dma_start3A_183 = arith.constant 0 : i32
      %dma_start3A_184 = arith.constant 0 : i32
      %dma_start3A_185 = arith.constant 0 : i32
      %dma_start3A_186 = tpu.memref_slice %arg10[%dma_start3A_183, %dma_start3A_184, %dma_start3A_185] : memref<3x96x128xf32, #tpu.memory_space<vmem>> -> memref<1x96x128xf32, #tpu.memory_space<vmem>>
      %dma_start3A_187 = tpu.memref_squeeze %dma_start3A_186 : memref<1x96x128xf32, #tpu.memory_space<vmem>> -> memref<96x128xf32, #tpu.memory_space<vmem>>
      %dma_start3A_188 = arith.constant 0 : i32
      %dma_start3A_189 = tpu.memref_slice %arg6[%select_n3A_136, %dma_start3A_182, %dma_start3A_188] : memref<2x13x96xi32, #tpu.memory_space<vmem>> -> memref<1x1x96xi32, #tpu.memory_space<vmem>>
      %dma_start3A_190 = tpu.memref_squeeze %dma_start3A_189 : memref<1x1x96xi32, #tpu.memory_space<vmem>> -> memref<96xi32, #tpu.memory_space<vmem>>
      %dma_start3A_191 = arith.constant 0 : i32
      %dma_start3A_192 = arith.constant 0 : i32
      %dma_start3A_193 = tpu.memref_slice %arg2[%dma_start3A_191, %dma_start3A_192] : memref<10000x128xf32, #tpu.memory_space<hbm>> -> memref<10000x128xf32, #tpu.memory_space<hbm>>
      tpu.enqueue_indirect_dma source(%dma_start3A_193 : memref<10000x128xf32, #tpu.memory_space<hbm>>) target(%dma_start3A_187 : memref<96x128xf32, #tpu.memory_space<vmem>>) offsets(%dma_start3A_190 : memref<96xi32, #tpu.memory_space<vmem>>) semaphore(%arg12 : memref<!tpu.dma_semaphore, #tpu.memory_space<semaphore_mem>>)
      %dma_start3A_194 = arith.constant 1 : i32
      %dma_start3A_195 = arith.constant 1 : i32
      %dma_start3A_196 = arith.constant 0 : i32
      %dma_start3A_197 = arith.constant 0 : i32
      %dma_start3A_198 = tpu.memref_slice %arg10[%dma_start3A_195, %dma_start3A_196, %dma_start3A_197] : memref<3x96x128xf32, #tpu.memory_space<vmem>> -> memref<1x96x128xf32, #tpu.memory_space<vmem>>
      %dma_start3A_199 = tpu.memref_squeeze %dma_start3A_198 : memref<1x96x128xf32, #tpu.memory_space<vmem>> -> memref<96x128xf32, #tpu.memory_space<vmem>>
      %dma_start3A_200 = arith.constant 0 : i32
      %dma_start3A_201 = tpu.memref_slice %arg6[%select_n3A_136, %dma_start3A_194, %dma_start3A_200] : memref<2x13x96xi32, #tpu.memory_space<vmem>> -> memref<1x1x96xi32, #tpu.memory_space<vmem>>
      %dma_start3A_202 = tpu.memref_squeeze %dma_start3A_201 : memref<1x1x96xi32, #tpu.memory_space<vmem>> -> memref<96xi32, #tpu.memory_space<vmem>>
      %dma_start3A_203 = arith.constant 0 : i32
      %dma_start3A_204 = arith.constant 0 : i32
      %dma_start3A_205 = tpu.memref_slice %arg2[%dma_start3A_203, %dma_start3A_204] : memref<10000x128xf32, #tpu.memory_space<hbm>> -> memref<10000x128xf32, #tpu.memory_space<hbm>>
      tpu.enqueue_indirect_dma source(%dma_start3A_205 : memref<10000x128xf32, #tpu.memory_space<hbm>>) target(%dma_start3A_199 : memref<96x128xf32, #tpu.memory_space<vmem>>) offsets(%dma_start3A_202 : memref<96xi32, #tpu.memory_space<vmem>>) semaphore(%arg12 : memref<!tpu.dma_semaphore, #tpu.memory_space<semaphore_mem>>)
      %scan3A_206 = arith.constant 0 : i32
      %scan3A_207 = arith.constant 13 : i32
      %scan3A_208 = arith.addi %scan3A_206, %scan3A_207 : i32
      %scan3A_209 = arith.constant 1 : i32
      scf.for %scan3A_250 = %scan3A_206 to %scan3A_208 step %scan3A_209  : i32 {
        %mul3A_251 = arith.constant 1 : i32
        %mul3A_252 = arith.muli %scan3A_250, %mul3A_251 : i32
        %add3A_253 = arith.constant 0 : i32
        %add3A_254 = arith.addi %add3A_253, %mul3A_252 : i32
        %add3A_255 = arith.constant 3 : i32
        %add3A_256 = arith.addi %add3A_254, %add3A_255 : i32
        %sub3A_257 = arith.constant 1 : i32
        %sub3A_258 = arith.subi %add3A_256, %sub3A_257 : i32
        %lt3A_259 = arith.constant 13 : i32
        %lt3A_260 = arith.cmpi slt, %sub3A_258, %lt3A_259 : i32
        %convert_element_type3A_261 = arith.extui %lt3A_260 : i1 to i32
        %cond3A_262 = arith.constant 0 : i32
        %cond3A_263 = arith.cmpi ne, %convert_element_type3A_261, %cond3A_262 : i32
        scf.if %cond3A_263 {
          %ge3A = arith.constant 1 : i32
          %ge3A_316 = arith.cmpi sge, %add3A_254, %ge3A : i32
          %convert_element_type3A_317 = arith.extui %ge3A_316 : i1 to i32
          %cond3A_318 = arith.constant 0 : i32
          %cond3A_319 = arith.cmpi ne, %convert_element_type3A_317, %cond3A_318 : i32
          scf.if %cond3A_319 {
            %dma_wait3A_346 = arith.constant 0 : i32
            %dma_wait3A_347 = arith.constant 0 : i32
            %dma_wait3A_348 = arith.constant 0 : i32
            %dma_wait3A_349 = arith.constant 0 : i32
            %dma_wait3A_350 = arith.constant 0 : i32
            %dma_wait3A_351 = tpu.memref_slice %arg10[%dma_wait3A_346, %dma_wait3A_349, %dma_wait3A_350] : memref<3x96x128xf32, #tpu.memory_space<vmem>> -> memref<1x96x128xf32, #tpu.memory_space<vmem>>
            %dma_wait3A_352 = tpu.memref_squeeze %dma_wait3A_351 : memref<1x96x128xf32, #tpu.memory_space<vmem>> -> memref<96x128xf32, #tpu.memory_space<vmem>>
            %dma_wait3A_353 = arith.constant 0 : i32
            %dma_wait3A_354 = tpu.memref_slice %arg7[%dma_wait3A_347, %dma_wait3A_348, %dma_wait3A_353] : memref<2x13x96xi32, #tpu.memory_space<vmem>> -> memref<1x1x96xi32, #tpu.memory_space<vmem>>
            %dma_wait3A_355 = tpu.memref_squeeze %dma_wait3A_354 : memref<1x1x96xi32, #tpu.memory_space<vmem>> -> memref<96xi32, #tpu.memory_space<vmem>>
            %dma_wait3A_356 = arith.constant 0 : i32
            %dma_wait3A_357 = arith.constant 0 : i32
            %dma_wait3A_358 = tpu.memref_slice %arg11[%dma_wait3A_356, %dma_wait3A_357] : memref<10000x128xf32, #tpu.memory_space<vmem_shared>> -> memref<10000x128xf32, #tpu.memory_space<vmem_shared>>
            tpu.wait_indirect_dma semaphore(%arg13 : memref<!tpu.dma_semaphore, #tpu.memory_space<semaphore_mem>>) src(%dma_wait3A_352 : memref<96x128xf32, #tpu.memory_space<vmem>>) dst(%dma_wait3A_358 : memref<10000x128xf32, #tpu.memory_space<vmem_shared>>)
          } else {
          }
          %jit3A_320 = arith.constant 3 : i32
          %eq3A_321 = arith.constant 0 : i32
          %eq3A_322 = arith.cmpi eq, %jit3A_320, %eq3A_321 : i32
          %jit3A_323 = arith.constant 1 : i32
          %select_n3A_324 = arith.select %eq3A_322, %jit3A_323, %jit3A_320 : i32
          %rem3A_325 = arith.remsi %sub3A_258, %select_n3A_324 : i32
          %ne3A_326 = arith.constant 0 : i32
          %ne3A_327 = arith.cmpi ne, %rem3A_325, %ne3A_326 : i32
          %lt3A_328 = arith.constant 0 : i32
          %lt3A_329 = arith.cmpi slt, %rem3A_325, %lt3A_328 : i32
          %lt3A_330 = arith.constant 0 : i32
          %lt3A_331 = arith.cmpi slt, %select_n3A_324, %lt3A_330 : i32
          %ne3A_332 = arith.xori %lt3A_329, %lt3A_331 : i1
          %and3A_333 = arith.andi %ne3A_332, %ne3A_327 : i1
          %add3A_334 = arith.addi %rem3A_325, %select_n3A_324 : i32
          %select_n3A_335 = arith.select %and3A_333, %add3A_334, %rem3A_325 : i32
          %dma_start3A_336 = arith.constant 0 : i32
          %dma_start3A_337 = arith.constant 0 : i32
          %dma_start3A_338 = tpu.memref_slice %arg10[%select_n3A_335, %dma_start3A_336, %dma_start3A_337] : memref<3x96x128xf32, #tpu.memory_space<vmem>> -> memref<1x96x128xf32, #tpu.memory_space<vmem>>
          %dma_start3A_339 = tpu.memref_squeeze %dma_start3A_338 : memref<1x96x128xf32, #tpu.memory_space<vmem>> -> memref<96x128xf32, #tpu.memory_space<vmem>>
          %dma_start3A_340 = arith.constant 0 : i32
          %dma_start3A_341 = tpu.memref_slice %arg6[%select_n3A_136, %sub3A_258, %dma_start3A_340] : memref<2x13x96xi32, #tpu.memory_space<vmem>> -> memref<1x1x96xi32, #tpu.memory_space<vmem>>
          %dma_start3A_342 = tpu.memref_squeeze %dma_start3A_341 : memref<1x1x96xi32, #tpu.memory_space<vmem>> -> memref<96xi32, #tpu.memory_space<vmem>>
          %dma_start3A_343 = arith.constant 0 : i32
          %dma_start3A_344 = arith.constant 0 : i32
          %dma_start3A_345 = tpu.memref_slice %arg2[%dma_start3A_343, %dma_start3A_344] : memref<10000x128xf32, #tpu.memory_space<hbm>> -> memref<10000x128xf32, #tpu.memory_space<hbm>>
          tpu.enqueue_indirect_dma source(%dma_start3A_345 : memref<10000x128xf32, #tpu.memory_space<hbm>>) target(%dma_start3A_339 : memref<96x128xf32, #tpu.memory_space<vmem>>) offsets(%dma_start3A_342 : memref<96xi32, #tpu.memory_space<vmem>>) semaphore(%arg12 : memref<!tpu.dma_semaphore, #tpu.memory_space<semaphore_mem>>)
        } else {
        }
        %jit3A_264 = arith.constant 3 : i32
        %eq3A_265 = arith.constant 0 : i32
        %eq3A_266 = arith.cmpi eq, %jit3A_264, %eq3A_265 : i32
        %jit3A_267 = arith.constant 1 : i32
        %select_n3A_268 = arith.select %eq3A_266, %jit3A_267, %jit3A_264 : i32
        %rem3A_269 = arith.remsi %add3A_254, %select_n3A_268 : i32
        %ne3A_270 = arith.constant 0 : i32
        %ne3A_271 = arith.cmpi ne, %rem3A_269, %ne3A_270 : i32
        %lt3A_272 = arith.constant 0 : i32
        %lt3A_273 = arith.cmpi slt, %rem3A_269, %lt3A_272 : i32
        %lt3A_274 = arith.constant 0 : i32
        %lt3A_275 = arith.cmpi slt, %select_n3A_268, %lt3A_274 : i32
        %ne3A_276 = arith.xori %lt3A_273, %lt3A_275 : i1
        %and3A_277 = arith.andi %ne3A_276, %ne3A_271 : i1
        %add3A_278 = arith.addi %rem3A_269, %select_n3A_268 : i32
        %select_n3A_279 = arith.select %and3A_277, %add3A_278, %rem3A_269 : i32
        %dma_wait3A_280 = arith.constant 0 : i32
        %dma_wait3A_281 = arith.constant 0 : i32
        %dma_wait3A_282 = tpu.memref_slice %arg10[%select_n3A_279, %dma_wait3A_280, %dma_wait3A_281] : memref<3x96x128xf32, #tpu.memory_space<vmem>> -> memref<1x96x128xf32, #tpu.memory_space<vmem>>
        %dma_wait3A_283 = tpu.memref_squeeze %dma_wait3A_282 : memref<1x96x128xf32, #tpu.memory_space<vmem>> -> memref<96x128xf32, #tpu.memory_space<vmem>>
        %dma_wait3A_284 = arith.constant 0 : i32
        %dma_wait3A_285 = tpu.memref_slice %arg6[%select_n3A_136, %add3A_254, %dma_wait3A_284] : memref<2x13x96xi32, #tpu.memory_space<vmem>> -> memref<1x1x96xi32, #tpu.memory_space<vmem>>
        %dma_wait3A_286 = tpu.memref_squeeze %dma_wait3A_285 : memref<1x1x96xi32, #tpu.memory_space<vmem>> -> memref<96xi32, #tpu.memory_space<vmem>>
        %dma_wait3A_287 = arith.constant 0 : i32
        %dma_wait3A_288 = arith.constant 0 : i32
        %dma_wait3A_289 = tpu.memref_slice %arg2[%dma_wait3A_287, %dma_wait3A_288] : memref<10000x128xf32, #tpu.memory_space<hbm>> -> memref<10000x128xf32, #tpu.memory_space<hbm>>
        tpu.wait_indirect_dma semaphore(%arg12 : memref<!tpu.dma_semaphore, #tpu.memory_space<semaphore_mem>>) src(%dma_wait3A_289 : memref<10000x128xf32, #tpu.memory_space<hbm>>) dst(%dma_wait3A_283 : memref<96x128xf32, #tpu.memory_space<vmem>>)
        %jit3A_290 = arith.constant 3 : i32
        %eq3A_291 = arith.constant 0 : i32
        %eq3A_292 = arith.cmpi eq, %jit3A_290, %eq3A_291 : i32
        %jit3A_293 = arith.constant 1 : i32
        %select_n3A_294 = arith.select %eq3A_292, %jit3A_293, %jit3A_290 : i32
        %rem3A_295 = arith.remsi %add3A_254, %select_n3A_294 : i32
        %ne3A_296 = arith.constant 0 : i32
        %ne3A_297 = arith.cmpi ne, %rem3A_295, %ne3A_296 : i32
        %lt3A_298 = arith.constant 0 : i32
        %lt3A_299 = arith.cmpi slt, %rem3A_295, %lt3A_298 : i32
        %lt3A_300 = arith.constant 0 : i32
        %lt3A_301 = arith.cmpi slt, %select_n3A_294, %lt3A_300 : i32
        %ne3A_302 = arith.xori %lt3A_299, %lt3A_301 : i1
        %and3A_303 = arith.andi %ne3A_302, %ne3A_297 : i1
        %add3A_304 = arith.addi %rem3A_295, %select_n3A_294 : i32
        %select_n3A_305 = arith.select %and3A_303, %add3A_304, %rem3A_295 : i32
        %dma_start3A_306 = arith.constant 0 : i32
        %dma_start3A_307 = arith.constant 0 : i32
        %dma_start3A_308 = tpu.memref_slice %arg10[%select_n3A_305, %dma_start3A_306, %dma_start3A_307] : memref<3x96x128xf32, #tpu.memory_space<vmem>> -> memref<1x96x128xf32, #tpu.memory_space<vmem>>
        %dma_start3A_309 = tpu.memref_squeeze %dma_start3A_308 : memref<1x96x128xf32, #tpu.memory_space<vmem>> -> memref<96x128xf32, #tpu.memory_space<vmem>>
        %dma_start3A_310 = arith.constant 0 : i32
        %dma_start3A_311 = tpu.memref_slice %arg7[%select_n3A_136, %add3A_254, %dma_start3A_310] : memref<2x13x96xi32, #tpu.memory_space<vmem>> -> memref<1x1x96xi32, #tpu.memory_space<vmem>>
        %dma_start3A_312 = tpu.memref_squeeze %dma_start3A_311 : memref<1x1x96xi32, #tpu.memory_space<vmem>> -> memref<96xi32, #tpu.memory_space<vmem>>
        %dma_start3A_313 = arith.constant 0 : i32
        %dma_start3A_314 = arith.constant 0 : i32
        %dma_start3A_315 = tpu.memref_slice %arg11[%dma_start3A_313, %dma_start3A_314] : memref<10000x128xf32, #tpu.memory_space<vmem_shared>> -> memref<10000x128xf32, #tpu.memory_space<vmem_shared>>
        tpu.enqueue_indirect_dma source(%dma_start3A_309 : memref<96x128xf32, #tpu.memory_space<vmem>>) target(%dma_start3A_315 : memref<10000x128xf32, #tpu.memory_space<vmem_shared>>) offsets(%dma_start3A_312 : memref<96xi32, #tpu.memory_space<vmem>>) semaphore(%arg13 : memref<!tpu.dma_semaphore, #tpu.memory_space<semaphore_mem>>) {add = true}
      }
      %scan3A_210 = arith.constant 13 : i32
      %dma_wait3A_211 = arith.constant 0 : i32
      %dma_wait3A_212 = arith.constant 0 : i32
      %dma_wait3A_213 = arith.constant 0 : i32
      %dma_wait3A_214 = arith.constant 0 : i32
      %dma_wait3A_215 = arith.constant 0 : i32
      %dma_wait3A_216 = tpu.memref_slice %arg10[%dma_wait3A_211, %dma_wait3A_214, %dma_wait3A_215] : memref<3x96x128xf32, #tpu.memory_space<vmem>> -> memref<1x96x128xf32, #tpu.memory_space<vmem>>
      %dma_wait3A_217 = tpu.memref_squeeze %dma_wait3A_216 : memref<1x96x128xf32, #tpu.memory_space<vmem>> -> memref<96x128xf32, #tpu.memory_space<vmem>>
      %dma_wait3A_218 = arith.constant 0 : i32
      %dma_wait3A_219 = tpu.memref_slice %arg7[%dma_wait3A_212, %dma_wait3A_213, %dma_wait3A_218] : memref<2x13x96xi32, #tpu.memory_space<vmem>> -> memref<1x1x96xi32, #tpu.memory_space<vmem>>
      %dma_wait3A_220 = tpu.memref_squeeze %dma_wait3A_219 : memref<1x1x96xi32, #tpu.memory_space<vmem>> -> memref<96xi32, #tpu.memory_space<vmem>>
      %dma_wait3A_221 = arith.constant 0 : i32
      %dma_wait3A_222 = arith.constant 0 : i32
      %dma_wait3A_223 = tpu.memref_slice %arg11[%dma_wait3A_221, %dma_wait3A_222] : memref<10000x128xf32, #tpu.memory_space<vmem_shared>> -> memref<10000x128xf32, #tpu.memory_space<vmem_shared>>
      tpu.wait_indirect_dma semaphore(%arg13 : memref<!tpu.dma_semaphore, #tpu.memory_space<semaphore_mem>>) src(%dma_wait3A_217 : memref<96x128xf32, #tpu.memory_space<vmem>>) dst(%dma_wait3A_223 : memref<10000x128xf32, #tpu.memory_space<vmem_shared>>)
      %dma_wait3A_224 = arith.constant 0 : i32
      %dma_wait3A_225 = arith.constant 0 : i32
      %dma_wait3A_226 = arith.constant 0 : i32
      %dma_wait3A_227 = arith.constant 0 : i32
      %dma_wait3A_228 = arith.constant 0 : i32
      %dma_wait3A_229 = tpu.memref_slice %arg10[%dma_wait3A_224, %dma_wait3A_227, %dma_wait3A_228] : memref<3x96x128xf32, #tpu.memory_space<vmem>> -> memref<1x96x128xf32, #tpu.memory_space<vmem>>
      %dma_wait3A_230 = tpu.memref_squeeze %dma_wait3A_229 : memref<1x96x128xf32, #tpu.memory_space<vmem>> -> memref<96x128xf32, #tpu.memory_space<vmem>>
      %dma_wait3A_231 = arith.constant 0 : i32
      %dma_wait3A_232 = tpu.memref_slice %arg7[%dma_wait3A_225, %dma_wait3A_226, %dma_wait3A_231] : memref<2x13x96xi32, #tpu.memory_space<vmem>> -> memref<1x1x96xi32, #tpu.memory_space<vmem>>
      %dma_wait3A_233 = tpu.memref_squeeze %dma_wait3A_232 : memref<1x1x96xi32, #tpu.memory_space<vmem>> -> memref<96xi32, #tpu.memory_space<vmem>>
      %dma_wait3A_234 = arith.constant 0 : i32
      %dma_wait3A_235 = arith.constant 0 : i32
      %dma_wait3A_236 = tpu.memref_slice %arg11[%dma_wait3A_234, %dma_wait3A_235] : memref<10000x128xf32, #tpu.memory_space<vmem_shared>> -> memref<10000x128xf32, #tpu.memory_space<vmem_shared>>
      tpu.wait_indirect_dma semaphore(%arg13 : memref<!tpu.dma_semaphore, #tpu.memory_space<semaphore_mem>>) src(%dma_wait3A_230 : memref<96x128xf32, #tpu.memory_space<vmem>>) dst(%dma_wait3A_236 : memref<10000x128xf32, #tpu.memory_space<vmem_shared>>)
      %dma_wait3A_237 = arith.constant 0 : i32
      %dma_wait3A_238 = arith.constant 0 : i32
      %dma_wait3A_239 = arith.constant 0 : i32
      %dma_wait3A_240 = arith.constant 0 : i32
      %dma_wait3A_241 = arith.constant 0 : i32
      %dma_wait3A_242 = tpu.memref_slice %arg10[%dma_wait3A_237, %dma_wait3A_240, %dma_wait3A_241] : memref<3x96x128xf32, #tpu.memory_space<vmem>> -> memref<1x96x128xf32, #tpu.memory_space<vmem>>
      %dma_wait3A_243 = tpu.memref_squeeze %dma_wait3A_242 : memref<1x96x128xf32, #tpu.memory_space<vmem>> -> memref<96x128xf32, #tpu.memory_space<vmem>>
      %dma_wait3A_244 = arith.constant 0 : i32
      %dma_wait3A_245 = tpu.memref_slice %arg7[%dma_wait3A_238, %dma_wait3A_239, %dma_wait3A_244] : memref<2x13x96xi32, #tpu.memory_space<vmem>> -> memref<1x1x96xi32, #tpu.memory_space<vmem>>
      %dma_wait3A_246 = tpu.memref_squeeze %dma_wait3A_245 : memref<1x1x96xi32, #tpu.memory_space<vmem>> -> memref<96xi32, #tpu.memory_space<vmem>>
      %dma_wait3A_247 = arith.constant 0 : i32
      %dma_wait3A_248 = arith.constant 0 : i32
      %dma_wait3A_249 = tpu.memref_slice %arg11[%dma_wait3A_247, %dma_wait3A_248] : memref<10000x128xf32, #tpu.memory_space<vmem_shared>> -> memref<10000x128xf32, #tpu.memory_space<vmem_shared>>
      tpu.wait_indirect_dma semaphore(%arg13 : memref<!tpu.dma_semaphore, #tpu.memory_space<semaphore_mem>>) src(%dma_wait3A_243 : memref<96x128xf32, #tpu.memory_space<vmem>>) dst(%dma_wait3A_249 : memref<10000x128xf32, #tpu.memory_space<vmem_shared>>)
    }
    %scan3A_84 = arith.constant 8 : i32
    %run_scoped3A_85 = arith.constant 0 : i32
    "tpu.region"() ({
      %run_scoped3A_122 = tpu.sem_alloc : memref<!tpu.dma_semaphore, #tpu.memory_space<semaphore_mem>>
      %dma_start3A_123 = arith.constant 0 : i32
      %dma_start3A_124 = arith.constant 0 : i32
      %dma_start3A_125 = tpu.memref_slice %arg4[%run_scoped3A_85, %add3A, %dma_start3A_123, %dma_start3A_124] : memref<2x32x1x16xi32, #tpu.memory_space<hbm>> -> memref<1x1x1x16xi32, #tpu.memory_space<hbm>>
      %dma_start3A_126 = tpu.memref_squeeze %dma_start3A_125 : memref<1x1x1x16xi32, #tpu.memory_space<hbm>> -> memref<1x16xi32, #tpu.memory_space<hbm>>
      %dma_start3A_127 = arith.constant 0 : i32
      %dma_start3A_128 = arith.constant 0 : i32
      %dma_start3A_129 = tpu.memref_slice %arg4[%run_scoped3A_85, %add3A, %dma_start3A_127, %dma_start3A_128] : memref<2x32x1x16xi32, #tpu.memory_space<hbm>> -> memref<1x1x1x16xi32, #tpu.memory_space<hbm>>
      %dma_start3A_130 = tpu.memref_squeeze %dma_start3A_129 : memref<1x1x1x16xi32, #tpu.memory_space<hbm>> -> memref<1x16xi32, #tpu.memory_space<hbm>>
      tpu.enqueue_dma source(%dma_start3A_130 : memref<1x16xi32, #tpu.memory_space<hbm>>) target(%arg8 : memref<1x16xi32, #tpu.memory_space<vmem>>) target_semaphore(%run_scoped3A_122 : memref<!tpu.dma_semaphore, #tpu.memory_space<semaphore_mem>>)
      %dma_wait3A_131 = arith.constant 0 : i32
      %dma_wait3A_132 = arith.constant 0 : i32
      %dma_wait3A_133 = tpu.memref_slice %arg4[%run_scoped3A_85, %add3A, %dma_wait3A_131, %dma_wait3A_132] : memref<2x32x1x16xi32, #tpu.memory_space<hbm>> -> memref<1x1x1x16xi32, #tpu.memory_space<hbm>>
      %dma_wait3A_134 = tpu.memref_squeeze %dma_wait3A_133 : memref<1x1x1x16xi32, #tpu.memory_space<hbm>> -> memref<1x16xi32, #tpu.memory_space<hbm>>
      %dma_wait3A_135 = arith.constant 0 : i32
      %dma_wait3A_136 = arith.constant 0 : i32
      %dma_wait3A_137 = tpu.memref_slice %arg4[%run_scoped3A_85, %add3A, %dma_wait3A_135, %dma_wait3A_136] : memref<2x32x1x16xi32, #tpu.memory_space<hbm>> -> memref<1x1x1x16xi32, #tpu.memory_space<hbm>>
      %dma_wait3A_138 = tpu.memref_squeeze %dma_wait3A_137 : memref<1x1x1x16xi32, #tpu.memory_space<hbm>> -> memref<1x16xi32, #tpu.memory_space<hbm>>
      tpu.wait_dma2 semaphore(%run_scoped3A_122 : memref<!tpu.dma_semaphore, #tpu.memory_space<semaphore_mem>>) src(%dma_wait3A_138 : memref<1x16xi32, #tpu.memory_space<hbm>>) dst(%arg8 : memref<1x16xi32, #tpu.memory_space<vmem>>)
      tpu.yield
    }) : () -> ()
    %run_scoped3A_86 = arith.constant 1 : i32
    "tpu.region"() ({
      %run_scoped3A_122 = tpu.sem_alloc : memref<!tpu.dma_semaphore, #tpu.memory_space<semaphore_mem>>
      %dma_start3A_123 = arith.constant 0 : i32
      %dma_start3A_124 = arith.constant 0 : i32
      %dma_start3A_125 = tpu.memref_slice %arg4[%run_scoped3A_86, %add3A, %dma_start3A_123, %dma_start3A_124] : memref<2x32x1x16xi32, #tpu.memory_space<hbm>> -> memref<1x1x1x16xi32, #tpu.memory_space<hbm>>
      %dma_start3A_126 = tpu.memref_squeeze %dma_start3A_125 : memref<1x1x1x16xi32, #tpu.memory_space<hbm>> -> memref<1x16xi32, #tpu.memory_space<hbm>>
      %dma_start3A_127 = arith.constant 0 : i32
      %dma_start3A_128 = arith.constant 0 : i32
      %dma_start3A_129 = tpu.memref_slice %arg4[%run_scoped3A_86, %add3A, %dma_start3A_127, %dma_start3A_128] : memref<2x32x1x16xi32, #tpu.memory_space<hbm>> -> memref<1x1x1x16xi32, #tpu.memory_space<hbm>>
      %dma_start3A_130 = tpu.memref_squeeze %dma_start3A_129 : memref<1x1x1x16xi32, #tpu.memory_space<hbm>> -> memref<1x16xi32, #tpu.memory_space<hbm>>
      tpu.enqueue_dma source(%dma_start3A_130 : memref<1x16xi32, #tpu.memory_space<hbm>>) target(%arg9 : memref<1x16xi32, #tpu.memory_space<vmem>>) target_semaphore(%run_scoped3A_122 : memref<!tpu.dma_semaphore, #tpu.memory_space<semaphore_mem>>)
      %dma_wait3A_131 = arith.constant 0 : i32
      %dma_wait3A_132 = arith.constant 0 : i32
      %dma_wait3A_133 = tpu.memref_slice %arg4[%run_scoped3A_86, %add3A, %dma_wait3A_131, %dma_wait3A_132] : memref<2x32x1x16xi32, #tpu.memory_space<hbm>> -> memref<1x1x1x16xi32, #tpu.memory_space<hbm>>
      %dma_wait3A_134 = tpu.memref_squeeze %dma_wait3A_133 : memref<1x1x1x16xi32, #tpu.memory_space<hbm>> -> memref<1x16xi32, #tpu.memory_space<hbm>>
      %dma_wait3A_135 = arith.constant 0 : i32
      %dma_wait3A_136 = arith.constant 0 : i32
      %dma_wait3A_137 = tpu.memref_slice %arg4[%run_scoped3A_86, %add3A, %dma_wait3A_135, %dma_wait3A_136] : memref<2x32x1x16xi32, #tpu.memory_space<hbm>> -> memref<1x1x1x16xi32, #tpu.memory_space<hbm>>
      %dma_wait3A_138 = tpu.memref_squeeze %dma_wait3A_137 : memref<1x1x1x16xi32, #tpu.memory_space<hbm>> -> memref<1x16xi32, #tpu.memory_space<hbm>>
      tpu.wait_dma2 semaphore(%run_scoped3A_122 : memref<!tpu.dma_semaphore, #tpu.memory_space<semaphore_mem>>) src(%dma_wait3A_138 : memref<1x16xi32, #tpu.memory_space<hbm>>) dst(%arg9 : memref<1x16xi32, #tpu.memory_space<vmem>>)
      tpu.yield
    }) : () -> ()
    %dma_start3A_87 = arith.constant 0 : i32
    %dma_start3A_88 = arith.constant 0 : i32
    %dma_start3A_89 = arith.constant 0 : i32
    %dma_start3A_90 = arith.constant 0 : i32
    %dma_start3A_91 = tpu.memref_slice %arg10[%dma_start3A_88, %dma_start3A_89, %dma_start3A_90] : memref<3x96x128xf32, #tpu.memory_space<vmem>> -> memref<1x16x128xf32, #tpu.memory_space<vmem>>
    %dma_start3A_92 = tpu.memref_squeeze %dma_start3A_91 : memref<1x16x128xf32, #tpu.memory_space<vmem>> -> memref<16x128xf32, #tpu.memory_space<vmem>>
    %dma_start3A_93 = arith.constant 0 : i32
    %dma_start3A_94 = tpu.memref_slice %arg8[%dma_start3A_87, %dma_start3A_93] : memref<1x16xi32, #tpu.memory_space<vmem>> -> memref<1x16xi32, #tpu.memory_space<vmem>>
    %dma_start3A_95 = tpu.memref_squeeze %dma_start3A_94 : memref<1x16xi32, #tpu.memory_space<vmem>> -> memref<16xi32, #tpu.memory_space<vmem>>
    %dma_start3A_96 = arith.constant 0 : i32
    %dma_start3A_97 = arith.constant 0 : i32
    %dma_start3A_98 = tpu.memref_slice %arg2[%dma_start3A_96, %dma_start3A_97] : memref<10000x128xf32, #tpu.memory_space<hbm>> -> memref<10000x128xf32, #tpu.memory_space<hbm>>
    tpu.enqueue_indirect_dma source(%dma_start3A_98 : memref<10000x128xf32, #tpu.memory_space<hbm>>) target(%dma_start3A_92 : memref<16x128xf32, #tpu.memory_space<vmem>>) offsets(%dma_start3A_95 : memref<16xi32, #tpu.memory_space<vmem>>) semaphore(%arg12 : memref<!tpu.dma_semaphore, #tpu.memory_space<semaphore_mem>>)
    %dma_wait3A = arith.constant 0 : i32
    %dma_wait3A_99 = arith.constant 0 : i32
    %dma_wait3A_100 = arith.constant 0 : i32
    %dma_wait3A_101 = arith.constant 0 : i32
    %dma_wait3A_102 = tpu.memref_slice %arg10[%dma_wait3A_99, %dma_wait3A_100, %dma_wait3A_101] : memref<3x96x128xf32, #tpu.memory_space<vmem>> -> memref<1x16x128xf32, #tpu.memory_space<vmem>>
    %dma_wait3A_103 = tpu.memref_squeeze %dma_wait3A_102 : memref<1x16x128xf32, #tpu.memory_space<vmem>> -> memref<16x128xf32, #tpu.memory_space<vmem>>
    %dma_wait3A_104 = arith.constant 0 : i32
    %dma_wait3A_105 = tpu.memref_slice %arg8[%dma_wait3A, %dma_wait3A_104] : memref<1x16xi32, #tpu.memory_space<vmem>> -> memref<1x16xi32, #tpu.memory_space<vmem>>
    %dma_wait3A_106 = tpu.memref_squeeze %dma_wait3A_105 : memref<1x16xi32, #tpu.memory_space<vmem>> -> memref<16xi32, #tpu.memory_space<vmem>>
    %dma_wait3A_107 = arith.constant 0 : i32
    %dma_wait3A_108 = arith.constant 0 : i32
    %dma_wait3A_109 = tpu.memref_slice %arg2[%dma_wait3A_107, %dma_wait3A_108] : memref<10000x128xf32, #tpu.memory_space<hbm>> -> memref<10000x128xf32, #tpu.memory_space<hbm>>
    tpu.wait_indirect_dma semaphore(%arg12 : memref<!tpu.dma_semaphore, #tpu.memory_space<semaphore_mem>>) src(%dma_wait3A_109 : memref<10000x128xf32, #tpu.memory_space<hbm>>) dst(%dma_wait3A_103 : memref<16x128xf32, #tpu.memory_space<vmem>>)
    %run_scoped3A_110 = arith.constant 0 : i32
    %run_scoped3A_111 = arith.constant 0 : i32
    "tpu.region"() ({
      %run_scoped3A_122 = tpu.sem_alloc : memref<!tpu.dma_semaphore, #tpu.memory_space<semaphore_mem>>
      %dma_start3A_123 = arith.constant 0 : i32
      %dma_start3A_124 = arith.constant 0 : i32
      %dma_start3A_125 = tpu.memref_slice %arg10[%run_scoped3A_110, %dma_start3A_123, %dma_start3A_124] : memref<3x96x128xf32, #tpu.memory_space<vmem>> -> memref<1x16x128xf32, #tpu.memory_space<vmem>>
      %dma_start3A_126 = tpu.memref_squeeze %dma_start3A_125 : memref<1x16x128xf32, #tpu.memory_space<vmem>> -> memref<16x128xf32, #tpu.memory_space<vmem>>
      %dma_start3A_127 = arith.constant 0 : i32
      %dma_start3A_128 = tpu.memref_slice %arg9[%run_scoped3A_111, %dma_start3A_127] : memref<1x16xi32, #tpu.memory_space<vmem>> -> memref<1x16xi32, #tpu.memory_space<vmem>>
      %dma_start3A_129 = tpu.memref_squeeze %dma_start3A_128 : memref<1x16xi32, #tpu.memory_space<vmem>> -> memref<16xi32, #tpu.memory_space<vmem>>
      %dma_start3A_130 = arith.constant 0 : i32
      %dma_start3A_131 = arith.constant 0 : i32
      %dma_start3A_132 = tpu.memref_slice %arg11[%dma_start3A_130, %dma_start3A_131] : memref<10000x128xf32, #tpu.memory_space<vmem_shared>> -> memref<10000x128xf32, #tpu.memory_space<vmem_shared>>
      tpu.enqueue_indirect_dma source(%dma_start3A_126 : memref<16x128xf32, #tpu.memory_space<vmem>>) target(%dma_start3A_132 : memref<10000x128xf32, #tpu.memory_space<vmem_shared>>) offsets(%dma_start3A_129 : memref<16xi32, #tpu.memory_space<vmem>>) semaphore(%run_scoped3A_122 : memref<!tpu.dma_semaphore, #tpu.memory_space<semaphore_mem>>) {add = true}
      %dma_wait3A_133 = arith.constant 0 : i32
      %dma_wait3A_134 = arith.constant 0 : i32
      %dma_wait3A_135 = tpu.memref_slice %arg10[%run_scoped3A_110, %dma_wait3A_133, %dma_wait3A_134] : memref<3x96x128xf32, #tpu.memory_space<vmem>> -> memref<1x16x128xf32, #tpu.memory_space<vmem>>
      %dma_wait3A_136 = tpu.memref_squeeze %dma_wait3A_135 : memref<1x16x128xf32, #tpu.memory_space<vmem>> -> memref<16x128xf32, #tpu.memory_space<vmem>>
      %dma_wait3A_137 = arith.constant 0 : i32
      %dma_wait3A_138 = tpu.memref_slice %arg9[%run_scoped3A_111, %dma_wait3A_137] : memref<1x16xi32, #tpu.memory_space<vmem>> -> memref<1x16xi32, #tpu.memory_space<vmem>>
      %dma_wait3A_139 = tpu.memref_squeeze %dma_wait3A_138 : memref<1x16xi32, #tpu.memory_space<vmem>> -> memref<16xi32, #tpu.memory_space<vmem>>
      %dma_wait3A_140 = arith.constant 0 : i32
      %dma_wait3A_141 = arith.constant 0 : i32
      %dma_wait3A_142 = tpu.memref_slice %arg11[%dma_wait3A_140, %dma_wait3A_141] : memref<10000x128xf32, #tpu.memory_space<vmem_shared>> -> memref<10000x128xf32, #tpu.memory_space<vmem_shared>>
      tpu.wait_indirect_dma semaphore(%run_scoped3A_122 : memref<!tpu.dma_semaphore, #tpu.memory_space<semaphore_mem>>) src(%dma_wait3A_136 : memref<16x128xf32, #tpu.memory_space<vmem>>) dst(%dma_wait3A_142 : memref<10000x128xf32, #tpu.memory_space<vmem_shared>>)
      tpu.yield
    }) : () -> ()
    %barrier3A_112 = arith.constant 0 : index
    tpu.barrier barrier_id(%barrier3A_112)
    %mul3A_113 = arith.constant 624 : i32
    %mul3A_114 = arith.muli %arg1, %mul3A_113 : i32
    %mul3A_115 = arith.constant 624 : i32
    %mul3A_116 = arith.muli %arg1, %mul3A_115 : i32
    "tpu.region"() ({
      %run_scoped3A_122 = tpu.sem_alloc : memref<!tpu.dma_semaphore, #tpu.memory_space<semaphore_mem>>
      %dma_start3A_123 = arith.constant 0 : i32
      %dma_start3A_124 = tpu.memref_slice %arg5[%arg0, %mul3A_116, %dma_start3A_123] : memref<2x10000x128xf32, #tpu.memory_space<hbm>> -> memref<1x624x128xf32, #tpu.memory_space<hbm>>
      %dma_start3A_125 = tpu.memref_squeeze %dma_start3A_124 : memref<1x624x128xf32, #tpu.memory_space<hbm>> -> memref<624x128xf32, #tpu.memory_space<hbm>>
      %dma_start3A_126 = arith.constant 0 : i32
      %dma_start3A_127 = tpu.memref_slice %arg11[%mul3A_114, %dma_start3A_126] : memref<10000x128xf32, #tpu.memory_space<vmem_shared>> -> memref<624x128xf32, #tpu.memory_space<vmem_shared>>
      tpu.enqueue_dma source(%dma_start3A_127 : memref<624x128xf32, #tpu.memory_space<vmem_shared>>) target(%dma_start3A_125 : memref<624x128xf32, #tpu.memory_space<hbm>>) target_semaphore(%run_scoped3A_122 : memref<!tpu.dma_semaphore, #tpu.memory_space<semaphore_mem>>)
      %dma_wait3A_128 = arith.constant 0 : i32
      %dma_wait3A_129 = tpu.memref_slice %arg5[%arg0, %mul3A_116, %dma_wait3A_128] : memref<2x10000x128xf32, #tpu.memory_space<hbm>> -> memref<1x624x128xf32, #tpu.memory_space<hbm>>
      %dma_wait3A_130 = tpu.memref_squeeze %dma_wait3A_129 : memref<1x624x128xf32, #tpu.memory_space<hbm>> -> memref<624x128xf32, #tpu.memory_space<hbm>>
      %dma_wait3A_131 = arith.constant 0 : i32
      %dma_wait3A_132 = tpu.memref_slice %arg11[%mul3A_114, %dma_wait3A_131] : memref<10000x128xf32, #tpu.memory_space<vmem_shared>> -> memref<624x128xf32, #tpu.memory_space<vmem_shared>>
      tpu.wait_dma2 semaphore(%run_scoped3A_122 : memref<!tpu.dma_semaphore, #tpu.memory_space<semaphore_mem>>) src(%dma_wait3A_132 : memref<624x128xf32, #tpu.memory_space<vmem_shared>>) dst(%dma_wait3A_130 : memref<624x128xf32, #tpu.memory_space<hbm>>)
      tpu.yield
    }) : () -> ()
    %eq3A_117 = arith.constant 15 : i32
    %eq3A_118 = arith.cmpi eq, %arg1, %eq3A_117 : i32
    %convert_element_type3A_119 = arith.extui %eq3A_118 : i1 to i32
    %cond3A_120 = arith.constant 0 : i32
    %cond3A_121 = arith.cmpi ne, %convert_element_type3A_119, %cond3A_120 : i32
    scf.if %cond3A_121 {
      "tpu.region"() ({
        %run_scoped3A_122 = tpu.sem_alloc : memref<!tpu.dma_semaphore, #tpu.memory_space<semaphore_mem>>
        %dma_start3A_123 = arith.constant 9984 : i32
        %dma_start3A_124 = arith.constant 0 : i32
        %dma_start3A_125 = tpu.memref_slice %arg5[%arg0, %dma_start3A_123, %dma_start3A_124] : memref<2x10000x128xf32, #tpu.memory_space<hbm>> -> memref<1x16x128xf32, #tpu.memory_space<hbm>>
        %dma_start3A_126 = tpu.memref_squeeze %dma_start3A_125 : memref<1x16x128xf32, #tpu.memory_space<hbm>> -> memref<16x128xf32, #tpu.memory_space<hbm>>
        %dma_start3A_127 = arith.constant 9984 : i32
        %dma_start3A_128 = arith.constant 0 : i32
        %dma_start3A_129 = tpu.memref_slice %arg11[%dma_start3A_127, %dma_start3A_128] : memref<10000x128xf32, #tpu.memory_space<vmem_shared>> -> memref<16x128xf32, #tpu.memory_space<vmem_shared>>
        tpu.enqueue_dma source(%dma_start3A_129 : memref<16x128xf32, #tpu.memory_space<vmem_shared>>) target(%dma_start3A_126 : memref<16x128xf32, #tpu.memory_space<hbm>>) target_semaphore(%run_scoped3A_122 : memref<!tpu.dma_semaphore, #tpu.memory_space<semaphore_mem>>)
        %dma_wait3A_130 = arith.constant 9984 : i32
        %dma_wait3A_131 = arith.constant 0 : i32
        %dma_wait3A_132 = tpu.memref_slice %arg5[%arg0, %dma_wait3A_130, %dma_wait3A_131] : memref<2x10000x128xf32, #tpu.memory_space<hbm>> -> memref<1x16x128xf32, #tpu.memory_space<hbm>>
        %dma_wait3A_133 = tpu.memref_squeeze %dma_wait3A_132 : memref<1x16x128xf32, #tpu.memory_space<hbm>> -> memref<16x128xf32, #tpu.memory_space<hbm>>
        %dma_wait3A_134 = arith.constant 9984 : i32
        %dma_wait3A_135 = arith.constant 0 : i32
        %dma_wait3A_136 = tpu.memref_slice %arg11[%dma_wait3A_134, %dma_wait3A_135] : memref<10000x128xf32, #tpu.memory_space<vmem_shared>> -> memref<16x128xf32, #tpu.memory_space<vmem_shared>>
        tpu.wait_dma2 semaphore(%run_scoped3A_122 : memref<!tpu.dma_semaphore, #tpu.memory_space<semaphore_mem>>) src(%dma_wait3A_136 : memref<16x128xf32, #tpu.memory_space<vmem_shared>>) dst(%dma_wait3A_133 : memref<16x128xf32, #tpu.memory_space<hbm>>)
        tpu.yield
      }) : () -> ()
    } else {
    }
    return
  }
}

module attributes {stable_mosaic.version = 14 : i64} {
  func.func @_pre_body(%arg0: memref<10000x128xf32, #tpu.memory_space<vmem>>, %arg1: memref<128x128xf32, #tpu.memory_space<vmem>>, %arg2: memref<32x10000xf32, #tpu.memory_space<vmem>>, %arg3: memref<10000x128xf32, #tpu.memory_space<vmem>>) attributes {dimension_semantics = [], scalar_prefetch = 0 : i64, scratch_operands = 0 : i64, tpu.core_type = #tpu.core_type<tc>} {
    %get3A = arith.constant 0 : index
    %get3A_0 = arith.constant 0 : index
    %get3A_1 = vector.load %arg2[%get3A, %get3A_0] : memref<32x10000xf32, #tpu.memory_space<vmem>>, vector<32x10000xf32>
    %reduce_sum3A = arith.constant dense<0.000000e+00> : vector<10000xf32>
    %reduce_sum3A_2 = vector.multi_reduction <add>, %get3A_1, %reduce_sum3A [0] : vector<32x10000xf32> to vector<10000xf32>
    %add3A = arith.constant 1.000000e+00 : f32
    %add3A_3 = vector.broadcast %add3A : f32 to vector<10000xf32>
    %add3A_4 = arith.addf %reduce_sum3A_2, %add3A_3 : vector<10000xf32>
    %max3A = arith.constant 1.000000e+00 : f32
    %max3A_5 = vector.broadcast %max3A : f32 to vector<10000xf32>
    %max3A_6 = arith.maximumf %add3A_4, %max3A_5 : vector<10000xf32>
    %rsqrt3A = math.rsqrt %max3A_6 : vector<10000xf32>
    %get3A_7 = arith.constant 0 : index
    %get3A_8 = arith.constant 0 : index
    %get3A_9 = vector.load %arg0[%get3A_7, %get3A_8] : memref<10000x128xf32, #tpu.memory_space<vmem>>, vector<10000x128xf32>
    %get3A_10 = arith.constant 0 : index
    %get3A_11 = arith.constant 0 : index
    %get3A_12 = vector.load %arg1[%get3A_10, %get3A_11] : memref<128x128xf32, #tpu.memory_space<vmem>>, vector<128x128xf32>
    %dot_general3A = arith.constant dense<0.000000e+00> : vector<10000x128xf32>
    %dot_general3A_13 = tpu.matmul %get3A_9, %get3A_12, %dot_general3A {dimension_numbers = #tpu.dot_dimension_numbers<[1], [0], [0], [1], [0, 0, 1, 1], [], []>, transpose_lhs_hint = false} : vector<10000x128xf32>, vector<128x128xf32>, vector<10000x128xf32> -> vector<10000x128xf32>
    %broadcast_in_dim3A = vector.shape_cast %rsqrt3A : vector<10000xf32> to vector<10000x1xf32>
    %mul3A = vector.broadcast %broadcast_in_dim3A : vector<10000x1xf32> to vector<10000x128xf32>
    %mul3A_14 = arith.mulf %dot_general3A_13, %mul3A : vector<10000x128xf32>
    %swap3A = arith.constant 0 : index
    %swap3A_15 = arith.constant 0 : index
    %swap3A_16 = vector.load %arg3[%swap3A, %swap3A_15] : memref<10000x128xf32, #tpu.memory_space<vmem>>, vector<10000x128xf32>
    tpu.vector_store %arg3[%swap3A, %swap3A_15], %mul3A_14 {strides = array<i32>} : memref<10000x128xf32, #tpu.memory_space<vmem>>, vector<10000x128xf32>,
    return
  }
}

module attributes {stable_mosaic.version = 14 : i64} {
  func.func @_mid_body(%arg0: memref<2x10000x128xf32, #tpu.memory_space<vmem>>, %arg1: memref<10000x128xf32, #tpu.memory_space<vmem>>, %arg2: memref<32x10000xf32, #tpu.memory_space<vmem>>, %arg3: memref<1x128xf32, #tpu.memory_space<vmem>>, %arg4: memref<128x128xf32, #tpu.memory_space<vmem>>, %arg5: memref<10000x128xf32, #tpu.memory_space<vmem>>) attributes {dimension_semantics = [], scalar_prefetch = 0 : i64, scratch_operands = 0 : i64, tpu.core_type = #tpu.core_type<tc>} {
    %get3A = arith.constant 0 : index
    %get3A_0 = arith.constant 0 : index
    %get3A_1 = vector.load %arg2[%get3A, %get3A_0] : memref<32x10000xf32, #tpu.memory_space<vmem>>, vector<32x10000xf32>
    %reduce_sum3A = arith.constant dense<0.000000e+00> : vector<10000xf32>
    %reduce_sum3A_2 = vector.multi_reduction <add>, %get3A_1, %reduce_sum3A [0] : vector<32x10000xf32> to vector<10000xf32>
    %add3A = arith.constant 1.000000e+00 : f32
    %add3A_3 = vector.broadcast %add3A : f32 to vector<10000xf32>
    %add3A_4 = arith.addf %reduce_sum3A_2, %add3A_3 : vector<10000xf32>
    %max3A = arith.constant 1.000000e+00 : f32
    %max3A_5 = vector.broadcast %max3A : f32 to vector<10000xf32>
    %max3A_6 = arith.maximumf %add3A_4, %max3A_5 : vector<10000xf32>
    %rsqrt3A = math.rsqrt %max3A_6 : vector<10000xf32>
    %broadcast_in_dim3A = vector.shape_cast %rsqrt3A : vector<10000xf32> to vector<10000x1xf32>
    %get3A_7 = arith.constant 0 : index
    %get3A_8 = arith.constant 0 : index
    %get3A_9 = arith.constant 0 : index
    %get3A_10 = vector.load %arg0[%get3A_7, %get3A_8, %get3A_9] : memref<2x10000x128xf32, #tpu.memory_space<vmem>>, vector<1x10000x128xf32>
    %get3A_11 = vector.shape_cast %get3A_10 : vector<1x10000x128xf32> to vector<10000x128xf32>
    %get3A_12 = arith.constant 1 : index
    %get3A_13 = arith.constant 0 : index
    %get3A_14 = arith.constant 0 : index
    %get3A_15 = vector.load %arg0[%get3A_12, %get3A_13, %get3A_14] : memref<2x10000x128xf32, #tpu.memory_space<vmem>>, vector<1x10000x128xf32>
    %get3A_16 = vector.shape_cast %get3A_15 : vector<1x10000x128xf32> to vector<10000x128xf32>
    %add3A_17 = arith.addf %get3A_11, %get3A_16 : vector<10000x128xf32>
    %get3A_18 = arith.constant 0 : index
    %get3A_19 = arith.constant 0 : index
    %get3A_20 = vector.load %arg1[%get3A_18, %get3A_19] : memref<10000x128xf32, #tpu.memory_space<vmem>>, vector<10000x128xf32>
    %add3A_21 = arith.addf %add3A_17, %get3A_20 : vector<10000x128xf32>
    %mul3A = vector.broadcast %broadcast_in_dim3A : vector<10000x1xf32> to vector<10000x128xf32>
    %mul3A_22 = arith.mulf %add3A_21, %mul3A : vector<10000x128xf32>
    %get3A_23 = arith.constant 0 : index
    %get3A_24 = arith.constant 0 : index
    %get3A_25 = vector.load %arg3[%get3A_23, %get3A_24] : memref<1x128xf32, #tpu.memory_space<vmem>>, vector<1x128xf32>
    %add3A_26 = vector.broadcast %get3A_25 : vector<1x128xf32> to vector<10000x128xf32>
    %add3A_27 = arith.addf %mul3A_22, %add3A_26 : vector<10000x128xf32>
    %max3A_28 = arith.constant 0.000000e+00 : f32
    %max3A_29 = vector.broadcast %max3A_28 : f32 to vector<10000x128xf32>
    %max3A_30 = arith.maximumf %add3A_27, %max3A_29 : vector<10000x128xf32>
    %get3A_31 = arith.constant 0 : index
    %get3A_32 = arith.constant 0 : index
    %get3A_33 = vector.load %arg4[%get3A_31, %get3A_32] : memref<128x128xf32, #tpu.memory_space<vmem>>, vector<128x128xf32>
    %dot_general3A = arith.constant dense<0.000000e+00> : vector<10000x128xf32>
    %dot_general3A_34 = tpu.matmul %max3A_30, %get3A_33, %dot_general3A {dimension_numbers = #tpu.dot_dimension_numbers<[1], [0], [0], [1], [0, 0, 1, 1], [], []>, transpose_lhs_hint = false} : vector<10000x128xf32>, vector<128x128xf32>, vector<10000x128xf32> -> vector<10000x128xf32>
    %mul3A_35 = vector.broadcast %broadcast_in_dim3A : vector<10000x1xf32> to vector<10000x128xf32>
    %mul3A_36 = arith.mulf %dot_general3A_34, %mul3A_35 : vector<10000x128xf32>
    %swap3A = arith.constant 0 : index
    %swap3A_37 = arith.constant 0 : index
    %swap3A_38 = vector.load %arg5[%swap3A, %swap3A_37] : memref<10000x128xf32, #tpu.memory_space<vmem>>, vector<10000x128xf32>
    tpu.vector_store %arg5[%swap3A, %swap3A_37], %mul3A_36 {strides = array<i32>} : memref<10000x128xf32, #tpu.memory_space<vmem>>, vector<10000x128xf32>,
    return
  }
}

module attributes {stable_mosaic.version = 14 : i64} {
  func.func @_post_body(%arg0: memref<2x10000x128xf32, #tpu.memory_space<vmem>>, %arg1: memref<10000x128xf32, #tpu.memory_space<vmem>>, %arg2: memref<32x10000xf32, #tpu.memory_space<vmem>>, %arg3: memref<1x128xf32, #tpu.memory_space<vmem>>, %arg4: memref<10000x128xf32, #tpu.memory_space<vmem>>) attributes {dimension_semantics = [], scalar_prefetch = 0 : i64, scratch_operands = 0 : i64, tpu.core_type = #tpu.core_type<tc>} {
    %get3A = arith.constant 0 : index
    %get3A_0 = arith.constant 0 : index
    %get3A_1 = vector.load %arg2[%get3A, %get3A_0] : memref<32x10000xf32, #tpu.memory_space<vmem>>, vector<32x10000xf32>
    %reduce_sum3A = arith.constant dense<0.000000e+00> : vector<10000xf32>
    %reduce_sum3A_2 = vector.multi_reduction <add>, %get3A_1, %reduce_sum3A [0] : vector<32x10000xf32> to vector<10000xf32>
    %add3A = arith.constant 1.000000e+00 : f32
    %add3A_3 = vector.broadcast %add3A : f32 to vector<10000xf32>
    %add3A_4 = arith.addf %reduce_sum3A_2, %add3A_3 : vector<10000xf32>
    %max3A = arith.constant 1.000000e+00 : f32
    %max3A_5 = vector.broadcast %max3A : f32 to vector<10000xf32>
    %max3A_6 = arith.maximumf %add3A_4, %max3A_5 : vector<10000xf32>
    %rsqrt3A = math.rsqrt %max3A_6 : vector<10000xf32>
    %broadcast_in_dim3A = vector.shape_cast %rsqrt3A : vector<10000xf32> to vector<10000x1xf32>
    %get3A_7 = arith.constant 0 : index
    %get3A_8 = arith.constant 0 : index
    %get3A_9 = arith.constant 0 : index
    %get3A_10 = vector.load %arg0[%get3A_7, %get3A_8, %get3A_9] : memref<2x10000x128xf32, #tpu.memory_space<vmem>>, vector<1x10000x128xf32>
    %get3A_11 = vector.shape_cast %get3A_10 : vector<1x10000x128xf32> to vector<10000x128xf32>
    %get3A_12 = arith.constant 1 : index
    %get3A_13 = arith.constant 0 : index
    %get3A_14 = arith.constant 0 : index
    %get3A_15 = vector.load %arg0[%get3A_12, %get3A_13, %get3A_14] : memref<2x10000x128xf32, #tpu.memory_space<vmem>>, vector<1x10000x128xf32>
    %get3A_16 = vector.shape_cast %get3A_15 : vector<1x10000x128xf32> to vector<10000x128xf32>
    %add3A_17 = arith.addf %get3A_11, %get3A_16 : vector<10000x128xf32>
    %get3A_18 = arith.constant 0 : index
    %get3A_19 = arith.constant 0 : index
    %get3A_20 = vector.load %arg1[%get3A_18, %get3A_19] : memref<10000x128xf32, #tpu.memory_space<vmem>>, vector<10000x128xf32>
    %add3A_21 = arith.addf %add3A_17, %get3A_20 : vector<10000x128xf32>
    %mul3A = vector.broadcast %broadcast_in_dim3A : vector<10000x1xf32> to vector<10000x128xf32>
    %mul3A_22 = arith.mulf %add3A_21, %mul3A : vector<10000x128xf32>
    %get3A_23 = arith.constant 0 : index
    %get3A_24 = arith.constant 0 : index
    %get3A_25 = vector.load %arg3[%get3A_23, %get3A_24] : memref<1x128xf32, #tpu.memory_space<vmem>>, vector<1x128xf32>
    %add3A_26 = vector.broadcast %get3A_25 : vector<1x128xf32> to vector<10000x128xf32>
    %add3A_27 = arith.addf %mul3A_22, %add3A_26 : vector<10000x128xf32>
    %swap3A = arith.constant 0 : index
    %swap3A_28 = arith.constant 0 : index
    %swap3A_29 = vector.load %arg4[%swap3A, %swap3A_28] : memref<10000x128xf32, #tpu.memory_space<vmem>>, vector<10000x128xf32>
    tpu.vector_store %arg4[%swap3A, %swap3A_28], %add3A_27 {strides = array<i32>} : memref<10000x128xf32, #tpu.memory_space<vmem>>, vector<10000x128xf32>,
    return
  }
}

</mosaic_0001>

<sc_bundles>
// kernel: kernel.11.cloned.1.call-start
scs
__scs_entry_jumppad:
0x0: {  	(pc) =	sbr.rel $0x88, $3  }
0x1: {  	(tag) =	ssettag $0x0;
	lr =	simm.s32 $0x1  }
0x2: {  	[smem:$0x3F9B] =	sst lr;
	_ =	strace $0xD0000000  }
0x3: {  	_ = 	snop  }
0x4: {  	_ = 	snop  }
0x5: {  	_ = 	snop  }
0x6: {  	_ = 	snop  }
0x7: {  	_ = 	snop  }
__scs_overlays_trampoline_lowered:
0x8: {  	[smem:$0x3FAA] =	sst s0  }
0x9: {  	[smem:$0x3FAB] =	sst s1  }
0xa: {  	[smem:$0x3FAC] =	sst s2  }
0xb: {  	[smem:$0x3FAD] =	sst s3  }
0xc: {  	[smem:$0x3FAE] =	sst s4  }
0xd: {  	[smem:$0x3FAF] =	sst s5  }
0xe: {  	[smem:$0x3FB0] =	sst s6  }
0xf: {  	[smem:$0x3FB1] =	sst s7  }
0x10: {  	[smem:$0x3FB2] =	sst s8  }
0x11: {  	[smem:$0x3FB3] =	sst s9;
	s0 =	simm.s32 @!p0 $0x0  }
0x12: {  	s1 =	sld [smem:$0x3F99];
	s0 =	simm.s32 @p0 $0x1  }
0x13: {  	[smem:$0x3FB4] =	sst s0;
	s0 =	simm.s32 @!p1 $0x0  }
0x14: {  	s2 =	sld [smem:$0x3F98];
	s0 =	simm.s32 @p1 $0x1  }
0x15: {  	[smem:$0x3FB5] =	sst s0;
	s0 =	simm.s32 @!p2 $0x0  }
0x16: {  	s3 =	sld [smem:$0x3FDB];
	s0 =	simm.s32 @p2 $0x1  }
0x17: {  	s4 =	simm.s32 $0x1BF5;
	[smem:$0x3FB7] =	sst s0  }
0x18: {  	s0 =	sld [smem:$0x3F9A];
	_ =	swait.ge [sflag:s4], $0x0  }
0x19: {  	s7 =	sld [smem:$0x3F9B]  }
0x1a: {  	s8 =	sadd.s32 $0xFFFFE003, lr  }
0x1b: {  	s9 =	sadd.s32 $0xFFFFFEF7, lr;
	s5 =	simm.s32 $0xFFFFFFFF;
	p2 =	slt.u32 s8, $0xFFFFF086  }
0x1c: {  	p1 =	slt.u32 s9, $0xF7A;
	s5 =	simm.s32 @!p2 $0x0  }
0x1d: {  	s5 =	simm.s32 @p1 $0x1;
	p0 =	seq.s32 s7, s2  }
0x1e: {  	s7 =	smul.u32 @!p0 $0xF7A, s2;
	p2 =	seq.s32 @!p0 s5, $0x0  }
0x1f: {  	s9 =	smul.u32 $0xF7A, s1;
	s8 =	simm.s32 @!p0 $0x1BF5;
	p2 =	por !p2, p0  }
0x20: {  	[sflag:s8] =	ssyncset.s32 @!p0 $0xFFFFF086;
	s6 =	sadd.s32 @!p0 s3, s7;
	s7 =	simm.s32 @!p0 $0x108  }
0x21: {  	s3 =	sadd.s32 s3, s9;
	s6 =	sadd.s32 @!p0 $0x88, s6;
	s7 =	simm.s32 @p2 $0x1082  }
0x22: {  	[simem:s7], [sflag:s8] =	dma.local @!p0 [hbm:s6], $0xF7A  }
0x23: {  	s9 =	sor.u32 $0xD0000000, s2;
	s6 =	simm.s32 $0x108;
	_ =	swait.ge @!p0 [sflag:s8], $0x0  }
0x24: {  	s3 =	sadd.s32 $0x88, s3;
	s6 =	simm.s32 @!p1 $0x1082;
	[sflag:s4] =	ssyncset.s32 $0xFFFFF086  }
0x25: {  	[simem:s6], [sflag:s4] =	dma.local [hbm:s3], $0xF7A  }
0x26: {  	[smem:$0x3F9B] =	sst s1;
	(tag) =	ssettag s2;
	_ =	strace s9  }
0x27: {  	s1 =	sld [smem:$0x3FAB]  }
0x28: {  	s2 =	sld [smem:$0x3FAC]  }
0x29: {  	s4 =	sld [smem:$0x3FAE]  }
0x2a: {  	p0 =	seq.s32 s5, $0x0;
	s5 =	sld [smem:$0x3FAF]  }
0x2b: {  	s6 =	sld [smem:$0x3FB0]  }
0x2c: {  	s7 =	sld [smem:$0x3FB1]  }
0x2d: {  	s3 =	simm.s32 $0x108;
	s8 =	sld [smem:$0x3FB2]  }
0x2e: {  	s3 =	simm.s32 @!p0 $0x1082;
	s9 =	sld [smem:$0x3FB3]  }
0x2f: {  	lr =	sadd.s32 s0, s3;
	s0 =	sld [smem:$0x3FAA]  }
0x30: {  	s3 =	sld [smem:$0x3FAD]  }
0x31: {  	[smem:$0x3FB6] =	sst s10  }
0x32: {  	s10 =	sld [smem:$0x3FB4];
	_ =	sdelay $0x3  }
0x33: {  	p0 =	seq.s32 s10, $0x1;
	s10 =	sld [smem:$0x3FB6];
	_ =	sdelay $0x3  }
0x34: {  	[smem:$0x3FB6] =	sst s10  }
0x35: {  	s10 =	sld [smem:$0x3FB5];
	_ =	sdelay $0x3  }
0x36: {  	p1 =	seq.s32 s10, $0x1;
	s10 =	sld [smem:$0x3FB6];
	_ =	sdelay $0x3  }
0x37: {  	[smem:$0x3FB6] =	sst s10  }
0x38: {  	s10 =	sld [smem:$0x3FB7]  }
0x39: {  	_ = 	snop;
	(pc) =	sbr.ind lr, $3  }
0x3a: {  	_ = 	snop  }
0x3b: {  	_ = 	snop  }
0x3c: {  	p2 =	seq.s32 s10, $0x1;
	s10 =	sld [smem:$0x3FB6]  }
0x3d: {  	_ =	shalt  }
0x3e: {  	_ =	shalt  }
0x3f: {  	_ =	shalt  }
0x40: {  	_ =	shalt  }
0x41: {  	_ =	shalt  }
0x42: {  	_ =	shalt  }
0x43: {  	_ =	shalt  }
0x44: {  	_ =	shalt  }
0x45: {  	_ =	shalt  }
0x46: {  	_ =	shalt  }
0x47: {  	_ =	shalt  }
0x48: {  	_ =	shalt  }
0x49: {  	_ =	shalt  }
0x4a: {  	_ =	shalt  }
0x4b: {  	_ =	shalt  }
0x4c: {  	_ =	shalt  }
0x4d: {  	_ =	shalt  }
0x4e: {  	_ =	shalt  }
0x4f: {  	_ =	shalt  }
0x50: {  	_ =	shalt  }
0x51: {  	_ =	shalt  }
0x52: {  	_ =	shalt  }
0x53: {  	_ =	shalt  }
0x54: {  	_ =	shalt  }
0x55: {  	_ =	shalt  }
0x56: {  	_ =	shalt  }
0x57: {  	_ =	shalt  }
0x58: {  	_ =	shalt  }
0x59: {  	_ =	shalt  }
0x5a: {  	_ =	shalt  }
0x5b: {  	_ =	shalt  }
0x5c: {  	_ =	shalt  }
0x5d: {  	_ =	shalt  }
0x5e: {  	_ =	shalt  }
0x5f: {  	_ =	shalt  }
0x60: {  	_ =	shalt  }
0x61: {  	_ =	shalt  }
0x62: {  	_ =	shalt  }
0x63: {  	_ =	shalt  }
0x64: {  	_ =	shalt  }
0x65: {  	_ =	shalt  }
0x66: {  	_ =	shalt  }
0x67: {  	_ =	shalt  }
0x68: {  	_ =	shalt  }
0x69: {  	_ =	shalt  }
0x6a: {  	_ =	shalt  }
0x6b: {  	_ =	shalt  }
0x6c: {  	_ =	shalt  }
0x6d: {  	_ =	shalt  }
0x6e: {  	_ =	shalt  }
0x6f: {  	_ =	shalt  }
0x70: {  	_ =	shalt  }
0x71: {  	_ =	shalt  }
0x72: {  	_ =	shalt  }
0x73: {  	_ =	shalt  }
0x74: {  	_ =	shalt  }
0x75: {  	_ =	shalt  }
0x76: {  	_ =	shalt  }
0x77: {  	_ =	shalt  }
0x78: {  	_ =	shalt  }
0x79: {  	_ =	shalt  }
0x7a: {  	_ =	shalt  }
0x7b: {  	_ =	shalt  }
0x7c: {  	_ =	shalt  }
0x7d: {  	_ =	shalt  }
0x7e: {  	_ =	shalt  }
0x7f: {  	_ =	shalt  }
0x80: {  	_ =	shalt  }
0x81: {  	_ =	shalt  }
0x82: {  	_ =	shalt  }
0x83: {  	_ =	shalt  }
0x84: {  	_ =	shalt  }
0x85: {  	_ =	shalt  }
0x86: {  	_ =	shalt  }
0x87: {  	_ =	shalt  }
.Lfunc_end0:
.L_simem_size_0:
called_computation.1_lowered:
.L_overlay_start_0:
0x88: {  	s2 =	sld [smem:$0x3FD9]  }
0x89: {  	s3 =	sld [smem:$0x3FFE];
	_ =	sdelay $0x1  }
0x8a: {  	s1 =	srdreg.scid  }
0x8b: {  	s0 =	sand.u32 $0x1, s1  }
0x8c: {  	s17 =	sshll.u32 s0, $0xA;
	s2 =	sadd.s32 s3, s2  }
0x8d: {  	s2 =	sadd.s32 s2, s17  }
0x8e: {  	[smem:$0x3FC2] =	sst s2  }
0x8f: {  	_ = 	snop  }
0x90: {  	s2 =	sld [smem:$0x3FD0];
	(tm) =	ssettm $0x1  }
0x91: {  	s18 =	sld [smem:$0x3FFB];
	_ =	sdelay $0x3  }
0x92: {  	_ =	strace s18  }
0x93: {  	s3 =	sld [smem:$0x3FFC];
	_ =	sdelay $0x3  }
0x94: {  	_ =	strace s3  }
0x95: {  	s3 =	sld [smem:$0x3FFD];
	_ =	sdelay $0x3  }
0x96: {  	_ =	strace s3  }
0x97: {  	_ =	strace $0x8FFFFFFF  }
0x98: {  	s19 =	sld [smem:$0x3FDB];
	_ =	sdelay $0x1  }
0x99: {  	s4 =	simm.s32 $_scs_section_size  }
0x9a: {  	s5 =	simm.s32 $_size__tile_overlayer_lowered;
	s6 =	simm.s32 $_tile_overlayer_lowered  }
0x9b: {  	s22 =	simm.s32 $0x1BFF;
	s21 =	sshll.u32 s6, $0x1;
	s3 =	sadd.s32 s4, s19  }
0x9c: {  	s7 =	simm.s32 $0x0;
	s20 =	sshll.u32 s5, $0x1;
	s5 =	sadd.s32 s21, s3  }
0x9d: {  	[timem:s7], [sflag:s22] =	dma.local [hbm:s5], s20  }
0x9e: {  	_ =	swait.ge [sflag:s22], s20  }
0x9f: {  	s4 =	ssub.s32 $0x0, s20;
	[sflag:s22] =	ssyncset.done $0x0  }
0xa0: {  	[sflag:s22] =	ssyncadd.s32 s4;
	_ =	sdelay $0x1  }
0xa1: {  	s23 =	simm.s32 $0x1B8B  }
0xa2: {  	_ =	swait.ge [sflag:s23], $0x1  }
0xa3: {  	[sflag:s23] =	ssyncset.done $0x0  }
0xa4: {  	s25 =	simm.s32 $0x1B8E;
	s24 =	sld [smem:$0x3FFE];
	[sflag:s23] =	ssyncadd.s32 $0xFFFFFFFF  }
0xa5: {  	s26 =	simm.s32 $execute0_lowered;
	[smem:$0x3FD2] =	sst s25  }
0xa6: {  	s5 =	sshll.u32 s26, $0x1;
	_ =	strace $0x80000049;
	[dreg:$0x1] =	wrdreg $0xFFFFFFFF  }
0xa7: {  	s28 =	simm.s32 $_size_execute0_lowered;
	s3 =	sadd.s32 s3, s5;
	[dreg:$0x0] =	wrdreg $0x0  }
0xa8: {  	s5 =	sshll.u32 s28, $0x1;
	[dreg:$0x2] =	wrdreg s3  }
0xa9: {  	[dreg:$0x3] =	wrdreg s5  }
0xaa: {  	[dreg:$0x4] =	wrdreg $0xC0  }
0xab: {  	_ =	task [dreg:s7], $0x5FFFF  }
0xac: {  	[dreg:$0x1] =	wrdreg $0xFFFFFFFF  }
0xad: {  	[dreg:$0x0] =	wrdreg $0x60  }
0xae: {  	[dreg:$0x2] =	wrdreg s2  }
0xaf: {  	[dreg:$0x3] =	wrdreg s24  }
0xb0: {  	[dreg:$0x4] =	wrdreg $0xB1000  }
0xb1: {  	[dreg:$0x5] =	wrdreg $0x9  }
0xb2: {  	_ =	task.clear_ibuf [dreg:s7], $0x6FFFF;
	_ =	strace $0x90000049  }
0xb3: {  	s29 =	simm.s32 $0x9;
	_ =	strace $0x8000004B  }
0xb4: {  	_ =	swait.ge [sflag:s29], $0x1  }
0xb5: {  	[sflag:s29] =	ssyncadd.s32 $0xFFFFFFFF  }
0xb6: {  	_ =	strace $0x9000004B  }
0xb7: {  	_ =	sfence  }
0xb8: {  	s30 =	sld [smem:$0x0];
	_ =	sdelay $0x2  }
0xb9: {  	s31 =	sshll.u32 s1, $0xD;
	s1 =	sshrl.u32 s1, $0x2  }
0xba: {  	s3 =	sand.u32 $0x4000, s31;
	s1 =	sadd.s32 s1, s30  }
0xbb: {  	s0 =	sor.u32 s3, s0;
	s1 =	sshll.u32 s1, $0x11  }
0xbc: {  	s0 =	sor.u32 s1, s0  }
0xbd: {  	s0 =	sadd.s32 $0x8F2B, s0  }
0xbe: {  	[sflag:s0] =	ssyncadd.remote.s32 $0x1  }
0xbf: {  	_ =	sfence.sel $0xFFFF  }
0xc0: {  	[dreg:$0x0] =	wrdreg $0xFFFFFFFF;
	(pc) =	sbr.abs _section_cstart, $3  }
0xc1: {  	[dreg:$0x1] =	wrdreg $0xFFFFFFFF  }
0xc2: {  	_ =	task.clear_ibuf [dreg:s7], $0x2FFFF;
	_ =	strace $0x9FFFFFFF  }
0xc3: {  	(tm) =	ssettm $0x7FFFFFFF  }
tec
execute0_lowered:
.L_overlay_start_1:
0x0: {  	(tag) =	ssettag $0x1  }
0x1: {  	s1 =	rddreg [dreg:$0x0]  }
0x2: {  	s0 =	rddreg [dreg:$0x1]  }
0x3: {  	s3 =	rddreg [dreg:$0x2]  }
0x4: {  	s2 =	srdreg.scid;
	s11 =	stileid.u32  }
0x5: {  	s5 =	simm.s32 $0x0;
	s28 =	simm.s32 $0x5100;
	s29 =	simm.s32 $0x1  }
0x6: {  	s30 =	simm.s32 $0x2;
	s31 =	simm.s32 $0x2000;
	s2 =	sand.u32 $0x1, s2  }
0x7: {  	s4 =	sshll.u32 s11, $0x1;
	[smem:$0x7FF] =	sst s5;
	s6 =	smul.u32 $0x4E000, s11  }
0x8: {  	s5 =	sadd.s32 $0xCE00, s0;
	s10 =	smul.u32 $0x13800, s11;
	s13 =	sadd.s32 $0x138000, s3  }
0x9: {  	p0 =	sne.s32 s11, $0xF;
	s4 =	sor.u32 s2, s4;
	_ =	strace $0x8000004A  }
0xa: {  	s8 =	ssub.s32 $0x2, s2;
	s2 =	smul.u32 $0x138800, s2;
	s7 =	sshll.u32 s4, $0x4  }
0xb: {  	s6 =	sshrl.u32 s6, $0x2;
	s9 =	sshrl.u32 s8, $0x1;
	s22 =	sshll.u32 s4, $0xB  }
0xc: {  	s6 =	sadd.s32 s6, s3;
	s8 =	ssub.s32 s8, s9;
	s9 =	sadd.s32 s5, s22  }
0xd: {  	s15 =	sshll.u32 s4, $0xE;
	s17 =	sadd.s32 $0x3000, s6;
	[dreg:$0xa] =	wrdreg s9  }
0xe: {  	s7 =	sadd.s32 s7, s0;
	s18 =	sadd.s32 $0x6000, s6;
	[dreg:$0x4] =	wrdreg s17  }
0xf: {  	s0 =	sadd.s32 $0x2CE00, s0;
	s19 =	sadd.s32 $0x9000, s6;
	[dreg:$0x5] =	wrdreg s18  }
0x10: {  	s24 =	sadd.s32 s10, s2;
	s20 =	sadd.s32 $0xC000, s6;
	[dreg:$0x6] =	wrdreg s19  }
0x11: {  	s2 =	sshrl.u32 s2, $0x3;
	s21 =	sadd.s32 $0xF000, s6;
	[dreg:$0x7] =	wrdreg s20  }
0x12: {  	s22 =	simm.s32 $0x2100;
	s12 =	sadd.s32 $0x12000, s6;
	[dreg:$0x8] =	wrdreg s21  }
0x13: {  	s23 =	sadd.s32 $0x10000, s9;
	s25 =	sadd.s32 $0xCA00, s7;
	[dreg:$0x9] =	wrdreg s12  }
0x14: {  	s4 =	sshrl.u32 s24, $0x3;
	s7 =	sadd.s32 $0xCC00, s7;
	[dreg:$0xb] =	wrdreg s23  }
0x15: {  	s26 =	smax.u32 s8, $0x1;
	s24 =	simm.s32 $0x10;
	[dreg:$0xc] =	wrdreg s25  }
0x16: {  	[dreg:$0xd] =	wrdreg s7;
	s4 =	sadd.s32 s0, s4;
	s0 =	sadd.s32 s0, s2  }
0x17: {  	[dreg:$0x10] =	wrdreg s26;
	s23 =	simm.s32 $0x4;
	s25 =	simm.s32 $0x3  }
0x18: {  	s26 =	simm.s32 $0x60;
	[dreg:$0xe] =	wrdreg s4;
	s0 =	sadd.s32 $0x27000, s0  }
0x19: {  	v0 =	vimm.f32 $0.0e+00;
	s2 =	simm.s32 $0x0;
	[dreg:$0xf] =	wrdreg s0;
	s0 =	simm.s32 $0x2080  }
.LBB2_1:
0x1a: {  	s4 =	simm.s32 $0x0;
	s7 =	simm.s32 $0x200  }
.LBB2_2:
0x1b: {  	p1 =	sne.s32 s7, $0xBE00;
	[tilespmem:s4+$0x2170] =	vst v0  }
0x1c: {  	[tilespmem:s4+$0x2100] =	vst v0  }
0x1d: {  	[tilespmem:s4+$0x2110] =	vst v0  }
.Ltmp0:
0x1e: {  	[tilespmem:s4+$0x2120] =	vst v0;
	(pc) =	sbr.rel @p1 .LBB2_2-.Ltmp0, $4  }
0x1f: {  	[tilespmem:s4+$0x2130] =	vst v0  }
0x20: {  	[tilespmem:s4+$0x2140] =	vst v0  }
0x21: {  	[tilespmem:s4+$0x2150] =	vst v0  }
0x22: {  	[tilespmem:s4+$0x2160] =	vst v0;
	s4 =	sshra.s32 s7, $0x2;
	s7 =	sadd.s32 $0x200, s7  }
0x23: {  	[tilespmem:s4+$0x2170] =	vst v0  }
0x24: {  	[tilespmem:s4+$0x2100] =	vst v0  }
0x25: {  	[tilespmem:s4+$0x2110] =	vst v0  }
0x26: {  	[tilespmem:s4+$0x2120] =	vst v0  }
0x27: {  	[tilespmem:s4+$0x2130] =	vst v0  }
0x28: {  	[tilespmem:s4+$0x2140] =	vst v0  }
0x29: {  	[tilespmem:s4+$0x2150] =	vst v0  }
0x2a: {  	[tilespmem:s4+$0x2160] =	vst v0  }
0x2b: {  	[spmem:s6] =	stream.linear.scatter [tilespmem:s22], [sflag:$0x4], $0x3000, $0x38;
	[tilespmem:$0x1E980] =	vst v63  }
0x2c: {  	_ =	swait.ge [sflag:s23], $0x3000  }
0x2d: {  	[sflag:s23] =	ssyncset.done $0x0  }
0x2e: {  	s14 =	rddreg [dreg:$0x4];
	[sflag:s23] =	ssyncadd.s32 $0xFFFFD000  }
0x2f: {  	[spmem:s14] =	stream.linear.scatter [tilespmem:s22], [sflag:$0x4], $0x3000, $0x38;
	[tilespmem:$0x1E980] =	vst v63  }
0x30: {  	_ =	swait.ge [sflag:s23], $0x3000  }
0x31: {  	[sflag:s23] =	ssyncset.done $0x0  }
0x32: {  	s16 =	rddreg [dreg:$0x5];
	[sflag:s23] =	ssyncadd.s32 $0xFFFFD000  }
0x33: {  	[spmem:s16] =	stream.linear.scatter [tilespmem:s22], [sflag:$0x4], $0x3000, $0x38;
	[tilespmem:$0x1E980] =	vst v63  }
0x34: {  	_ =	swait.ge [sflag:s23], $0x3000  }
0x35: {  	[sflag:s23] =	ssyncset.done $0x0  }
0x36: {  	s17 =	rddreg [dreg:$0x6];
	[sflag:s23] =	ssyncadd.s32 $0xFFFFD000  }
0x37: {  	[spmem:s17] =	stream.linear.scatter [tilespmem:s22], [sflag:$0x4], $0x3000, $0x38;
	[tilespmem:$0x1E980] =	vst v63  }
0x38: {  	_ =	swait.ge [sflag:s23], $0x3000  }
0x39: {  	[sflag:s23] =	ssyncset.done $0x0  }
0x3a: {  	s18 =	rddreg [dreg:$0x7];
	[sflag:s23] =	ssyncadd.s32 $0xFFFFD000  }
0x3b: {  	[spmem:s18] =	stream.linear.scatter [tilespmem:s22], [sflag:$0x4], $0x3000, $0x38;
	[tilespmem:$0x1E980] =	vst v63  }
0x3c: {  	_ =	swait.ge [sflag:s23], $0x3000  }
0x3d: {  	[sflag:s23] =	ssyncset.done $0x0  }
0x3e: {  	s19 =	rddreg [dreg:$0x8];
	[sflag:s23] =	ssyncadd.s32 $0xFFFFD000  }
0x3f: {  	[spmem:s19] =	stream.linear.scatter [tilespmem:s22], [sflag:$0x4], $0x3000, $0x38;
	[tilespmem:$0x1E980] =	vst v63  }
0x40: {  	_ =	swait.ge [sflag:s23], $0x3000  }
0x41: {  	[sflag:s23] =	ssyncset.done $0x0  }
0x42: {  	s20 =	rddreg [dreg:$0x9];
	[sflag:s23] =	ssyncadd.s32 $0xFFFFD000  }
0x43: {  	[spmem:s20] =	stream.linear.scatter [tilespmem:s22], [sflag:$0x4], $0x1800, $0x38;
	[tilespmem:$0x1E980] =	vst v63  }
0x44: {  	_ =	swait.ge [sflag:s23], $0x1800  }
0x45: {  	[sflag:s23] =	ssyncset.done $0x0  }
0x46: {  	s4 =	simm.s32 @!p0 $0x2100;
	[sflag:s23] =	ssyncadd.s32 $0xFFFFE800  }
0x47: {  	[spmem:s13] =	stream.linear.scatter @!p0 [tilespmem:s4], [sflag:$0x4], $0x800, $0x38;
	[tilespmem:$0x1E980] =	vst v63  }
0x48: {  	s4 =	simm.s32 @!p0 $0x4  }
0x49: {  	_ =	swait.ge @!p0 [sflag:s4], $0x800  }
0x4a: {  	[sflag:s4] =	ssyncset.done @!p0 $0x0  }
0x4b: {  	[sflag:s4] =	ssyncadd.s32 @!p0 $0xFFFFF800  }
0x4c: {  	[bflag:$0x0] =	sbarrier.arrive $0xFFFF  }
0x4d: {  	s4 =	simm.s32 $0x0;
	s7 =	rddreg [dreg:$0xa]  }
0x4e: {  	[tilespmem:s4], [sflag:$0x3] =	stream.linear.gather [hbm4b:s7+s4], $0x680, $0x38;
	[tilespmem:$0x1E980] =	vst v63  }
0x4f: {  	s8 =	simm.s32 $0x1000;
	s21 =	rddreg [dreg:$0xb];
	s7 =	simm.s32 $0x0  }
0x50: {  	[tilespmem:s8], [sflag:$0x3] =	stream.linear.gather [hbm4b:s21+s4], $0x680, $0x38;
	[tilespmem:$0x1E980] =	vst v63  }
.LBB2_4:
0x51: {  	_ =	swait.ge [sflag:s25], $0x680;
	s8 =	smov.u32 s7;
	s7 =	sadd.s32 $0x1, s7  }
0x52: {  	s20 =	smul.u32 $0xAB, s4;
	s16 =	simm.s32 $0x2;
	s17 =	simm.s32 $0x3  }
0x53: {  	p4 =	por $0x0, $0x0;
	[sflag:s25] =	ssyncset.done $0x0;
	p1 =	seq.s32 s8, $0x7  }
0x54: {  	[sflag:s25] =	ssyncadd.s32 $0xFFFFF980;
	s9 =	sshll.u32 @!p1 s7, $0xB;
	s8 =	sshll.u32 @!p1 s8, $0xB  }
0x55: {  	s11 =	simm.s32 @!p1 $0x0;
	_ =	swait.ge [sflag:s25], $0x680;
	s9 =	sadd.s32 @!p1 s15, s9  }
0x56: {  	s8 =	sand.u32 @!p1 $0x800, s8;
	[sflag:s25] =	ssyncset.done $0x0;
	s9 =	sshrl.u32 @!p1 s9, $0x3  }
0x57: {  	s10 =	sxor.u32 @!p1 $0x800, s8;
	[sflag:s25] =	ssyncadd.s32 $0xFFFFF980;
	s9 =	sadd.s32 @!p1 s5, s9  }
0x58: {  	[tilespmem:s10], [sflag:$0x3] =	stream.linear.gather @!p1 [hbm4b:s9+s11], $0x680, $0x38;
	[tilespmem:$0x1E980] =	vst v63  }
0x59: {  	s8 =	simm.s32 @p1 $0x800;
	s10 =	sor.u32 @!p1 $0x1000, s10;
	s9 =	sadd.s32 @!p1 $0x10000, s9  }
0x5a: {  	[tilespmem:s10], [sflag:$0x3] =	stream.linear.gather @!p1 [hbm4b:s9+s11], $0x680, $0x38;
	[tilespmem:$0x1E980] =	vst v63  }
0x5b: {  	s19 =	sadd.s32 $0x80, s8;
	s9 =	simm.s32 $0x2;
	p1 =	por $0x0, $0x0  }
0x5c: {  	s10 =	sshrl.u32 s20, $0x9;
	s9 =	smul.u32 @!p1 $0xAB, s9;
	p1 =	por p1, p1  }
0x5d: {  	[tilespmem:s22], [sflag:$0x1] =	stream.indirect.gather [hbm4b:s1+s26], $0x80, s8, s26, $0xb8;
	[tilespmem:$0x1E980] =	vst v63  }
0x5e: {  	s12 =	sadd.s32 $0x100, s8;
	s10 =	sand.u32 $0x7F, s10;
	s9 =	sshrl.u32 @!p1 s9, $0x9  }
0x5f: {  	s11 =	sor.u32 $0x1000, s8;
	s10 =	smul.u32 $0x3, s10;
	s9 =	sand.u32 @!p1 $0x7F, s9  }
0x60: {  	p2 =	por @!p1 $0x1, $0x1;
	s20 =	simm.s32 @!p1 $0x60;
	s9 =	smul.u32 @!p1 $0x3, s9  }
0x61: {  	[tilespmem:s28], [sflag:$0x1] =	stream.indirect.gather [hbm4b:s1+s26], $0x80, s19, s26, $0xb8;
	[tilespmem:$0x1E980] =	vst v63  }
0x62: {  	p2 =	por p2, p1;
	s10 =	ssub.s32 $0x0, s10;
	s9 =	ssub.s32 @!p1 $0x2, s9  }
0x63: {  	s14 =	simm.s32 @!p2 $0x2;
	s19 =	smul.u32 @!p4 $0xAB, s17;
	s8 =	sand.u32 @!p1 $0xFF, s9  }
0x64: {  	s21 =	sand.u32 $0xFF, s10;
	_ =	swait.ge @!p2 [sflag:s14], $0x3000;
	s8 =	smul.u32 @!p1 $0xC000, s8  }
0x65: {  	s10 =	sadd.s32 $0x80, s12;
	s21 =	smul.u32 $0xC000, s21;
	[sflag:s14] =	ssyncset.done @!p2 $0x0  }
0x66: {  	[sflag:s14] =	ssyncadd.s32 @!p2 $0xFFFFD000;
	s9 =	simm.s32 $0x1;
	s18 =	sshrl.u32 @!p1 s8, $0x2  }
0x67: {  	s8 =	sadd.s32 $0x80, s11;
	s14 =	sadd.s32 @!p1 $0x2100, s18;
	s18 =	sshrl.u32 s21, $0x2  }
.LBB2_5:
0x68: {  	[tilespmem:s14], [sflag:$0x1] =	stream.indirect.gather @!p1 [hbm4b:s1+s20], $0x80, s12, s20, $0xb8;
	[tilespmem:$0x1E980] =	vst v63  }
0x69: {  	s14 =	smov.u32 s16  }
0x6a: {  	s12 =	smov.u32 s10;
	s20 =	smov.u32 s11;
	p1 =	por p4, p4  }
0x6b: {  	s18 =	sadd.s32 $0x2100, s18;
	s11 =	sshrl.u32 @!p1 s19, $0x9;
	_ =	swait.ge [sflag:s29], $0x3000  }
0x6c: {  	s19 =	smul.u32 $0xAB, s9;
	s11 =	sand.u32 @!p1 $0x7F, s11;
	[sflag:s29] =	ssyncset.done $0x0  }
0x6d: {  	s16 =	sadd.s32 $0x1, s16;
	s21 =	smul.u32 @!p1 $0x3, s11;
	[sflag:s29] =	ssyncadd.s32 $0xFFFFD000  }
0x6e: {  	p2 =	sne.s32 s16, $0xD;
	s19 =	sshrl.u32 s19, $0x9;
	s11 =	smov.u32 s8  }
0x6f: {  	p3 =	seq.s32 @!p1 s9, $0x0;
	s19 =	sand.u32 $0x7F, s19;
	s17 =	ssub.s32 @!p1 s17, s21  }
0x70: {  	p3 =	por p3, p1;
	s19 =	smul.u32 $0x3, s19;
	s17 =	sand.u32 @!p1 $0xFF, s17  }
0x71: {  	s21 =	simm.s32 @!p3 $0x2;
	s17 =	smul.u32 @!p1 $0xC000, s17  }
0x72: {  	s19 =	ssub.s32 s9, s19;
	s9 =	smov.u32 s14  }
0x73: {  	s14 =	sshrl.u32 @!p1 s17, $0x2;
	s17 =	sand.u32 $0xFF, s19  }
0x74: {  	[spmem:s3] =	stream.indirect.scatter.add.f32 [tilespmem:s18], [sflag:$0x2], $0x80, s20, s26, $0xb8;
	[tilespmem:$0x1E980] =	vst v63  }
.Ltmp1:
0x75: {  	_ = 	snop;
	(pc) =	sbr.rel @p2 .LBB2_5-.Ltmp1, $4  }
0x76: {  	s10 =	sadd.s32 $0x80, s10;
	s18 =	smul.u32 $0xC000, s17;
	_ =	swait.ge @!p3 [sflag:s21], $0x3000  }
0x77: {  	s8 =	sadd.s32 $0x80, s8;
	s17 =	sadd.s32 $0x2, s9;
	[sflag:s21] =	ssyncset.done @!p3 $0x0  }
0x78: {  	p4 =	sgt.u32 s9, $0xA;
	s14 =	sadd.s32 @!p1 $0x2100, s14;
	[sflag:s21] =	ssyncadd.s32 @!p3 $0xFFFFD000  }
0x79: {  	s20 =	simm.s32 @!p1 $0x60;
	s19 =	smul.u32 @!p4 $0xAB, s17;
	s18 =	sshrl.u32 s18, $0x2  }
0x7a: {  	[tilespmem:s14], [sflag:$0x1] =	stream.indirect.gather @!p1 [hbm4b:s1+s20], $0x80, s12, s20, $0xb8;
	[tilespmem:$0x1E980] =	vst v63  }
0x7b: {  	p1 =	por p4, p4;
	s20 =	smul.u32 $0xAB, s9  }
0x7c: {  	s16 =	sadd.s32 $0x2100, s18;
	s12 =	sshrl.u32 @!p1 s19, $0x9;
	_ =	swait.ge [sflag:s29], $0x3000  }
0x7d: {  	s12 =	sand.u32 @!p1 $0x7F, s12;
	s14 =	sshrl.u32 s20, $0x9;
	[sflag:s29] =	ssyncset.done $0x0  }
0x7e: {  	s12 =	smul.u32 @!p1 $0x3, s12;
	s14 =	sand.u32 $0x7F, s14;
	[sflag:s29] =	ssyncadd.s32 $0xFFFFD000  }
0x7f: {  	[spmem:s3] =	stream.indirect.scatter.add.f32 [tilespmem:s16], [sflag:$0x2], $0x80, s11, s26, $0xb8;
	[tilespmem:$0x1E980] =	vst v63  }
0x80: {  	p2 =	seq.s32 @!p1 s9, $0x0;
	s14 =	smul.u32 $0x3, s14;
	s12 =	ssub.s32 @!p1 s17, s12  }
0x81: {  	p2 =	por p2, p1;
	s12 =	sand.u32 @!p1 $0xFF, s12  }
0x82: {  	s17 =	simm.s32 @!p2 $0x2;
	s21 =	ssub.s32 s9, s14;
	s12 =	smul.u32 @!p1 $0xC000, s12  }
0x83: {  	_ =	swait.ge @!p2 [sflag:s17], $0x3000;
	s9 =	sand.u32 $0xFF, s21  }
0x84: {  	[sflag:s17] =	ssyncset.done @!p2 $0x0;
	s9 =	smul.u32 $0xC000, s9;
	s11 =	sshrl.u32 @!p1 s12, $0x2  }
0x85: {  	[sflag:s17] =	ssyncadd.s32 @!p2 $0xFFFFD000;
	s12 =	simm.s32 @!p1 $0x60;
	s11 =	sadd.s32 @!p1 $0x2100, s11  }
0x86: {  	[tilespmem:s11], [sflag:$0x1] =	stream.indirect.gather @!p1 [hbm4b:s1+s12], $0x80, s10, s12, $0xb8;
	[tilespmem:$0x1E980] =	vst v63  }
0x87: {  	_ =	swait.ge [sflag:s29], $0x3000  }
0x88: {  	s9 =	sshrl.u32 s9, $0x2;
	[sflag:s29] =	ssyncset.done $0x0  }
0x89: {  	s9 =	sadd.s32 $0x2100, s9;
	[sflag:s29] =	ssyncadd.s32 $0xFFFFD000  }
0x8a: {  	[spmem:s3] =	stream.indirect.scatter.add.f32 [tilespmem:s9], [sflag:$0x2], $0x80, s8, s26, $0xb8;
	[tilespmem:$0x1E980] =	vst v63  }
0x8b: {  	_ =	swait.ge [sflag:s30], $0x3000  }
0x8c: {  	[sflag:s30] =	ssyncset.done $0x0  }
0x8d: {  	[sflag:s30] =	ssyncadd.s32 $0xFFFFD000  }
0x8e: {  	p1 =	sne.s32 s7, $0x8;
	_ =	swait.ge [sflag:s30], $0x3000  }
.Ltmp2:
0x8f: {  	[sflag:s30] =	ssyncset.done $0x0;
	(pc) =	sbr.rel @p1 .LBB2_4-.Ltmp2, $4  }
0x90: {  	[sflag:s30] =	ssyncadd.s32 $0xFFFFD000  }
0x91: {  	_ =	swait.ge [sflag:s30], $0x3000  }
0x92: {  	[sflag:s30] =	ssyncset.done $0x0  }
0x93: {  	[sflag:s30] =	ssyncadd.s32 $0xFFFFD000  }
0x94: {  	s4 =	simm.s32 $0x0;
	s7 =	rddreg [dreg:$0xc]  }
0x95: {  	[tilespmem:s31], [sflag:$0x4] =	stream.linear.gather [hbm4b:s7+s4], $0x80, $0x38;
	[tilespmem:$0x1E980] =	vst v63  }
0x96: {  	_ =	swait.ge [sflag:s23], $0x80  }
0x97: {  	[sflag:s23] =	ssyncset.done $0x0  }
0x98: {  	s18 =	rddreg [dreg:$0xd];
	[sflag:s23] =	ssyncadd.s32 $0xFFFFFF80  }
0x99: {  	[tilespmem:s0], [sflag:$0x4] =	stream.linear.gather [hbm4b:s18+s4], $0x80, $0x38;
	[tilespmem:$0x1E980] =	vst v63  }
0x9a: {  	_ =	swait.ge [sflag:s23], $0x80  }
0x9b: {  	[sflag:s23] =	ssyncset.done $0x0  }
0x9c: {  	[sflag:s23] =	ssyncadd.s32 $0xFFFFFF80  }
0x9d: {  	[tilespmem:s22], [sflag:$0x1] =	stream.indirect.gather [hbm4b:s1+s24], $0x80, s31, s24, $0xb8;
	[tilespmem:$0x1E980] =	vst v63  }
0x9e: {  	_ =	swait.ge [sflag:s29], $0x800  }
0x9f: {  	[sflag:s29] =	ssyncset.done $0x0  }
0xa0: {  	[sflag:s29] =	ssyncadd.s32 $0xFFFFF800  }
0xa1: {  	[spmem:s3] =	stream.indirect.scatter.add.f32 [tilespmem:s22], [sflag:$0x4], $0x80, s0, s24, $0xb8;
	[tilespmem:$0x1E980] =	vst v63  }
0xa2: {  	_ =	swait.ge [sflag:s23], $0x800  }
0xa3: {  	[sflag:s23] =	ssyncset.done $0x0  }
0xa4: {  	s19 =	stileid.u32;
	[sflag:s23] =	ssyncadd.s32 $0xFFFFF800  }
0xa5: {  	s4 =	sshll.u32 s19, $0x6;
	[bflag:$0x0] =	sbarrier.arrive $0xFFFF  }
0xa6: {  	s20 =	sshrl.u32 s6, $0x3;
	s4 =	sor.u32 $0x1C04, s4;
	s8 =	rddreg [dreg:$0xe]  }
0xa7: {  	[hbm:s8], [sflag:s4] =	dma.local [spmem:s20], $0x2700  }
0xa8: {  	_ =	swait.ge [sflag:s23], $0x2700  }
0xa9: {  	[sflag:s23] =	ssyncset.done $0x0  }
0xaa: {  	s7 =	sshrl.u32 @!p0 s13, $0x3;
	s8 =	rddreg [dreg:$0xf];
	[sflag:s23] =	ssyncadd.s32 $0xFFFFD900  }
0xab: {  	[hbm:s8], [sflag:s4] =	dma.local @!p0 [spmem:s7], $0x100  }
0xac: {  	s4 =	simm.s32 @!p0 $0x4  }
0xad: {  	_ =	swait.ge @!p0 [sflag:s4], $0x100  }
0xae: {  	s2 =	sadd.s32 $0x1, s2;
	s21 =	rddreg [dreg:$0x10]  }
0xaf: {  	p1 =	sne.s32 s2, s21  }
.Ltmp3:
0xb0: {  	_ = 	snop;
	(pc) =	sbr.rel @p1 .LBB2_1-.Ltmp3, $3  }
0xb1: {  	_ =	sdelay $0x1  }
0xb2: {  	[sflag:s4] =	ssyncset.done @!p0 $0x0  }
0xb3: {  	[sflag:s4] =	ssyncadd.s32 @!p0 $0xFFFFFF00  }
0xb4: {  	_ =	sfence.sel $0x180000  }
0xb5: {  	[bflag:$0x0] =	sbarrier.arrive $0xFFFF  }
0xb6: {  	_ =	strace $0x9000004A  }
0xb7: {  	s0 =	stileid.u32;
	[bflag:$0x2] =	sbarrier.arrive $0xFFFF  }
0xb8: {  	p0 =	sne.s32 s0, $0x0;
	s0 =	rddreg [dreg:$0x3]  }
0xb9: {  	s0 =	sadd.s32 @!p0 $0x100000, s0  }
0xba: {  	[sflag:s0] =	ssyncadd.tile.s32 @!p0 $0x1;
	_ =	shalt  }
.Lfunc_end2:
_tile_overlayer_lowered:
.L_overlay_start_2:
0xbb: {  	(tag) =	ssettag $0x2  }
0xbc: {  	s0 =	rddreg [dreg:$0x0];
	s2 =	stileid.u32  }
0xbd: {  	s1 =	rddreg [dreg:$0x1];
	p0 =	sne.s32 s2, $0x0  }
0xbe: {  	s3 =	rddreg [dreg:$0x2];
	[bflag:$0x3] =	sbarrier.arrive $0xFFFF;
	s2 =	simm.s32 @!p0 $0x1C04  }
0xbf: {  	[timem:s3], [sflag:s2] =	dma.local @!p0 [hbm:s0], s1  }
0xc0: {  	s0 =	simm.s32 @!p0 $0x4  }
0xc1: {  	_ =	swait.ge @!p0 [sflag:s0], s1  }
0xc2: {  	s1 =	ssub.s32 @!p0 $0x0, s1;
	[sflag:s0] =	ssyncset.done @!p0 $0x0  }
0xc3: {  	[sflag:s0] =	ssyncadd.s32 @!p0 s1  }
0xc4: {  	[bflag:$0x3] =	sbarrier.arrive $0xFFFF  }
0xc5: {  	_ =	shalt  }

// kernel: kernel.14.cloned.1.call-start
scs
__scs_entry_jumppad:
0x0: {  	(pc) =	sbr.rel $0x88, $3  }
0x1: {  	(tag) =	ssettag $0x0;
	lr =	simm.s32 $0x1  }
0x2: {  	[smem:$0x3F9B] =	sst lr;
	_ =	strace $0xD0000000  }
0x3: {  	_ = 	snop  }
0x4: {  	_ = 	snop  }
0x5: {  	_ = 	snop  }
0x6: {  	_ = 	snop  }
0x7: {  	_ = 	snop  }
__scs_overlays_trampoline_lowered:
0x8: {  	[smem:$0x3FAA] =	sst s0  }
0x9: {  	[smem:$0x3FAB] =	sst s1  }
0xa: {  	[smem:$0x3FAC] =	sst s2  }
0xb: {  	[smem:$0x3FAD] =	sst s3  }
0xc: {  	[smem:$0x3FAE] =	sst s4  }
0xd: {  	[smem:$0x3FAF] =	sst s5  }
0xe: {  	[smem:$0x3FB0] =	sst s6  }
0xf: {  	[smem:$0x3FB1] =	sst s7  }
0x10: {  	[smem:$0x3FB2] =	sst s8  }
0x11: {  	[smem:$0x3FB3] =	sst s9;
	s0 =	simm.s32 @!p0 $0x0  }
0x12: {  	s1 =	sld [smem:$0x3F99];
	s0 =	simm.s32 @p0 $0x1  }
0x13: {  	[smem:$0x3FB4] =	sst s0;
	s0 =	simm.s32 @!p1 $0x0  }
0x14: {  	s2 =	sld [smem:$0x3F98];
	s0 =	simm.s32 @p1 $0x1  }
0x15: {  	[smem:$0x3FB5] =	sst s0;
	s0 =	simm.s32 @!p2 $0x0  }
0x16: {  	s3 =	sld [smem:$0x3FDB];
	s0 =	simm.s32 @p2 $0x1  }
0x17: {  	s4 =	simm.s32 $0x1BF5;
	[smem:$0x3FB7] =	sst s0  }
0x18: {  	s0 =	sld [smem:$0x3F9A];
	_ =	swait.ge [sflag:s4], $0x0  }
0x19: {  	s7 =	sld [smem:$0x3F9B]  }
0x1a: {  	s8 =	sadd.s32 $0xFFFFE003, lr  }
0x1b: {  	s9 =	sadd.s32 $0xFFFFFEF7, lr;
	s5 =	simm.s32 $0xFFFFFFFF;
	p2 =	slt.u32 s8, $0xFFFFF086  }
0x1c: {  	p1 =	slt.u32 s9, $0xF7A;
	s5 =	simm.s32 @!p2 $0x0  }
0x1d: {  	s5 =	simm.s32 @p1 $0x1;
	p0 =	seq.s32 s7, s2  }
0x1e: {  	s7 =	smul.u32 @!p0 $0xF7A, s2;
	p2 =	seq.s32 @!p0 s5, $0x0  }
0x1f: {  	s9 =	smul.u32 $0xF7A, s1;
	s8 =	simm.s32 @!p0 $0x1BF5;
	p2 =	por !p2, p0  }
0x20: {  	[sflag:s8] =	ssyncset.s32 @!p0 $0xFFFFF086;
	s6 =	sadd.s32 @!p0 s3, s7;
	s7 =	simm.s32 @!p0 $0x108  }
0x21: {  	s3 =	sadd.s32 s3, s9;
	s6 =	sadd.s32 @!p0 $0x88, s6;
	s7 =	simm.s32 @p2 $0x1082  }
0x22: {  	[simem:s7], [sflag:s8] =	dma.local @!p0 [hbm:s6], $0xF7A  }
0x23: {  	s9 =	sor.u32 $0xD0000000, s2;
	s6 =	simm.s32 $0x108;
	_ =	swait.ge @!p0 [sflag:s8], $0x0  }
0x24: {  	s3 =	sadd.s32 $0x88, s3;
	s6 =	simm.s32 @!p1 $0x1082;
	[sflag:s4] =	ssyncset.s32 $0xFFFFF086  }
0x25: {  	[simem:s6], [sflag:s4] =	dma.local [hbm:s3], $0xF7A  }
0x26: {  	[smem:$0x3F9B] =	sst s1;
	(tag) =	ssettag s2;
	_ =	strace s9  }
0x27: {  	s1 =	sld [smem:$0x3FAB]  }
0x28: {  	s2 =	sld [smem:$0x3FAC]  }
0x29: {  	s4 =	sld [smem:$0x3FAE]  }
0x2a: {  	p0 =	seq.s32 s5, $0x0;
	s5 =	sld [smem:$0x3FAF]  }
0x2b: {  	s6 =	sld [smem:$0x3FB0]  }
0x2c: {  	s7 =	sld [smem:$0x3FB1]  }
0x2d: {  	s3 =	simm.s32 $0x108;
	s8 =	sld [smem:$0x3FB2]  }
0x2e: {  	s3 =	simm.s32 @!p0 $0x1082;
	s9 =	sld [smem:$0x3FB3]  }
0x2f: {  	lr =	sadd.s32 s0, s3;
	s0 =	sld [smem:$0x3FAA]  }
0x30: {  	s3 =	sld [smem:$0x3FAD]  }
0x31: {  	[smem:$0x3FB6] =	sst s10  }
0x32: {  	s10 =	sld [smem:$0x3FB4];
	_ =	sdelay $0x3  }
0x33: {  	p0 =	seq.s32 s10, $0x1;
	s10 =	sld [smem:$0x3FB6];
	_ =	sdelay $0x3  }
0x34: {  	[smem:$0x3FB6] =	sst s10  }
0x35: {  	s10 =	sld [smem:$0x3FB5];
	_ =	sdelay $0x3  }
0x36: {  	p1 =	seq.s32 s10, $0x1;
	s10 =	sld [smem:$0x3FB6];
	_ =	sdelay $0x3  }
0x37: {  	[smem:$0x3FB6] =	sst s10  }
0x38: {  	s10 =	sld [smem:$0x3FB7]  }
0x39: {  	_ = 	snop;
	(pc) =	sbr.ind lr, $3  }
0x3a: {  	_ = 	snop  }
0x3b: {  	_ = 	snop  }
0x3c: {  	p2 =	seq.s32 s10, $0x1;
	s10 =	sld [smem:$0x3FB6]  }
0x3d: {  	_ =	shalt  }
0x3e: {  	_ =	shalt  }
0x3f: {  	_ =	shalt  }
0x40: {  	_ =	shalt  }
0x41: {  	_ =	shalt  }
0x42: {  	_ =	shalt  }
0x43: {  	_ =	shalt  }
0x44: {  	_ =	shalt  }
0x45: {  	_ =	shalt  }
0x46: {  	_ =	shalt  }
0x47: {  	_ =	shalt  }
0x48: {  	_ =	shalt  }
0x49: {  	_ =	shalt  }
0x4a: {  	_ =	shalt  }
0x4b: {  	_ =	shalt  }
0x4c: {  	_ =	shalt  }
0x4d: {  	_ =	shalt  }
0x4e: {  	_ =	shalt  }
0x4f: {  	_ =	shalt  }
0x50: {  	_ =	shalt  }
0x51: {  	_ =	shalt  }
0x52: {  	_ =	shalt  }
0x53: {  	_ =	shalt  }
0x54: {  	_ =	shalt  }
0x55: {  	_ =	shalt  }
0x56: {  	_ =	shalt  }
0x57: {  	_ =	shalt  }
0x58: {  	_ =	shalt  }
0x59: {  	_ =	shalt  }
0x5a: {  	_ =	shalt  }
0x5b: {  	_ =	shalt  }
0x5c: {  	_ =	shalt  }
0x5d: {  	_ =	shalt  }
0x5e: {  	_ =	shalt  }
0x5f: {  	_ =	shalt  }
0x60: {  	_ =	shalt  }
0x61: {  	_ =	shalt  }
0x62: {  	_ =	shalt  }
0x63: {  	_ =	shalt  }
0x64: {  	_ =	shalt  }
0x65: {  	_ =	shalt  }
0x66: {  	_ =	shalt  }
0x67: {  	_ =	shalt  }
0x68: {  	_ =	shalt  }
0x69: {  	_ =	shalt  }
0x6a: {  	_ =	shalt  }
0x6b: {  	_ =	shalt  }
0x6c: {  	_ =	shalt  }
0x6d: {  	_ =	shalt  }
0x6e: {  	_ =	shalt  }
0x6f: {  	_ =	shalt  }
0x70: {  	_ =	shalt  }
0x71: {  	_ =	shalt  }
0x72: {  	_ =	shalt  }
0x73: {  	_ =	shalt  }
0x74: {  	_ =	shalt  }
0x75: {  	_ =	shalt  }
0x76: {  	_ =	shalt  }
0x77: {  	_ =	shalt  }
0x78: {  	_ =	shalt  }
0x79: {  	_ =	shalt  }
0x7a: {  	_ =	shalt  }
0x7b: {  	_ =	shalt  }
0x7c: {  	_ =	shalt  }
0x7d: {  	_ =	shalt  }
0x7e: {  	_ =	shalt  }
0x7f: {  	_ =	shalt  }
0x80: {  	_ =	shalt  }
0x81: {  	_ =	shalt  }
0x82: {  	_ =	shalt  }
0x83: {  	_ =	shalt  }
0x84: {  	_ =	shalt  }
0x85: {  	_ =	shalt  }
0x86: {  	_ =	shalt  }
0x87: {  	_ =	shalt  }
.Lfunc_end0:
.L_simem_size_0:
called_computation.2_lowered:
.L_overlay_start_0:
0x88: {  	s2 =	sld [smem:$0x3FD9]  }
0x89: {  	s3 =	sld [smem:$0x3FFE];
	_ =	sdelay $0x1  }
0x8a: {  	s1 =	srdreg.scid  }
0x8b: {  	s0 =	sand.u32 $0x1, s1  }
0x8c: {  	s17 =	sshll.u32 s0, $0xA;
	s2 =	sadd.s32 s3, s2  }
0x8d: {  	s2 =	sadd.s32 s2, s17  }
0x8e: {  	[smem:$0x3FC2] =	sst s2  }
0x8f: {  	_ = 	snop  }
0x90: {  	s2 =	sld [smem:$0x3FD0];
	(tm) =	ssettm $0x1  }
0x91: {  	s18 =	sld [smem:$0x3FFB];
	_ =	sdelay $0x3  }
0x92: {  	_ =	strace s18  }
0x93: {  	s3 =	sld [smem:$0x3FFC];
	_ =	sdelay $0x3  }
0x94: {  	_ =	strace s3  }
0x95: {  	s3 =	sld [smem:$0x3FFD];
	_ =	sdelay $0x3  }
0x96: {  	_ =	strace s3  }
0x97: {  	_ =	strace $0x8FFFFFFF  }
0x98: {  	s19 =	sld [smem:$0x3FDB];
	_ =	sdelay $0x1  }
0x99: {  	s4 =	simm.s32 $_scs_section_size  }
0x9a: {  	s5 =	simm.s32 $_size__tile_overlayer_lowered;
	s6 =	simm.s32 $_tile_overlayer_lowered  }
0x9b: {  	s22 =	simm.s32 $0x1BFF;
	s21 =	sshll.u32 s6, $0x1;
	s3 =	sadd.s32 s4, s19  }
0x9c: {  	s7 =	simm.s32 $0x0;
	s20 =	sshll.u32 s5, $0x1;
	s5 =	sadd.s32 s21, s3  }
0x9d: {  	[timem:s7], [sflag:s22] =	dma.local [hbm:s5], s20  }
0x9e: {  	_ =	swait.ge [sflag:s22], s20  }
0x9f: {  	s4 =	ssub.s32 $0x0, s20;
	[sflag:s22] =	ssyncset.done $0x0  }
0xa0: {  	[sflag:s22] =	ssyncadd.s32 s4;
	_ =	sdelay $0x1  }
0xa1: {  	s23 =	simm.s32 $0x1B8B  }
0xa2: {  	_ =	swait.ge [sflag:s23], $0x1  }
0xa3: {  	[sflag:s23] =	ssyncset.done $0x0  }
0xa4: {  	s25 =	simm.s32 $0x1B8E;
	s24 =	sld [smem:$0x3FFE];
	[sflag:s23] =	ssyncadd.s32 $0xFFFFFFFF  }
0xa5: {  	s26 =	simm.s32 $execute0_lowered;
	[smem:$0x3FD2] =	sst s25  }
0xa6: {  	s5 =	sshll.u32 s26, $0x1;
	_ =	strace $0x8000004C;
	[dreg:$0x1] =	wrdreg $0xFFFFFFFF  }
0xa7: {  	s28 =	simm.s32 $_size_execute0_lowered;
	s3 =	sadd.s32 s3, s5;
	[dreg:$0x0] =	wrdreg $0x0  }
0xa8: {  	s5 =	sshll.u32 s28, $0x1;
	[dreg:$0x2] =	wrdreg s3  }
0xa9: {  	[dreg:$0x3] =	wrdreg s5  }
0xaa: {  	[dreg:$0x4] =	wrdreg $0xC0  }
0xab: {  	_ =	task [dreg:s7], $0x5FFFF  }
0xac: {  	[dreg:$0x1] =	wrdreg $0xFFFFFFFF  }
0xad: {  	[dreg:$0x0] =	wrdreg $0x60  }
0xae: {  	[dreg:$0x2] =	wrdreg s2  }
0xaf: {  	[dreg:$0x3] =	wrdreg s24  }
0xb0: {  	[dreg:$0x4] =	wrdreg $0xB1000  }
0xb1: {  	[dreg:$0x5] =	wrdreg $0x9  }
0xb2: {  	_ =	task.clear_ibuf [dreg:s7], $0x6FFFF;
	_ =	strace $0x9000004C  }
0xb3: {  	s29 =	simm.s32 $0x9;
	_ =	strace $0x8000004E  }
0xb4: {  	_ =	swait.ge [sflag:s29], $0x1  }
0xb5: {  	[sflag:s29] =	ssyncadd.s32 $0xFFFFFFFF  }
0xb6: {  	_ =	strace $0x9000004E  }
0xb7: {  	_ =	sfence  }
0xb8: {  	s30 =	sld [smem:$0x0];
	_ =	sdelay $0x2  }
0xb9: {  	s31 =	sshll.u32 s1, $0xD;
	s1 =	sshrl.u32 s1, $0x2  }
0xba: {  	s3 =	sand.u32 $0x4000, s31;
	s1 =	sadd.s32 s1, s30  }
0xbb: {  	s0 =	sor.u32 s3, s0;
	s1 =	sshll.u32 s1, $0x11  }
0xbc: {  	s0 =	sor.u32 s1, s0  }
0xbd: {  	s0 =	sadd.s32 $0x8F2B, s0  }
0xbe: {  	[sflag:s0] =	ssyncadd.remote.s32 $0x1  }
0xbf: {  	_ =	sfence.sel $0xFFFF  }
0xc0: {  	[dreg:$0x0] =	wrdreg $0xFFFFFFFF;
	(pc) =	sbr.abs _section_cstart, $3  }
0xc1: {  	[dreg:$0x1] =	wrdreg $0xFFFFFFFF  }
0xc2: {  	_ =	task.clear_ibuf [dreg:s7], $0x2FFFF;
	_ =	strace $0x9FFFFFFF  }
0xc3: {  	(tm) =	ssettm $0x7FFFFFFF  }
tec
execute0_lowered:
.L_overlay_start_1:
0x0: {  	(tag) =	ssettag $0x1  }
0x1: {  	s1 =	rddreg [dreg:$0x0]  }
0x2: {  	s0 =	rddreg [dreg:$0x1]  }
0x3: {  	s3 =	rddreg [dreg:$0x2]  }
0x4: {  	s2 =	srdreg.scid;
	s11 =	stileid.u32  }
0x5: {  	s5 =	simm.s32 $0x0;
	s28 =	simm.s32 $0x5100;
	s29 =	simm.s32 $0x1  }
0x6: {  	s30 =	simm.s32 $0x2;
	s31 =	simm.s32 $0x2000;
	s2 =	sand.u32 $0x1, s2  }
0x7: {  	s4 =	sshll.u32 s11, $0x1;
	[smem:$0x7FF] =	sst s5;
	s6 =	smul.u32 $0x4E000, s11  }
0x8: {  	s5 =	sadd.s32 $0xCE00, s0;
	s10 =	smul.u32 $0x13800, s11;
	s13 =	sadd.s32 $0x138000, s3  }
0x9: {  	p0 =	sne.s32 s11, $0xF;
	s4 =	sor.u32 s2, s4;
	_ =	strace $0x8000004D  }
0xa: {  	s8 =	ssub.s32 $0x2, s2;
	s2 =	smul.u32 $0x138800, s2;
	s7 =	sshll.u32 s4, $0x4  }
0xb: {  	s6 =	sshrl.u32 s6, $0x2;
	s9 =	sshrl.u32 s8, $0x1;
	s22 =	sshll.u32 s4, $0xB  }
0xc: {  	s6 =	sadd.s32 s6, s3;
	s8 =	ssub.s32 s8, s9;
	s9 =	sadd.s32 s5, s22  }
0xd: {  	s15 =	sshll.u32 s4, $0xE;
	s17 =	sadd.s32 $0x3000, s6;
	[dreg:$0xa] =	wrdreg s9  }
0xe: {  	s7 =	sadd.s32 s7, s0;
	s18 =	sadd.s32 $0x6000, s6;
	[dreg:$0x4] =	wrdreg s17  }
0xf: {  	s0 =	sadd.s32 $0x2CE00, s0;
	s19 =	sadd.s32 $0x9000, s6;
	[dreg:$0x5] =	wrdreg s18  }
0x10: {  	s24 =	sadd.s32 s10, s2;
	s20 =	sadd.s32 $0xC000, s6;
	[dreg:$0x6] =	wrdreg s19  }
0x11: {  	s2 =	sshrl.u32 s2, $0x3;
	s21 =	sadd.s32 $0xF000, s6;
	[dreg:$0x7] =	wrdreg s20  }
0x12: {  	s22 =	simm.s32 $0x2100;
	s12 =	sadd.s32 $0x12000, s6;
	[dreg:$0x8] =	wrdreg s21  }
0x13: {  	s23 =	sadd.s32 $0x10000, s9;
	s25 =	sadd.s32 $0xCA00, s7;
	[dreg:$0x9] =	wrdreg s12  }
0x14: {  	s4 =	sshrl.u32 s24, $0x3;
	s7 =	sadd.s32 $0xCC00, s7;
	[dreg:$0xb] =	wrdreg s23  }
0x15: {  	s26 =	smax.u32 s8, $0x1;
	s24 =	simm.s32 $0x10;
	[dreg:$0xc] =	wrdreg s25  }
0x16: {  	[dreg:$0xd] =	wrdreg s7;
	s4 =	sadd.s32 s0, s4;
	s0 =	sadd.s32 s0, s2  }
0x17: {  	[dreg:$0x10] =	wrdreg s26;
	s23 =	simm.s32 $0x4;
	s25 =	simm.s32 $0x3  }
0x18: {  	s26 =	simm.s32 $0x60;
	[dreg:$0xe] =	wrdreg s4;
	s0 =	sadd.s32 $0x27000, s0  }
0x19: {  	v0 =	vimm.f32 $0.0e+00;
	s2 =	simm.s32 $0x0;
	[dreg:$0xf] =	wrdreg s0;
	s0 =	simm.s32 $0x2080  }
.LBB2_1:
0x1a: {  	s4 =	simm.s32 $0x0;
	s7 =	simm.s32 $0x200  }
.LBB2_2:
0x1b: {  	p1 =	sne.s32 s7, $0xBE00;
	[tilespmem:s4+$0x2170] =	vst v0  }
0x1c: {  	[tilespmem:s4+$0x2100] =	vst v0  }
0x1d: {  	[tilespmem:s4+$0x2110] =	vst v0  }
.Ltmp0:
0x1e: {  	[tilespmem:s4+$0x2120] =	vst v0;
	(pc) =	sbr.rel @p1 .LBB2_2-.Ltmp0, $4  }
0x1f: {  	[tilespmem:s4+$0x2130] =	vst v0  }
0x20: {  	[tilespmem:s4+$0x2140] =	vst v0  }
0x21: {  	[tilespmem:s4+$0x2150] =	vst v0  }
0x22: {  	[tilespmem:s4+$0x2160] =	vst v0;
	s4 =	sshra.s32 s7, $0x2;
	s7 =	sadd.s32 $0x200, s7  }
0x23: {  	[tilespmem:s4+$0x2170] =	vst v0  }
0x24: {  	[tilespmem:s4+$0x2100] =	vst v0  }
0x25: {  	[tilespmem:s4+$0x2110] =	vst v0  }
0x26: {  	[tilespmem:s4+$0x2120] =	vst v0  }
0x27: {  	[tilespmem:s4+$0x2130] =	vst v0  }
0x28: {  	[tilespmem:s4+$0x2140] =	vst v0  }
0x29: {  	[tilespmem:s4+$0x2150] =	vst v0  }
0x2a: {  	[tilespmem:s4+$0x2160] =	vst v0  }
0x2b: {  	[spmem:s6] =	stream.linear.scatter [tilespmem:s22], [sflag:$0x4], $0x3000, $0x38;
	[tilespmem:$0x1E980] =	vst v63  }
0x2c: {  	_ =	swait.ge [sflag:s23], $0x3000  }
0x2d: {  	[sflag:s23] =	ssyncset.done $0x0  }
0x2e: {  	s14 =	rddreg [dreg:$0x4];
	[sflag:s23] =	ssyncadd.s32 $0xFFFFD000  }
0x2f: {  	[spmem:s14] =	stream.linear.scatter [tilespmem:s22], [sflag:$0x4], $0x3000, $0x38;
	[tilespmem:$0x1E980] =	vst v63  }
0x30: {  	_ =	swait.ge [sflag:s23], $0x3000  }
0x31: {  	[sflag:s23] =	ssyncset.done $0x0  }
0x32: {  	s16 =	rddreg [dreg:$0x5];
	[sflag:s23] =	ssyncadd.s32 $0xFFFFD000  }
0x33: {  	[spmem:s16] =	stream.linear.scatter [tilespmem:s22], [sflag:$0x4], $0x3000, $0x38;
	[tilespmem:$0x1E980] =	vst v63  }
0x34: {  	_ =	swait.ge [sflag:s23], $0x3000  }
0x35: {  	[sflag:s23] =	ssyncset.done $0x0  }
0x36: {  	s17 =	rddreg [dreg:$0x6];
	[sflag:s23] =	ssyncadd.s32 $0xFFFFD000  }
0x37: {  	[spmem:s17] =	stream.linear.scatter [tilespmem:s22], [sflag:$0x4], $0x3000, $0x38;
	[tilespmem:$0x1E980] =	vst v63  }
0x38: {  	_ =	swait.ge [sflag:s23], $0x3000  }
0x39: {  	[sflag:s23] =	ssyncset.done $0x0  }
0x3a: {  	s18 =	rddreg [dreg:$0x7];
	[sflag:s23] =	ssyncadd.s32 $0xFFFFD000  }
0x3b: {  	[spmem:s18] =	stream.linear.scatter [tilespmem:s22], [sflag:$0x4], $0x3000, $0x38;
	[tilespmem:$0x1E980] =	vst v63  }
0x3c: {  	_ =	swait.ge [sflag:s23], $0x3000  }
0x3d: {  	[sflag:s23] =	ssyncset.done $0x0  }
0x3e: {  	s19 =	rddreg [dreg:$0x8];
	[sflag:s23] =	ssyncadd.s32 $0xFFFFD000  }
0x3f: {  	[spmem:s19] =	stream.linear.scatter [tilespmem:s22], [sflag:$0x4], $0x3000, $0x38;
	[tilespmem:$0x1E980] =	vst v63  }
0x40: {  	_ =	swait.ge [sflag:s23], $0x3000  }
0x41: {  	[sflag:s23] =	ssyncset.done $0x0  }
0x42: {  	s20 =	rddreg [dreg:$0x9];
	[sflag:s23] =	ssyncadd.s32 $0xFFFFD000  }
0x43: {  	[spmem:s20] =	stream.linear.scatter [tilespmem:s22], [sflag:$0x4], $0x1800, $0x38;
	[tilespmem:$0x1E980] =	vst v63  }
0x44: {  	_ =	swait.ge [sflag:s23], $0x1800  }
0x45: {  	[sflag:s23] =	ssyncset.done $0x0  }
0x46: {  	s4 =	simm.s32 @!p0 $0x2100;
	[sflag:s23] =	ssyncadd.s32 $0xFFFFE800  }
0x47: {  	[spmem:s13] =	stream.linear.scatter @!p0 [tilespmem:s4], [sflag:$0x4], $0x800, $0x38;
	[tilespmem:$0x1E980] =	vst v63  }
0x48: {  	s4 =	simm.s32 @!p0 $0x4  }
0x49: {  	_ =	swait.ge @!p0 [sflag:s4], $0x800  }
0x4a: {  	[sflag:s4] =	ssyncset.done @!p0 $0x0  }
0x4b: {  	[sflag:s4] =	ssyncadd.s32 @!p0 $0xFFFFF800  }
0x4c: {  	[bflag:$0x0] =	sbarrier.arrive $0xFFFF  }
0x4d: {  	s4 =	simm.s32 $0x0;
	s7 =	rddreg [dreg:$0xa]  }
0x4e: {  	[tilespmem:s4], [sflag:$0x3] =	stream.linear.gather [hbm4b:s7+s4], $0x680, $0x38;
	[tilespmem:$0x1E980] =	vst v63  }
0x4f: {  	s8 =	simm.s32 $0x1000;
	s21 =	rddreg [dreg:$0xb];
	s7 =	simm.s32 $0x0  }
0x50: {  	[tilespmem:s8], [sflag:$0x3] =	stream.linear.gather [hbm4b:s21+s4], $0x680, $0x38;
	[tilespmem:$0x1E980] =	vst v63  }
.LBB2_4:
0x51: {  	_ =	swait.ge [sflag:s25], $0x680;
	s8 =	smov.u32 s7;
	s7 =	sadd.s32 $0x1, s7  }
0x52: {  	s20 =	smul.u32 $0xAB, s4;
	s16 =	simm.s32 $0x2;
	s17 =	simm.s32 $0x3  }
0x53: {  	p4 =	por $0x0, $0x0;
	[sflag:s25] =	ssyncset.done $0x0;
	p1 =	seq.s32 s8, $0x7  }
0x54: {  	[sflag:s25] =	ssyncadd.s32 $0xFFFFF980;
	s9 =	sshll.u32 @!p1 s7, $0xB;
	s8 =	sshll.u32 @!p1 s8, $0xB  }
0x55: {  	s11 =	simm.s32 @!p1 $0x0;
	_ =	swait.ge [sflag:s25], $0x680;
	s9 =	sadd.s32 @!p1 s15, s9  }
0x56: {  	s8 =	sand.u32 @!p1 $0x800, s8;
	[sflag:s25] =	ssyncset.done $0x0;
	s9 =	sshrl.u32 @!p1 s9, $0x3  }
0x57: {  	s10 =	sxor.u32 @!p1 $0x800, s8;
	[sflag:s25] =	ssyncadd.s32 $0xFFFFF980;
	s9 =	sadd.s32 @!p1 s5, s9  }
0x58: {  	[tilespmem:s10], [sflag:$0x3] =	stream.linear.gather @!p1 [hbm4b:s9+s11], $0x680, $0x38;
	[tilespmem:$0x1E980] =	vst v63  }
0x59: {  	s8 =	simm.s32 @p1 $0x800;
	s10 =	sor.u32 @!p1 $0x1000, s10;
	s9 =	sadd.s32 @!p1 $0x10000, s9  }
0x5a: {  	[tilespmem:s10], [sflag:$0x3] =	stream.linear.gather @!p1 [hbm4b:s9+s11], $0x680, $0x38;
	[tilespmem:$0x1E980] =	vst v63  }
0x5b: {  	s19 =	sadd.s32 $0x80, s8;
	s9 =	simm.s32 $0x2;
	p1 =	por $0x0, $0x0  }
0x5c: {  	s10 =	sshrl.u32 s20, $0x9;
	s9 =	smul.u32 @!p1 $0xAB, s9;
	p1 =	por p1, p1  }
0x5d: {  	[tilespmem:s22], [sflag:$0x1] =	stream.indirect.gather [hbm4b:s1+s26], $0x80, s8, s26, $0xb8;
	[tilespmem:$0x1E980] =	vst v63  }
0x5e: {  	s12 =	sadd.s32 $0x100, s8;
	s10 =	sand.u32 $0x7F, s10;
	s9 =	sshrl.u32 @!p1 s9, $0x9  }
0x5f: {  	s11 =	sor.u32 $0x1000, s8;
	s10 =	smul.u32 $0x3, s10;
	s9 =	sand.u32 @!p1 $0x7F, s9  }
0x60: {  	p2 =	por @!p1 $0x1, $0x1;
	s20 =	simm.s32 @!p1 $0x60;
	s9 =	smul.u32 @!p1 $0x3, s9  }
0x61: {  	[tilespmem:s28], [sflag:$0x1] =	stream.indirect.gather [hbm4b:s1+s26], $0x80, s19, s26, $0xb8;
	[tilespmem:$0x1E980] =	vst v63  }
0x62: {  	p2 =	por p2, p1;
	s10 =	ssub.s32 $0x0, s10;
	s9 =	ssub.s32 @!p1 $0x2, s9  }
0x63: {  	s14 =	simm.s32 @!p2 $0x2;
	s19 =	smul.u32 @!p4 $0xAB, s17;
	s8 =	sand.u32 @!p1 $0xFF, s9  }
0x64: {  	s21 =	sand.u32 $0xFF, s10;
	_ =	swait.ge @!p2 [sflag:s14], $0x3000;
	s8 =	smul.u32 @!p1 $0xC000, s8  }
0x65: {  	s10 =	sadd.s32 $0x80, s12;
	s21 =	smul.u32 $0xC000, s21;
	[sflag:s14] =	ssyncset.done @!p2 $0x0  }
0x66: {  	[sflag:s14] =	ssyncadd.s32 @!p2 $0xFFFFD000;
	s9 =	simm.s32 $0x1;
	s18 =	sshrl.u32 @!p1 s8, $0x2  }
0x67: {  	s8 =	sadd.s32 $0x80, s11;
	s14 =	sadd.s32 @!p1 $0x2100, s18;
	s18 =	sshrl.u32 s21, $0x2  }
.LBB2_5:
0x68: {  	[tilespmem:s14], [sflag:$0x1] =	stream.indirect.gather @!p1 [hbm4b:s1+s20], $0x80, s12, s20, $0xb8;
	[tilespmem:$0x1E980] =	vst v63  }
0x69: {  	s14 =	smov.u32 s16  }
0x6a: {  	s12 =	smov.u32 s10;
	s20 =	smov.u32 s11;
	p1 =	por p4, p4  }
0x6b: {  	s18 =	sadd.s32 $0x2100, s18;
	s11 =	sshrl.u32 @!p1 s19, $0x9;
	_ =	swait.ge [sflag:s29], $0x3000  }
0x6c: {  	s19 =	smul.u32 $0xAB, s9;
	s11 =	sand.u32 @!p1 $0x7F, s11;
	[sflag:s29] =	ssyncset.done $0x0  }
0x6d: {  	s16 =	sadd.s32 $0x1, s16;
	s21 =	smul.u32 @!p1 $0x3, s11;
	[sflag:s29] =	ssyncadd.s32 $0xFFFFD000  }
0x6e: {  	p2 =	sne.s32 s16, $0xD;
	s19 =	sshrl.u32 s19, $0x9;
	s11 =	smov.u32 s8  }
0x6f: {  	p3 =	seq.s32 @!p1 s9, $0x0;
	s19 =	sand.u32 $0x7F, s19;
	s17 =	ssub.s32 @!p1 s17, s21  }
0x70: {  	p3 =	por p3, p1;
	s19 =	smul.u32 $0x3, s19;
	s17 =	sand.u32 @!p1 $0xFF, s17  }
0x71: {  	s21 =	simm.s32 @!p3 $0x2;
	s17 =	smul.u32 @!p1 $0xC000, s17  }
0x72: {  	s19 =	ssub.s32 s9, s19;
	s9 =	smov.u32 s14  }
0x73: {  	s14 =	sshrl.u32 @!p1 s17, $0x2;
	s17 =	sand.u32 $0xFF, s19  }
0x74: {  	[spmem:s3] =	stream.indirect.scatter.add.f32 [tilespmem:s18], [sflag:$0x2], $0x80, s20, s26, $0xb8;
	[tilespmem:$0x1E980] =	vst v63  }
.Ltmp1:
0x75: {  	_ = 	snop;
	(pc) =	sbr.rel @p2 .LBB2_5-.Ltmp1, $4  }
0x76: {  	s10 =	sadd.s32 $0x80, s10;
	s18 =	smul.u32 $0xC000, s17;
	_ =	swait.ge @!p3 [sflag:s21], $0x3000  }
0x77: {  	s8 =	sadd.s32 $0x80, s8;
	s17 =	sadd.s32 $0x2, s9;
	[sflag:s21] =	ssyncset.done @!p3 $0x0  }
0x78: {  	p4 =	sgt.u32 s9, $0xA;
	s14 =	sadd.s32 @!p1 $0x2100, s14;
	[sflag:s21] =	ssyncadd.s32 @!p3 $0xFFFFD000  }
0x79: {  	s20 =	simm.s32 @!p1 $0x60;
	s19 =	smul.u32 @!p4 $0xAB, s17;
	s18 =	sshrl.u32 s18, $0x2  }
0x7a: {  	[tilespmem:s14], [sflag:$0x1] =	stream.indirect.gather @!p1 [hbm4b:s1+s20], $0x80, s12, s20, $0xb8;
	[tilespmem:$0x1E980] =	vst v63  }
0x7b: {  	p1 =	por p4, p4;
	s20 =	smul.u32 $0xAB, s9  }
0x7c: {  	s16 =	sadd.s32 $0x2100, s18;
	s12 =	sshrl.u32 @!p1 s19, $0x9;
	_ =	swait.ge [sflag:s29], $0x3000  }
0x7d: {  	s12 =	sand.u32 @!p1 $0x7F, s12;
	s14 =	sshrl.u32 s20, $0x9;
	[sflag:s29] =	ssyncset.done $0x0  }
0x7e: {  	s12 =	smul.u32 @!p1 $0x3, s12;
	s14 =	sand.u32 $0x7F, s14;
	[sflag:s29] =	ssyncadd.s32 $0xFFFFD000  }
0x7f: {  	[spmem:s3] =	stream.indirect.scatter.add.f32 [tilespmem:s16], [sflag:$0x2], $0x80, s11, s26, $0xb8;
	[tilespmem:$0x1E980] =	vst v63  }
0x80: {  	p2 =	seq.s32 @!p1 s9, $0x0;
	s14 =	smul.u32 $0x3, s14;
	s12 =	ssub.s32 @!p1 s17, s12  }
0x81: {  	p2 =	por p2, p1;
	s12 =	sand.u32 @!p1 $0xFF, s12  }
0x82: {  	s17 =	simm.s32 @!p2 $0x2;
	s21 =	ssub.s32 s9, s14;
	s12 =	smul.u32 @!p1 $0xC000, s12  }
0x83: {  	_ =	swait.ge @!p2 [sflag:s17], $0x3000;
	s9 =	sand.u32 $0xFF, s21  }
0x84: {  	[sflag:s17] =	ssyncset.done @!p2 $0x0;
	s9 =	smul.u32 $0xC000, s9;
	s11 =	sshrl.u32 @!p1 s12, $0x2  }
0x85: {  	[sflag:s17] =	ssyncadd.s32 @!p2 $0xFFFFD000;
	s12 =	simm.s32 @!p1 $0x60;
	s11 =	sadd.s32 @!p1 $0x2100, s11  }
0x86: {  	[tilespmem:s11], [sflag:$0x1] =	stream.indirect.gather @!p1 [hbm4b:s1+s12], $0x80, s10, s12, $0xb8;
	[tilespmem:$0x1E980] =	vst v63  }
0x87: {  	_ =	swait.ge [sflag:s29], $0x3000  }
0x88: {  	s9 =	sshrl.u32 s9, $0x2;
	[sflag:s29] =	ssyncset.done $0x0  }
0x89: {  	s9 =	sadd.s32 $0x2100, s9;
	[sflag:s29] =	ssyncadd.s32 $0xFFFFD000  }
0x8a: {  	[spmem:s3] =	stream.indirect.scatter.add.f32 [tilespmem:s9], [sflag:$0x2], $0x80, s8, s26, $0xb8;
	[tilespmem:$0x1E980] =	vst v63  }
0x8b: {  	_ =	swait.ge [sflag:s30], $0x3000  }
0x8c: {  	[sflag:s30] =	ssyncset.done $0x0  }
0x8d: {  	[sflag:s30] =	ssyncadd.s32 $0xFFFFD000  }
0x8e: {  	p1 =	sne.s32 s7, $0x8;
	_ =	swait.ge [sflag:s30], $0x3000  }
.Ltmp2:
0x8f: {  	[sflag:s30] =	ssyncset.done $0x0;
	(pc) =	sbr.rel @p1 .LBB2_4-.Ltmp2, $4  }
0x90: {  	[sflag:s30] =	ssyncadd.s32 $0xFFFFD000  }
0x91: {  	_ =	swait.ge [sflag:s30], $0x3000  }
0x92: {  	[sflag:s30] =	ssyncset.done $0x0  }
0x93: {  	[sflag:s30] =	ssyncadd.s32 $0xFFFFD000  }
0x94: {  	s4 =	simm.s32 $0x0;
	s7 =	rddreg [dreg:$0xc]  }
0x95: {  	[tilespmem:s31], [sflag:$0x4] =	stream.linear.gather [hbm4b:s7+s4], $0x80, $0x38;
	[tilespmem:$0x1E980] =	vst v63  }
0x96: {  	_ =	swait.ge [sflag:s23], $0x80  }
0x97: {  	[sflag:s23] =	ssyncset.done $0x0  }
0x98: {  	s18 =	rddreg [dreg:$0xd];
	[sflag:s23] =	ssyncadd.s32 $0xFFFFFF80  }
0x99: {  	[tilespmem:s0], [sflag:$0x4] =	stream.linear.gather [hbm4b:s18+s4], $0x80, $0x38;
	[tilespmem:$0x1E980] =	vst v63  }
0x9a: {  	_ =	swait.ge [sflag:s23], $0x80  }
0x9b: {  	[sflag:s23] =	ssyncset.done $0x0  }
0x9c: {  	[sflag:s23] =	ssyncadd.s32 $0xFFFFFF80  }
0x9d: {  	[tilespmem:s22], [sflag:$0x1] =	stream.indirect.gather [hbm4b:s1+s24], $0x80, s31, s24, $0xb8;
	[tilespmem:$0x1E980] =	vst v63  }
0x9e: {  	_ =	swait.ge [sflag:s29], $0x800  }
0x9f: {  	[sflag:s29] =	ssyncset.done $0x0  }
0xa0: {  	[sflag:s29] =	ssyncadd.s32 $0xFFFFF800  }
0xa1: {  	[spmem:s3] =	stream.indirect.scatter.add.f32 [tilespmem:s22], [sflag:$0x4], $0x80, s0, s24, $0xb8;
	[tilespmem:$0x1E980] =	vst v63  }
0xa2: {  	_ =	swait.ge [sflag:s23], $0x800  }
0xa3: {  	[sflag:s23] =	ssyncset.done $0x0  }
0xa4: {  	s19 =	stileid.u32;
	[sflag:s23] =	ssyncadd.s32 $0xFFFFF800  }
0xa5: {  	s4 =	sshll.u32 s19, $0x6;
	[bflag:$0x0] =	sbarrier.arrive $0xFFFF  }
0xa6: {  	s20 =	sshrl.u32 s6, $0x3;
	s4 =	sor.u32 $0x1C04, s4;
	s8 =	rddreg [dreg:$0xe]  }
0xa7: {  	[hbm:s8], [sflag:s4] =	dma.local [spmem:s20], $0x2700  }
0xa8: {  	_ =	swait.ge [sflag:s23], $0x2700  }
0xa9: {  	[sflag:s23] =	ssyncset.done $0x0  }
0xaa: {  	s7 =	sshrl.u32 @!p0 s13, $0x3;
	s8 =	rddreg [dreg:$0xf];
	[sflag:s23] =	ssyncadd.s32 $0xFFFFD900  }
0xab: {  	[hbm:s8], [sflag:s4] =	dma.local @!p0 [spmem:s7], $0x100  }
0xac: {  	s4 =	simm.s32 @!p0 $0x4  }
0xad: {  	_ =	swait.ge @!p0 [sflag:s4], $0x100  }
0xae: {  	s2 =	sadd.s32 $0x1, s2;
	s21 =	rddreg [dreg:$0x10]  }
0xaf: {  	p1 =	sne.s32 s2, s21  }
.Ltmp3:
0xb0: {  	_ = 	snop;
	(pc) =	sbr.rel @p1 .LBB2_1-.Ltmp3, $3  }
0xb1: {  	_ =	sdelay $0x1  }
0xb2: {  	[sflag:s4] =	ssyncset.done @!p0 $0x0  }
0xb3: {  	[sflag:s4] =	ssyncadd.s32 @!p0 $0xFFFFFF00  }
0xb4: {  	_ =	sfence.sel $0x180000  }
0xb5: {  	[bflag:$0x0] =	sbarrier.arrive $0xFFFF  }
0xb6: {  	_ =	strace $0x9000004D  }
0xb7: {  	s0 =	stileid.u32;
	[bflag:$0x2] =	sbarrier.arrive $0xFFFF  }
0xb8: {  	p0 =	sne.s32 s0, $0x0;
	s0 =	rddreg [dreg:$0x3]  }
0xb9: {  	s0 =	sadd.s32 @!p0 $0x100000, s0  }
0xba: {  	[sflag:s0] =	ssyncadd.tile.s32 @!p0 $0x1;
	_ =	shalt  }
.Lfunc_end2:
_tile_overlayer_lowered:
.L_overlay_start_2:
0xbb: {  	(tag) =	ssettag $0x2  }
0xbc: {  	s0 =	rddreg [dreg:$0x0];
	s2 =	stileid.u32  }
0xbd: {  	s1 =	rddreg [dreg:$0x1];
	p0 =	sne.s32 s2, $0x0  }
0xbe: {  	s3 =	rddreg [dreg:$0x2];
	[bflag:$0x3] =	sbarrier.arrive $0xFFFF;
	s2 =	simm.s32 @!p0 $0x1C04  }
0xbf: {  	[timem:s3], [sflag:s2] =	dma.local @!p0 [hbm:s0], s1  }
0xc0: {  	s0 =	simm.s32 @!p0 $0x4  }
0xc1: {  	_ =	swait.ge @!p0 [sflag:s0], s1  }
0xc2: {  	s1 =	ssub.s32 @!p0 $0x0, s1;
	[sflag:s0] =	ssyncset.done @!p0 $0x0  }
0xc3: {  	[sflag:s0] =	ssyncadd.s32 @!p0 s1  }
0xc4: {  	[bflag:$0x3] =	sbarrier.arrive $0xFFFF  }
0xc5: {  	_ =	shalt  }

// kernel: kernel.8.cloned.1.call-start
scs
__scs_entry_jumppad:
0x0: {  	(pc) =	sbr.rel $0x88, $3  }
0x1: {  	(tag) =	ssettag $0x0;
	lr =	simm.s32 $0x1  }
0x2: {  	[smem:$0x3F9B] =	sst lr;
	_ =	strace $0xD0000000  }
0x3: {  	_ = 	snop  }
0x4: {  	_ = 	snop  }
0x5: {  	_ = 	snop  }
0x6: {  	_ = 	snop  }
0x7: {  	_ = 	snop  }
__scs_overlays_trampoline_lowered:
0x8: {  	[smem:$0x3FAA] =	sst s0  }
0x9: {  	[smem:$0x3FAB] =	sst s1  }
0xa: {  	[smem:$0x3FAC] =	sst s2  }
0xb: {  	[smem:$0x3FAD] =	sst s3  }
0xc: {  	[smem:$0x3FAE] =	sst s4  }
0xd: {  	[smem:$0x3FAF] =	sst s5  }
0xe: {  	[smem:$0x3FB0] =	sst s6  }
0xf: {  	[smem:$0x3FB1] =	sst s7  }
0x10: {  	[smem:$0x3FB2] =	sst s8  }
0x11: {  	[smem:$0x3FB3] =	sst s9;
	s0 =	simm.s32 @!p0 $0x0  }
0x12: {  	s1 =	sld [smem:$0x3F99];
	s0 =	simm.s32 @p0 $0x1  }
0x13: {  	[smem:$0x3FB4] =	sst s0;
	s0 =	simm.s32 @!p1 $0x0  }
0x14: {  	s2 =	sld [smem:$0x3F98];
	s0 =	simm.s32 @p1 $0x1  }
0x15: {  	[smem:$0x3FB5] =	sst s0;
	s0 =	simm.s32 @!p2 $0x0  }
0x16: {  	s3 =	sld [smem:$0x3FDB];
	s0 =	simm.s32 @p2 $0x1  }
0x17: {  	s4 =	simm.s32 $0x1BF5;
	[smem:$0x3FB7] =	sst s0  }
0x18: {  	s0 =	sld [smem:$0x3F9A];
	_ =	swait.ge [sflag:s4], $0x0  }
0x19: {  	s7 =	sld [smem:$0x3F9B]  }
0x1a: {  	s8 =	sadd.s32 $0xFFFFE003, lr  }
0x1b: {  	s9 =	sadd.s32 $0xFFFFFEF7, lr;
	s5 =	simm.s32 $0xFFFFFFFF;
	p2 =	slt.u32 s8, $0xFFFFF086  }
0x1c: {  	p1 =	slt.u32 s9, $0xF7A;
	s5 =	simm.s32 @!p2 $0x0  }
0x1d: {  	s5 =	simm.s32 @p1 $0x1;
	p0 =	seq.s32 s7, s2  }
0x1e: {  	s7 =	smul.u32 @!p0 $0xF7A, s2;
	p2 =	seq.s32 @!p0 s5, $0x0  }
0x1f: {  	s9 =	smul.u32 $0xF7A, s1;
	s8 =	simm.s32 @!p0 $0x1BF5;
	p2 =	por !p2, p0  }
0x20: {  	[sflag:s8] =	ssyncset.s32 @!p0 $0xFFFFF086;
	s6 =	sadd.s32 @!p0 s3, s7;
	s7 =	simm.s32 @!p0 $0x108  }
0x21: {  	s3 =	sadd.s32 s3, s9;
	s6 =	sadd.s32 @!p0 $0x88, s6;
	s7 =	simm.s32 @p2 $0x1082  }
0x22: {  	[simem:s7], [sflag:s8] =	dma.local @!p0 [hbm:s6], $0xF7A  }
0x23: {  	s9 =	sor.u32 $0xD0000000, s2;
	s6 =	simm.s32 $0x108;
	_ =	swait.ge @!p0 [sflag:s8], $0x0  }
0x24: {  	s3 =	sadd.s32 $0x88, s3;
	s6 =	simm.s32 @!p1 $0x1082;
	[sflag:s4] =	ssyncset.s32 $0xFFFFF086  }
0x25: {  	[simem:s6], [sflag:s4] =	dma.local [hbm:s3], $0xF7A  }
0x26: {  	[smem:$0x3F9B] =	sst s1;
	(tag) =	ssettag s2;
	_ =	strace s9  }
0x27: {  	s1 =	sld [smem:$0x3FAB]  }
0x28: {  	s2 =	sld [smem:$0x3FAC]  }
0x29: {  	s4 =	sld [smem:$0x3FAE]  }
0x2a: {  	p0 =	seq.s32 s5, $0x0;
	s5 =	sld [smem:$0x3FAF]  }
0x2b: {  	s6 =	sld [smem:$0x3FB0]  }
0x2c: {  	s7 =	sld [smem:$0x3FB1]  }
0x2d: {  	s3 =	simm.s32 $0x108;
	s8 =	sld [smem:$0x3FB2]  }
0x2e: {  	s3 =	simm.s32 @!p0 $0x1082;
	s9 =	sld [smem:$0x3FB3]  }
0x2f: {  	lr =	sadd.s32 s0, s3;
	s0 =	sld [smem:$0x3FAA]  }
0x30: {  	s3 =	sld [smem:$0x3FAD]  }
0x31: {  	[smem:$0x3FB6] =	sst s10  }
0x32: {  	s10 =	sld [smem:$0x3FB4];
	_ =	sdelay $0x3  }
0x33: {  	p0 =	seq.s32 s10, $0x1;
	s10 =	sld [smem:$0x3FB6];
	_ =	sdelay $0x3  }
0x34: {  	[smem:$0x3FB6] =	sst s10  }
0x35: {  	s10 =	sld [smem:$0x3FB5];
	_ =	sdelay $0x3  }
0x36: {  	p1 =	seq.s32 s10, $0x1;
	s10 =	sld [smem:$0x3FB6];
	_ =	sdelay $0x3  }
0x37: {  	[smem:$0x3FB6] =	sst s10  }
0x38: {  	s10 =	sld [smem:$0x3FB7]  }
0x39: {  	_ = 	snop;
	(pc) =	sbr.ind lr, $3  }
0x3a: {  	_ = 	snop  }
0x3b: {  	_ = 	snop  }
0x3c: {  	p2 =	seq.s32 s10, $0x1;
	s10 =	sld [smem:$0x3FB6]  }
0x3d: {  	_ =	shalt  }
0x3e: {  	_ =	shalt  }
0x3f: {  	_ =	shalt  }
0x40: {  	_ =	shalt  }
0x41: {  	_ =	shalt  }
0x42: {  	_ =	shalt  }
0x43: {  	_ =	shalt  }
0x44: {  	_ =	shalt  }
0x45: {  	_ =	shalt  }
0x46: {  	_ =	shalt  }
0x47: {  	_ =	shalt  }
0x48: {  	_ =	shalt  }
0x49: {  	_ =	shalt  }
0x4a: {  	_ =	shalt  }
0x4b: {  	_ =	shalt  }
0x4c: {  	_ =	shalt  }
0x4d: {  	_ =	shalt  }
0x4e: {  	_ =	shalt  }
0x4f: {  	_ =	shalt  }
0x50: {  	_ =	shalt  }
0x51: {  	_ =	shalt  }
0x52: {  	_ =	shalt  }
0x53: {  	_ =	shalt  }
0x54: {  	_ =	shalt  }
0x55: {  	_ =	shalt  }
0x56: {  	_ =	shalt  }
0x57: {  	_ =	shalt  }
0x58: {  	_ =	shalt  }
0x59: {  	_ =	shalt  }
0x5a: {  	_ =	shalt  }
0x5b: {  	_ =	shalt  }
0x5c: {  	_ =	shalt  }
0x5d: {  	_ =	shalt  }
0x5e: {  	_ =	shalt  }
0x5f: {  	_ =	shalt  }
0x60: {  	_ =	shalt  }
0x61: {  	_ =	shalt  }
0x62: {  	_ =	shalt  }
0x63: {  	_ =	shalt  }
0x64: {  	_ =	shalt  }
0x65: {  	_ =	shalt  }
0x66: {  	_ =	shalt  }
0x67: {  	_ =	shalt  }
0x68: {  	_ =	shalt  }
0x69: {  	_ =	shalt  }
0x6a: {  	_ =	shalt  }
0x6b: {  	_ =	shalt  }
0x6c: {  	_ =	shalt  }
0x6d: {  	_ =	shalt  }
0x6e: {  	_ =	shalt  }
0x6f: {  	_ =	shalt  }
0x70: {  	_ =	shalt  }
0x71: {  	_ =	shalt  }
0x72: {  	_ =	shalt  }
0x73: {  	_ =	shalt  }
0x74: {  	_ =	shalt  }
0x75: {  	_ =	shalt  }
0x76: {  	_ =	shalt  }
0x77: {  	_ =	shalt  }
0x78: {  	_ =	shalt  }
0x79: {  	_ =	shalt  }
0x7a: {  	_ =	shalt  }
0x7b: {  	_ =	shalt  }
0x7c: {  	_ =	shalt  }
0x7d: {  	_ =	shalt  }
0x7e: {  	_ =	shalt  }
0x7f: {  	_ =	shalt  }
0x80: {  	_ =	shalt  }
0x81: {  	_ =	shalt  }
0x82: {  	_ =	shalt  }
0x83: {  	_ =	shalt  }
0x84: {  	_ =	shalt  }
0x85: {  	_ =	shalt  }
0x86: {  	_ =	shalt  }
0x87: {  	_ =	shalt  }
.Lfunc_end0:
.L_simem_size_0:
called_computation_lowered:
.L_overlay_start_0:
0x88: {  	s2 =	sld [smem:$0x3FD9]  }
0x89: {  	s3 =	sld [smem:$0x3FFE];
	_ =	sdelay $0x1  }
0x8a: {  	s1 =	srdreg.scid  }
0x8b: {  	s0 =	sand.u32 $0x1, s1  }
0x8c: {  	s17 =	sshll.u32 s0, $0xA;
	s2 =	sadd.s32 s3, s2  }
0x8d: {  	s2 =	sadd.s32 s2, s17  }
0x8e: {  	[smem:$0x3FC2] =	sst s2  }
0x8f: {  	_ = 	snop  }
0x90: {  	s2 =	sld [smem:$0x3FD0];
	(tm) =	ssettm $0x1  }
0x91: {  	s18 =	sld [smem:$0x3FFB];
	_ =	sdelay $0x3  }
0x92: {  	_ =	strace s18  }
0x93: {  	s3 =	sld [smem:$0x3FFC];
	_ =	sdelay $0x3  }
0x94: {  	_ =	strace s3  }
0x95: {  	s3 =	sld [smem:$0x3FFD];
	_ =	sdelay $0x3  }
0x96: {  	_ =	strace s3  }
0x97: {  	_ =	strace $0x8FFFFFFF  }
0x98: {  	s19 =	sld [smem:$0x3FDB];
	_ =	sdelay $0x1  }
0x99: {  	s4 =	simm.s32 $_scs_section_size  }
0x9a: {  	s5 =	simm.s32 $_size__tile_overlayer_lowered;
	s6 =	simm.s32 $_tile_overlayer_lowered  }
0x9b: {  	s22 =	simm.s32 $0x1BFF;
	s21 =	sshll.u32 s6, $0x1;
	s3 =	sadd.s32 s4, s19  }
0x9c: {  	s7 =	simm.s32 $0x0;
	s20 =	sshll.u32 s5, $0x1;
	s5 =	sadd.s32 s21, s3  }
0x9d: {  	[timem:s7], [sflag:s22] =	dma.local [hbm:s5], s20  }
0x9e: {  	_ =	swait.ge [sflag:s22], s20  }
0x9f: {  	s4 =	ssub.s32 $0x0, s20;
	[sflag:s22] =	ssyncset.done $0x0  }
0xa0: {  	[sflag:s22] =	ssyncadd.s32 s4;
	_ =	sdelay $0x1  }
0xa1: {  	s23 =	simm.s32 $0x1B8B  }
0xa2: {  	_ =	swait.ge [sflag:s23], $0x1  }
0xa3: {  	[sflag:s23] =	ssyncset.done $0x0  }
0xa4: {  	s25 =	simm.s32 $0x1B8E;
	s24 =	sld [smem:$0x3FFE];
	[sflag:s23] =	ssyncadd.s32 $0xFFFFFFFF  }
0xa5: {  	s26 =	simm.s32 $execute0_lowered;
	[smem:$0x3FD2] =	sst s25  }
0xa6: {  	s5 =	sshll.u32 s26, $0x1;
	_ =	strace $0x80000046;
	[dreg:$0x1] =	wrdreg $0xFFFFFFFF  }
0xa7: {  	s28 =	simm.s32 $_size_execute0_lowered;
	s3 =	sadd.s32 s3, s5;
	[dreg:$0x0] =	wrdreg $0x0  }
0xa8: {  	s5 =	sshll.u32 s28, $0x1;
	[dreg:$0x2] =	wrdreg s3  }
0xa9: {  	[dreg:$0x3] =	wrdreg s5  }
0xaa: {  	[dreg:$0x4] =	wrdreg $0xC0  }
0xab: {  	_ =	task [dreg:s7], $0x5FFFF  }
0xac: {  	[dreg:$0x1] =	wrdreg $0xFFFFFFFF  }
0xad: {  	[dreg:$0x0] =	wrdreg $0x60  }
0xae: {  	[dreg:$0x2] =	wrdreg s2  }
0xaf: {  	[dreg:$0x3] =	wrdreg s24  }
0xb0: {  	[dreg:$0x4] =	wrdreg $0x9  }
0xb1: {  	_ =	task.clear_ibuf [dreg:s7], $0x5FFFF;
	_ =	strace $0x90000046  }
0xb2: {  	s29 =	simm.s32 $0x9;
	_ =	strace $0x80000048  }
0xb3: {  	_ =	swait.ge [sflag:s29], $0x1  }
0xb4: {  	[sflag:s29] =	ssyncadd.s32 $0xFFFFFFFF  }
0xb5: {  	_ =	strace $0x90000048  }
0xb6: {  	_ =	sfence  }
0xb7: {  	s30 =	sld [smem:$0x0];
	_ =	sdelay $0x2  }
0xb8: {  	s31 =	sshll.u32 s1, $0xD;
	s1 =	sshrl.u32 s1, $0x2  }
0xb9: {  	s3 =	sand.u32 $0x4000, s31;
	s1 =	sadd.s32 s1, s30  }
0xba: {  	s0 =	sor.u32 s3, s0;
	s1 =	sshll.u32 s1, $0x11  }
0xbb: {  	s0 =	sor.u32 s1, s0  }
0xbc: {  	s0 =	sadd.s32 $0x8F2B, s0  }
0xbd: {  	[sflag:s0] =	ssyncadd.remote.s32 $0x1  }
0xbe: {  	_ =	sfence.sel $0xFFFF  }
0xbf: {  	[dreg:$0x0] =	wrdreg $0xFFFFFFFF;
	(pc) =	sbr.abs _section_cstart, $3  }
0xc0: {  	[dreg:$0x1] =	wrdreg $0xFFFFFFFF  }
0xc1: {  	_ =	task.clear_ibuf [dreg:s7], $0x2FFFF;
	_ =	strace $0x9FFFFFFF  }
0xc2: {  	(tm) =	ssettm $0x7FFFFFFF  }
0xc3: {  	_ =	shalt  }
tec
execute0_lowered:
.L_overlay_start_1:
0x0: {  	(tag) =	ssettag $0x1  }
0x1: {  	s3 =	rddreg [dreg:$0x0]  }
0x2: {  	s4 =	rddreg [dreg:$0x1]  }
0x3: {  	s0 =	rddreg [dreg:$0x2];
	s2 =	simm.s32 $0x0  }
0x4: {  	s5 =	srdreg.scid;
	s1 =	stileid.u32;
	s9 =	simm.s32 $0x2780  }
0x5: {  	s10 =	simm.s32 $0x0;
	s5 =	sand.u32 $0x1, s5;
	s6 =	sshrl.u32 s1, $0x2  }
0x6: {  	s7 =	sshll.u32 s1, $0x8;
	[smem:$0x7FF] =	sst s2;
	s6 =	smul.u32 $0x13C00, s6  }
0x7: {  	s8 =	sshll.u32 s5, $0x7;
	s7 =	sand.u32 $0x300, s7;
	s5 =	ssub.s32 $0x2, s5  }
0x8: {  	_ =	strace $0x80000047;
	s7 =	sor.u32 s8, s7;
	s31 =	sshrl.u32 s5, $0x1  }
0x9: {  	s8 =	simm.s32 $0x1;
	s6 =	sor.u32 s6, s7;
	s5 =	ssub.s32 s5, s31  }
0xa: {  	s7 =	sshrl.u32 s6, $0x3;
	s6 =	sadd.s32 $0x4F000, s6;
	s5 =	smax.u32 s5, $0x1  }
0xb: {  	s4 =	sadd.s32 s7, s4;
	s6 =	sshrl.u32 s6, $0x3;
	s7 =	simm.s32 $0x400  }
0xc: {  	v0 =	vimm.f32 $0.0e+00;
	v1 =	vimm.f32 $1.000000000e+00;
	s3 =	sadd.s32 s3, s6;
	s4 =	sadd.s32 $0x2C00, s4;
	s6 =	simm.s32 $0x80  }
.LBB2_1:
0xd: {  	[tilespmem:s2], [sflag:$0x1] =	stream.strided.gather [hbm4b:s3+s6], $0x2780, s7, s6, $0x38;
	[tilespmem:$0x4F00] =	vst v63  }
0xe: {  	_ =	swait.ge [sflag:s8], $0x2780  }
0xf: {  	[sflag:s8] =	ssyncset.done $0x0  }
0x10: {  	s11 =	simm.s32 $0x0;
	[sflag:s8] =	ssyncadd.s32 $0xFFFFD880  }
.LBB2_2:
0x11: {  	p0 =	sne.s32 s11, $0x9C00  }
.Ltmp0:
0x12: {  	_ = 	snop;
	(pc) =	sbr.rel @p0 .LBB2_2-.Ltmp0, $3  }
0x13: {  	_ =	sdelay $0x1  }
0x14: {  	s12 =	sshra.s32 s11, $0x2  }
0x15: {  	s11 =	sadd.s32 $0x40, s11;
	[tilespmem:s12+$0x2780] =	vst v0  }
0x16: {  	s12 =	simm.s32 $0x0;
	s11 =	simm.s32 $0x40  }
.LBB2_4:
0x17: {  	p0 =	sne.s32 s11, $0x9C00;
	v2 =	vld [tilespmem:s12+$0x0];
	_ =	sdelay $0x3  }
.Ltmp1:
0x18: {  	(pc) =	sbr.rel @p0 .LBB2_4-.Ltmp1, $2  }
0x19: {  	_ =	sdelay $0x2  }
0x1a: {  	s12 =	sshra.s32 s11, $0x2;
	s11 =	sadd.s32 $0x40, s11;
	[tilespmem:v2+s9+$0x0] =	vst.idx.add.f32.msk $0xffff, v1  }
0x1b: {  	v2 =	vld [tilespmem:s12+$0x0];
	_ =	sdelay $0x5  }
0x1c: {  	s10 =	sadd.s32 $0x1, s10  }
0x1d: {  	p0 =	sne.s32 s10, s5  }
.Ltmp2:
0x1e: {  	[tilespmem:v2+s9+$0x0] =	vst.idx.add.f32.msk $0xffff, v1;
	(pc) =	sbr.rel @p0 .LBB2_1-.Ltmp2, $4  }
0x1f: {  	[hbm4b:s4+s6] =	stream.strided.scatter [tilespmem:s9], [sflag:$0x1], $0x2780, s7, s6, $0x38;
	[tilespmem:$0x4F00] =	vst v63  }
0x20: {  	_ =	swait.ge [sflag:s8], $0x2780  }
0x21: {  	[sflag:s8] =	ssyncset.done $0x0  }
0x22: {  	[sflag:s8] =	ssyncadd.s32 $0xFFFFD880  }
0x23: {  	_ =	sfence.sel $0x180000  }
0x24: {  	[bflag:$0x0] =	sbarrier.arrive $0xFFFF  }
0x25: {  	p0 =	sne.s32 s1, $0x0;
	_ =	strace $0x90000047  }
0x26: {  	s0 =	sadd.s32 @!p0 $0x100000, s0;
	[bflag:$0x2] =	sbarrier.arrive $0xFFFF  }
0x27: {  	[sflag:s0] =	ssyncadd.tile.s32 @!p0 $0x1;
	_ =	shalt  }
.Lfunc_end2:
_tile_overlayer_lowered:
.L_overlay_start_2:
0x28: {  	(tag) =	ssettag $0x2  }
0x29: {  	s0 =	rddreg [dreg:$0x0];
	s2 =	stileid.u32  }
0x2a: {  	s1 =	rddreg [dreg:$0x1];
	p0 =	sne.s32 s2, $0x0  }
0x2b: {  	s3 =	rddreg [dreg:$0x2];
	[bflag:$0x3] =	sbarrier.arrive $0xFFFF;
	s2 =	simm.s32 @!p0 $0x1C01  }
0x2c: {  	[timem:s3], [sflag:s2] =	dma.local @!p0 [hbm:s0], s1  }
0x2d: {  	s0 =	simm.s32 @!p0 $0x1  }
0x2e: {  	_ =	swait.ge @!p0 [sflag:s0], s1  }
0x2f: {  	s1 =	ssub.s32 @!p0 $0x0, s1;
	[sflag:s0] =	ssyncset.done @!p0 $0x0  }
0x30: {  	[sflag:s0] =	ssyncadd.s32 @!p0 s1  }
0x31: {  	[bflag:$0x3] =	sbarrier.arrive $0xFFFF  }
0x32: {  	_ =	shalt  }

</sc_bundles>
